<compile_context>
chip_gen: v7x
topology: tpu7x:2x2x1
jax: 0.10.2.dev20260603
libtpu: 0.0.44.dev20260713+nightly
codegen_flags: <defaults>
</compile_context>

<pallas_src>
import functools
import jax
import jax.numpy as jnp
from jax import lax
from jax.experimental import pallas as pl
from jax.experimental.pallas import tpu as pltpu
from jax.experimental.pallas import tpu_sc as plsc

NW = 32
L = 16
N = 4 * 512 * 512
PER_W = N // NW
CH = 8192
NCHUNK = PER_W // CH
NCOPY = 8
NBIN = 4096
NEG_OFF = -103 * 64
POS_OFF = NEG_OFF + 2048

_mesh = plsc.VectorSubcoreMesh(core_axis_name="c", subcore_axis_name="s")


def _sc_body(pred_hbm, t_hbm, m_hbm, cnt_out, sum_out, pred_c0, t_c0, m_c0,
             pred_c1, t_c1, m_c1, sem0, sem1, *hists):
    wid = lax.axis_index("s") * 2 + lax.axis_index("c")
    base = wid * PER_W
    cs = tuple(zip(hists[:NCOPY], hists[NCOPY:]))

    zeros = jnp.zeros((L,), jnp.float32)

    def zero_hist(i, _):
        o = i * L
        for cv, sv in cs:
            cv[pl.ds(o, L)] = zeros
            sv[pl.ds(o, L)] = zeros
        return 0

    lax.fori_loop(0, NBIN // L, zero_hist, 0, unroll=4)

    ones = jnp.ones((L,), jnp.float32)
    bufs = ((pred_c0, t_c0, m_c0, sem0), (pred_c1, t_c1, m_c1, sem1))

    def start(ch, bset):
        off = base + ch * CH
        return (pltpu.async_copy(pred_hbm.at[pl.ds(off, CH)], bset[0], bset[3]),
                pltpu.async_copy(t_hbm.at[pl.ds(off, CH)], bset[1], bset[3]),
                pltpu.async_copy(m_hbm.at[pl.ds(off, CH)], bset[2], bset[3]))

    def compute(bset):
        pred_c, t_c, m_c = bset[0], bset[1], bset[2]

        def vec(i, _):
            loads = []
            for j in range(NCOPY):
                o = (i * NCOPY + j) * L
                loads.append((pred_c[pl.ds(o, L)], t_c[pl.ds(o, L)],
                              m_c[pl.ds(o, L)]))
            work = []
            for p, t, m in loads:
                tpos = t > 0
                q = jnp.maximum(jnp.where(tpos, p, 1.0 - p),
                                jnp.where(tpos, 1e-7, 1.1920928955078125e-07))
                key = (plsc.bitcast(q, jnp.int32) >> 17) + jnp.where(
                    tpos, POS_OFF, NEG_OFF)
                work.append((key, q, m > 0))
            for (cv, sv), (key, q, msk) in zip(cs, work):
                plsc.addupdate_scatter(cv, [key], ones, mask=msk)
                plsc.addupdate_scatter(sv, [key], q, mask=msk)
            return 0

        lax.fori_loop(0, CH // L // NCOPY, vec, 0)

    handles = start(0, bufs[0])
    for ch in range(NCHUNK):
        nxt = start(ch + 1, bufs[(ch + 1) % 2]) if ch + 1 < NCHUNK else None
        for h in handles:
            h.wait()
        compute(bufs[ch % 2])
        handles = nxt

    def merge(i, _):
        o = i * L
        for group in (hists[:NCOPY], hists[NCOPY:]):
            a = (group[0][pl.ds(o, L)] + group[1][pl.ds(o, L)]) + (
                group[2][pl.ds(o, L)] + group[3][pl.ds(o, L)])
            b = (group[4][pl.ds(o, L)] + group[5][pl.ds(o, L)]) + (
                group[6][pl.ds(o, L)] + group[7][pl.ds(o, L)])
            group[0][pl.ds(o, L)] = a + b
        return 0

    lax.fori_loop(0, NBIN // L, merge, 0, unroll=4)
    pltpu.sync_copy(hists[0], cnt_out.at[wid])
    pltpu.sync_copy(hists[NCOPY], sum_out.at[wid])


_sc_hist = functools.partial(
    pl.kernel, mesh=_mesh,
    out_type=(
        jax.ShapeDtypeStruct((NW, NBIN), jnp.float32),
        jax.ShapeDtypeStruct((NW, NBIN), jnp.float32),
    ),
    scratch_types=[
        pltpu.VMEM((CH,), jnp.float32),
        pltpu.VMEM((CH,), jnp.int32),
        pltpu.VMEM((CH,), jnp.int32),
        pltpu.VMEM((CH,), jnp.float32),
        pltpu.VMEM((CH,), jnp.int32),
        pltpu.VMEM((CH,), jnp.int32),
        pltpu.SemaphoreType.DMA,
        pltpu.SemaphoreType.DMA,
    ] + [pltpu.VMEM((NBIN,), jnp.float32)] * 16,
    compiler_params=pltpu.CompilerParams(needs_layout_passes=False),
)(_sc_body)


def _tc_select_body(cnt_ref, sum_ref, out_ref):
    A = jnp.sum(cnt_ref[...], axis=0)
    Q = jnp.sum(sum_ref[...], axis=0)
    C2 = A[0:16, :]
    Q2 = Q[0:16, :]
    posC = A[16:32, :]
    posQ = Q[16:32, :]
    npos = jnp.sum(posC)
    qm_pos = jnp.where(posC > 0.0, posQ / jnp.maximum(posC, 1.0), 0.5)
    lpos = jnp.sum(posC * -jnp.log(qm_pos))
    qm_neg = jnp.where(C2 > 0.0, Q2 / jnp.maximum(C2, 1.0), 0.5)
    S2 = C2 * -jnp.log(qm_neg)
    hp = jax.lax.Precision.HIGHEST
    M1 = (lax.broadcasted_iota(jnp.int32, (128, 128), 0)
          <= lax.broadcasted_iota(jnp.int32, (128, 128), 1)).astype(jnp.float32)
    PrefC = jnp.dot(C2, M1, preferred_element_type=jnp.float32, precision=hp)
    PrefS = jnp.dot(S2, M1, preferred_element_type=jnp.float32, precision=hp)
    Arr = (lax.broadcasted_iota(jnp.int32, (16, 16), 1)
           < lax.broadcasted_iota(jnp.int32, (16, 16), 0)).astype(jnp.float32)
    RowC = jnp.dot(Arr, PrefC[:, 127:128], preferred_element_type=jnp.float32,
                   precision=hp)
    RowS = jnp.dot(Arr, PrefS[:, 127:128], preferred_element_type=jnp.float32,
                   precision=hp)
    C_geq = RowC + PrefC
    C_above = C_geq - C2
    S_above = RowS + PrefS - S2
    nneg = jnp.sum(C2)
    k = jnp.where(npos > 0.0, jnp.minimum(nneg, 3.0 * npos), 100.0)
    k_eff = jnp.minimum(k, nneg)
    sel = jnp.logical_and(C_above < k_eff, C_geq >= k_eff)
    self32 = jnp.where(sel, 1.0, 0.0) * jnp.where(k_eff > 0.0, 1.0, 0.0)
    cnt_sel = jnp.sum(self32 * C2)
    sum_sel = jnp.sum(self32 * S2)
    C_a = jnp.sum(self32 * C_above)
    S_a = jnp.sum(self32 * S_above)
    mean_sel = sum_sel / jnp.maximum(cnt_sel, 1.0)
    loss_neg = jnp.where(k_eff > 0.0, S_a + (k_eff - C_a) * mean_sel, 0.0)
    loss_neg = loss_neg + jnp.where(k > nneg, (k - nneg) * -1e30, 0.0)
    out_ref[0, 0] = (lpos + loss_neg) / (npos + k)


def _tc_select(cnt2, sum2):
    out = pl.pallas_call(
        _tc_select_body,
        out_specs=pl.BlockSpec(memory_space=pltpu.SMEM),
        out_shape=jax.ShapeDtypeStruct((1, 1), jnp.float32),
    )(cnt2.reshape(NW, 32, 128), sum2.reshape(NW, 32, 128))
    return out[0, 0]


def kernel(pred, target, train_mask):
    cnt2, sum2 = _sc_hist(
        pred.reshape(-1), target.reshape(-1), train_mask.reshape(-1))
    return _tc_select(cnt2, sum2)

# --- scband reference (transcript-rebuilt; emitter-appended) ---
"""Pipeline reference for scband-text-loss-22067541967666 (READ-ONLY COPY).

The authoritative reference and input builder live on the scoring server;
editing this copy changes nothing except your own understanding.
"""

import jax, jax.numpy as jnp
import numpy as np


def _bce(p, t):
    # elementwise binary cross entropy, matching torch.nn.BCELoss(reduce=False)
    p = jnp.clip(p, 1e-7, 1.0 - 1e-7)
    return -(t * jnp.log(p) + (1.0 - t) * jnp.log(1.0 - p))


def setup_inputs(seed: int = 0) -> dict:
    key = jax.random.key(seed)
    k1, k2, k3 = jax.random.split(key, 3)
    pred = jax.random.uniform(k1, (4, 512, 512), dtype=jnp.float32)
    target = jax.random.randint(k2, (4, 512, 512), 0, 2).astype(jnp.int32)
    train_mask = jax.random.randint(k3, (4, 512, 512), 0, 2).astype(jnp.int32)
    return {"pred": pred, "target": target, "train_mask": train_mask}


def reference(pred, target, train_mask):
    # Faithful translation of TextLoss.forward -> cls_ohem (OHEM with topk on negative losses).
    t = target.astype(jnp.float32)
    m = train_mask.astype(jnp.float32)
    pos = (t * m) > 0
    neg = ((1.0 - t) * m) > 0
    negative_ratio = 3

    losses = _bce(pred, t)

    n_pos = jnp.sum(pos).astype(jnp.int32)
    n_neg_avail = jnp.sum(neg).astype(jnp.int32)
    loss_pos = jnp.where(
        n_pos > 0,
        jnp.sum(jnp.where(pos, losses, 0.0)),
        jnp.asarray(0.0, dtype=jnp.float32),
    )
    n_neg = jnp.where(
        n_pos > 0,
        jnp.minimum(n_neg_avail, negative_ratio * n_pos),
        jnp.asarray(100, dtype=jnp.int32),
    )

    neg_losses = jnp.where(neg, losses, -1e30).reshape(-1)
    n_total = neg_losses.shape[0]
    sorted_vals, _ = jax.lax.top_k(neg_losses, n_total)
    keep = jnp.arange(n_total) < n_neg
    loss_neg = jnp.sum(jnp.where(keep, sorted_vals, 0.0))

    cls_loss = (loss_pos + loss_neg) / (n_pos + n_neg).astype(jnp.float32)
    # forward returns alpha * cls_loss with alpha = 1.0
    return cls_loss


if False:  # reference __main__ guard neutralized (emitter)
    out = reference(**setup_inputs())
    print(out)

if __name__ == "__main__":
    import jax
    _d = setup_inputs()
    print(jax.jit(kernel)(*tuple(_d.values())))

</pallas_src>

<mosaic_0001>
#map = affine_map<(d0, d1) -> (0)>
#map1 = affine_map<(d0, d1) -> (0, 0)>
module attributes {stable_mosaic.version = 14 : i64} {
  func.func @_sc_body(%arg0: i32, %arg1: i32, %arg2: memref<1048576xf32, #tpu.memory_space<hbm>>, %arg3: memref<1048576xi32, #tpu.memory_space<hbm>>, %arg4: memref<1048576xi32, #tpu.memory_space<hbm>>, %arg5: memref<32x4096xf32, #tpu.memory_space<hbm>>, %arg6: memref<32x4096xf32, #tpu.memory_space<hbm>>, %arg7: memref<8192xf32, #tpu.memory_space<vmem>>, %arg8: memref<8192xi32, #tpu.memory_space<vmem>>, %arg9: memref<8192xi32, #tpu.memory_space<vmem>>, %arg10: memref<8192xf32, #tpu.memory_space<vmem>>, %arg11: memref<8192xi32, #tpu.memory_space<vmem>>, %arg12: memref<8192xi32, #tpu.memory_space<vmem>>, %arg13: memref<!tpu.dma_semaphore, #tpu.memory_space<semaphore_mem>>, %arg14: memref<!tpu.dma_semaphore, #tpu.memory_space<semaphore_mem>>, %arg15: memref<4096xf32, #tpu.memory_space<vmem>>, %arg16: memref<4096xf32, #tpu.memory_space<vmem>>, %arg17: memref<4096xf32, #tpu.memory_space<vmem>>, %arg18: memref<4096xf32, #tpu.memory_space<vmem>>, %arg19: memref<4096xf32, #tpu.memory_space<vmem>>, %arg20: memref<4096xf32, #tpu.memory_space<vmem>>, %arg21: memref<4096xf32, #tpu.memory_space<vmem>>, %arg22: memref<4096xf32, #tpu.memory_space<vmem>>, %arg23: memref<4096xf32, #tpu.memory_space<vmem>>, %arg24: memref<4096xf32, #tpu.memory_space<vmem>>, %arg25: memref<4096xf32, #tpu.memory_space<vmem>>, %arg26: memref<4096xf32, #tpu.memory_space<vmem>>, %arg27: memref<4096xf32, #tpu.memory_space<vmem>>, %arg28: memref<4096xf32, #tpu.memory_space<vmem>>, %arg29: memref<4096xf32, #tpu.memory_space<vmem>>, %arg30: memref<4096xf32, #tpu.memory_space<vmem>>) attributes {dimension_semantics = [#tpu.dimension_semantics<core_parallel>, #tpu.dimension_semantics<subcore_parallel>], iteration_bounds = array<i64: 2, 16>, scalar_prefetch = 0 : i64, scratch_operands = 24 : i64, tpu.core_type = #tpu.core_type<sc_vector_subcore>, window_params = [{transform_indices = #map}, {transform_indices = #map}, {transform_indices = #map}, {transform_indices = #map1}, {transform_indices = #map1}]} {
    %mul3A = arith.constant 2 : i32
    %mul3A_0 = arith.muli %arg1, %mul3A : i32
    %add3A = arith.addi %mul3A_0, %arg0 : i32
    %mul3A_1 = arith.constant 32768 : i32
    %mul3A_2 = arith.muli %add3A, %mul3A_1 : i32
    %broadcast_in_dim3A = arith.constant 0.000000e+00 : f32
    %broadcast_in_dim3A_3 = vector.broadcast %broadcast_in_dim3A : f32 to vector<16xf32>
    %scan3A = arith.constant 0 : i32
    %scan3A_4 = arith.constant 0 : i32
    %scan3A_5 = arith.constant 256 : i32
    %scan3A_6 = arith.addi %scan3A_4, %scan3A_5 : i32
    %scan3A_7 = arith.constant 4 : i32
    %scan3A_8 = scf.for %scan3A_101 = %scan3A_4 to %scan3A_6 step %scan3A_7 iter_args(%scan3A_102 = %scan3A) -> (i32)  : i32 {
      %mul3A_103 = arith.constant 16 : i32
      %mul3A_104 = arith.muli %scan3A_101, %mul3A_103 : i32
      %swap3A = arith.index_cast %mul3A_104 : i32 to index
      %swap3A_105 = tpu.vector_load %arg15[%swap3A] {strides = array<i32>} : memref<4096xf32, #tpu.memory_space<vmem>>, vector<16xf32>,
      tpu.vector_store %arg15[%swap3A], %broadcast_in_dim3A_3 {strides = array<i32>} : memref<4096xf32, #tpu.memory_space<vmem>>, vector<16xf32>,
      %swap3A_106 = arith.index_cast %mul3A_104 : i32 to index
      %swap3A_107 = tpu.vector_load %arg23[%swap3A_106] {strides = array<i32>} : memref<4096xf32, #tpu.memory_space<vmem>>, vector<16xf32>,
      tpu.vector_store %arg23[%swap3A_106], %broadcast_in_dim3A_3 {strides = array<i32>} : memref<4096xf32, #tpu.memory_space<vmem>>, vector<16xf32>,
      %swap3A_108 = arith.index_cast %mul3A_104 : i32 to index
      %swap3A_109 = tpu.vector_load %arg16[%swap3A_108] {strides = array<i32>} : memref<4096xf32, #tpu.memory_space<vmem>>, vector<16xf32>,
      tpu.vector_store %arg16[%swap3A_108], %broadcast_in_dim3A_3 {strides = array<i32>} : memref<4096xf32, #tpu.memory_space<vmem>>, vector<16xf32>,
      %swap3A_110 = arith.index_cast %mul3A_104 : i32 to index
      %swap3A_111 = tpu.vector_load %arg24[%swap3A_110] {strides = array<i32>} : memref<4096xf32, #tpu.memory_space<vmem>>, vector<16xf32>,
      tpu.vector_store %arg24[%swap3A_110], %broadcast_in_dim3A_3 {strides = array<i32>} : memref<4096xf32, #tpu.memory_space<vmem>>, vector<16xf32>,
      %swap3A_112 = arith.index_cast %mul3A_104 : i32 to index
      %swap3A_113 = tpu.vector_load %arg17[%swap3A_112] {strides = array<i32>} : memref<4096xf32, #tpu.memory_space<vmem>>, vector<16xf32>,
      tpu.vector_store %arg17[%swap3A_112], %broadcast_in_dim3A_3 {strides = array<i32>} : memref<4096xf32, #tpu.memory_space<vmem>>, vector<16xf32>,
      %swap3A_114 = arith.index_cast %mul3A_104 : i32 to index
      %swap3A_115 = tpu.vector_load %arg25[%swap3A_114] {strides = array<i32>} : memref<4096xf32, #tpu.memory_space<vmem>>, vector<16xf32>,
      tpu.vector_store %arg25[%swap3A_114], %broadcast_in_dim3A_3 {strides = array<i32>} : memref<4096xf32, #tpu.memory_space<vmem>>, vector<16xf32>,
      %swap3A_116 = arith.index_cast %mul3A_104 : i32 to index
      %swap3A_117 = tpu.vector_load %arg18[%swap3A_116] {strides = array<i32>} : memref<4096xf32, #tpu.memory_space<vmem>>, vector<16xf32>,
      tpu.vector_store %arg18[%swap3A_116], %broadcast_in_dim3A_3 {strides = array<i32>} : memref<4096xf32, #tpu.memory_space<vmem>>, vector<16xf32>,
      %swap3A_118 = arith.index_cast %mul3A_104 : i32 to index
      %swap3A_119 = tpu.vector_load %arg26[%swap3A_118] {strides = array<i32>} : memref<4096xf32, #tpu.memory_space<vmem>>, vector<16xf32>,
      tpu.vector_store %arg26[%swap3A_118], %broadcast_in_dim3A_3 {strides = array<i32>} : memref<4096xf32, #tpu.memory_space<vmem>>, vector<16xf32>,
      %swap3A_120 = arith.index_cast %mul3A_104 : i32 to index
      %swap3A_121 = tpu.vector_load %arg19[%swap3A_120] {strides = array<i32>} : memref<4096xf32, #tpu.memory_space<vmem>>, vector<16xf32>,
      tpu.vector_store %arg19[%swap3A_120], %broadcast_in_dim3A_3 {strides = array<i32>} : memref<4096xf32, #tpu.memory_space<vmem>>, vector<16xf32>,
      %swap3A_122 = arith.index_cast %mul3A_104 : i32 to index
      %swap3A_123 = tpu.vector_load %arg27[%swap3A_122] {strides = array<i32>} : memref<4096xf32, #tpu.memory_space<vmem>>, vector<16xf32>,
      tpu.vector_store %arg27[%swap3A_122], %broadcast_in_dim3A_3 {strides = array<i32>} : memref<4096xf32, #tpu.memory_space<vmem>>, vector<16xf32>,
      %swap3A_124 = arith.index_cast %mul3A_104 : i32 to index
      %swap3A_125 = tpu.vector_load %arg20[%swap3A_124] {strides = array<i32>} : memref<4096xf32, #tpu.memory_space<vmem>>, vector<16xf32>,
      tpu.vector_store %arg20[%swap3A_124], %broadcast_in_dim3A_3 {strides = array<i32>} : memref<4096xf32, #tpu.memory_space<vmem>>, vector<16xf32>,
      %swap3A_126 = arith.index_cast %mul3A_104 : i32 to index
      %swap3A_127 = tpu.vector_load %arg28[%swap3A_126] {strides = array<i32>} : memref<4096xf32, #tpu.memory_space<vmem>>, vector<16xf32>,
      tpu.vector_store %arg28[%swap3A_126], %broadcast_in_dim3A_3 {strides = array<i32>} : memref<4096xf32, #tpu.memory_space<vmem>>, vector<16xf32>,
      %swap3A_128 = arith.index_cast %mul3A_104 : i32 to index
      %swap3A_129 = tpu.vector_load %arg21[%swap3A_128] {strides = array<i32>} : memref<4096xf32, #tpu.memory_space<vmem>>, vector<16xf32>,
      tpu.vector_store %arg21[%swap3A_128], %broadcast_in_dim3A_3 {strides = array<i32>} : memref<4096xf32, #tpu.memory_space<vmem>>, vector<16xf32>,
      %swap3A_130 = arith.index_cast %mul3A_104 : i32 to index
      %swap3A_131 = tpu.vector_load %arg29[%swap3A_130] {strides = array<i32>} : memref<4096xf32, #tpu.memory_space<vmem>>, vector<16xf32>,
      tpu.vector_store %arg29[%swap3A_130], %broadcast_in_dim3A_3 {strides = array<i32>} : memref<4096xf32, #tpu.memory_space<vmem>>, vector<16xf32>,
      %swap3A_132 = arith.index_cast %mul3A_104 : i32 to index
      %swap3A_133 = tpu.vector_load %arg22[%swap3A_132] {strides = array<i32>} : memref<4096xf32, #tpu.memory_space<vmem>>, vector<16xf32>,
      tpu.vector_store %arg22[%swap3A_132], %broadcast_in_dim3A_3 {strides = array<i32>} : memref<4096xf32, #tpu.memory_space<vmem>>, vector<16xf32>,
      %swap3A_134 = arith.index_cast %mul3A_104 : i32 to index
      %swap3A_135 = tpu.vector_load %arg30[%swap3A_134] {strides = array<i32>} : memref<4096xf32, #tpu.memory_space<vmem>>, vector<16xf32>,
      tpu.vector_store %arg30[%swap3A_134], %broadcast_in_dim3A_3 {strides = array<i32>} : memref<4096xf32, #tpu.memory_space<vmem>>, vector<16xf32>,
      %scan3A_136 = arith.constant 0 : i32
      %scan3A_137 = arith.constant 1 : i32
      %scan3A_138 = arith.addi %scan3A_101, %scan3A_137 : i32
      %mul3A_139 = arith.constant 16 : i32
      %mul3A_140 = arith.muli %scan3A_138, %mul3A_139 : i32
      %swap3A_141 = arith.index_cast %mul3A_140 : i32 to index
      %swap3A_142 = tpu.vector_load %arg15[%swap3A_141] {strides = array<i32>} : memref<4096xf32, #tpu.memory_space<vmem>>, vector<16xf32>,
      tpu.vector_store %arg15[%swap3A_141], %broadcast_in_dim3A_3 {strides = array<i32>} : memref<4096xf32, #tpu.memory_space<vmem>>, vector<16xf32>,
      %swap3A_143 = arith.index_cast %mul3A_140 : i32 to index
      %swap3A_144 = tpu.vector_load %arg23[%swap3A_143] {strides = array<i32>} : memref<4096xf32, #tpu.memory_space<vmem>>, vector<16xf32>,
      tpu.vector_store %arg23[%swap3A_143], %broadcast_in_dim3A_3 {strides = array<i32>} : memref<4096xf32, #tpu.memory_space<vmem>>, vector<16xf32>,
      %swap3A_145 = arith.index_cast %mul3A_140 : i32 to index
      %swap3A_146 = tpu.vector_load %arg16[%swap3A_145] {strides = array<i32>} : memref<4096xf32, #tpu.memory_space<vmem>>, vector<16xf32>,
      tpu.vector_store %arg16[%swap3A_145], %broadcast_in_dim3A_3 {strides = array<i32>} : memref<4096xf32, #tpu.memory_space<vmem>>, vector<16xf32>,
      %swap3A_147 = arith.index_cast %mul3A_140 : i32 to index
      %swap3A_148 = tpu.vector_load %arg24[%swap3A_147] {strides = array<i32>} : memref<4096xf32, #tpu.memory_space<vmem>>, vector<16xf32>,
      tpu.vector_store %arg24[%swap3A_147], %broadcast_in_dim3A_3 {strides = array<i32>} : memref<4096xf32, #tpu.memory_space<vmem>>, vector<16xf32>,
      %swap3A_149 = arith.index_cast %mul3A_140 : i32 to index
      %swap3A_150 = tpu.vector_load %arg17[%swap3A_149] {strides = array<i32>} : memref<4096xf32, #tpu.memory_space<vmem>>, vector<16xf32>,
      tpu.vector_store %arg17[%swap3A_149], %broadcast_in_dim3A_3 {strides = array<i32>} : memref<4096xf32, #tpu.memory_space<vmem>>, vector<16xf32>,
      %swap3A_151 = arith.index_cast %mul3A_140 : i32 to index
      %swap3A_152 = tpu.vector_load %arg25[%swap3A_151] {strides = array<i32>} : memref<4096xf32, #tpu.memory_space<vmem>>, vector<16xf32>,
      tpu.vector_store %arg25[%swap3A_151], %broadcast_in_dim3A_3 {strides = array<i32>} : memref<4096xf32, #tpu.memory_space<vmem>>, vector<16xf32>,
      %swap3A_153 = arith.index_cast %mul3A_140 : i32 to index
      %swap3A_154 = tpu.vector_load %arg18[%swap3A_153] {strides = array<i32>} : memref<4096xf32, #tpu.memory_space<vmem>>, vector<16xf32>,
      tpu.vector_store %arg18[%swap3A_153], %broadcast_in_dim3A_3 {strides = array<i32>} : memref<4096xf32, #tpu.memory_space<vmem>>, vector<16xf32>,
      %swap3A_155 = arith.index_cast %mul3A_140 : i32 to index
      %swap3A_156 = tpu.vector_load %arg26[%swap3A_155] {strides = array<i32>} : memref<4096xf32, #tpu.memory_space<vmem>>, vector<16xf32>,
      tpu.vector_store %arg26[%swap3A_155], %broadcast_in_dim3A_3 {strides = array<i32>} : memref<4096xf32, #tpu.memory_space<vmem>>, vector<16xf32>,
      %swap3A_157 = arith.index_cast %mul3A_140 : i32 to index
      %swap3A_158 = tpu.vector_load %arg19[%swap3A_157] {strides = array<i32>} : memref<4096xf32, #tpu.memory_space<vmem>>, vector<16xf32>,
      tpu.vector_store %arg19[%swap3A_157], %broadcast_in_dim3A_3 {strides = array<i32>} : memref<4096xf32, #tpu.memory_space<vmem>>, vector<16xf32>,
      %swap3A_159 = arith.index_cast %mul3A_140 : i32 to index
      %swap3A_160 = tpu.vector_load %arg27[%swap3A_159] {strides = array<i32>} : memref<4096xf32, #tpu.memory_space<vmem>>, vector<16xf32>,
      tpu.vector_store %arg27[%swap3A_159], %broadcast_in_dim3A_3 {strides = array<i32>} : memref<4096xf32, #tpu.memory_space<vmem>>, vector<16xf32>,
      %swap3A_161 = arith.index_cast %mul3A_140 : i32 to index
      %swap3A_162 = tpu.vector_load %arg20[%swap3A_161] {strides = array<i32>} : memref<4096xf32, #tpu.memory_space<vmem>>, vector<16xf32>,
      tpu.vector_store %arg20[%swap3A_161], %broadcast_in_dim3A_3 {strides = array<i32>} : memref<4096xf32, #tpu.memory_space<vmem>>, vector<16xf32>,
      %swap3A_163 = arith.index_cast %mul3A_140 : i32 to index
      %swap3A_164 = tpu.vector_load %arg28[%swap3A_163] {strides = array<i32>} : memref<4096xf32, #tpu.memory_space<vmem>>, vector<16xf32>,
      tpu.vector_store %arg28[%swap3A_163], %broadcast_in_dim3A_3 {strides = array<i32>} : memref<4096xf32, #tpu.memory_space<vmem>>, vector<16xf32>,
      %swap3A_165 = arith.index_cast %mul3A_140 : i32 to index
      %swap3A_166 = tpu.vector_load %arg21[%swap3A_165] {strides = array<i32>} : memref<4096xf32, #tpu.memory_space<vmem>>, vector<16xf32>,
      tpu.vector_store %arg21[%swap3A_165], %broadcast_in_dim3A_3 {strides = array<i32>} : memref<4096xf32, #tpu.memory_space<vmem>>, vector<16xf32>,
      %swap3A_167 = arith.index_cast %mul3A_140 : i32 to index
      %swap3A_168 = tpu.vector_load %arg29[%swap3A_167] {strides = array<i32>} : memref<4096xf32, #tpu.memory_space<vmem>>, vector<16xf32>,
      tpu.vector_store %arg29[%swap3A_167], %broadcast_in_dim3A_3 {strides = array<i32>} : memref<4096xf32, #tpu.memory_space<vmem>>, vector<16xf32>,
      %swap3A_169 = arith.index_cast %mul3A_140 : i32 to index
      %swap3A_170 = tpu.vector_load %arg22[%swap3A_169] {strides = array<i32>} : memref<4096xf32, #tpu.memory_space<vmem>>, vector<16xf32>,
      tpu.vector_store %arg22[%swap3A_169], %broadcast_in_dim3A_3 {strides = array<i32>} : memref<4096xf32, #tpu.memory_space<vmem>>, vector<16xf32>,
      %swap3A_171 = arith.index_cast %mul3A_140 : i32 to index
      %swap3A_172 = tpu.vector_load %arg30[%swap3A_171] {strides = array<i32>} : memref<4096xf32, #tpu.memory_space<vmem>>, vector<16xf32>,
      tpu.vector_store %arg30[%swap3A_171], %broadcast_in_dim3A_3 {strides = array<i32>} : memref<4096xf32, #tpu.memory_space<vmem>>, vector<16xf32>,
      %scan3A_173 = arith.constant 0 : i32
      %scan3A_174 = arith.constant 2 : i32
      %scan3A_175 = arith.addi %scan3A_101, %scan3A_174 : i32
      %mul3A_176 = arith.constant 16 : i32
      %mul3A_177 = arith.muli %scan3A_175, %mul3A_176 : i32
      %swap3A_178 = arith.index_cast %mul3A_177 : i32 to index
      %swap3A_179 = tpu.vector_load %arg15[%swap3A_178] {strides = array<i32>} : memref<4096xf32, #tpu.memory_space<vmem>>, vector<16xf32>,
      tpu.vector_store %arg15[%swap3A_178], %broadcast_in_dim3A_3 {strides = array<i32>} : memref<4096xf32, #tpu.memory_space<vmem>>, vector<16xf32>,
      %swap3A_180 = arith.index_cast %mul3A_177 : i32 to index
      %swap3A_181 = tpu.vector_load %arg23[%swap3A_180] {strides = array<i32>} : memref<4096xf32, #tpu.memory_space<vmem>>, vector<16xf32>,
      tpu.vector_store %arg23[%swap3A_180], %broadcast_in_dim3A_3 {strides = array<i32>} : memref<4096xf32, #tpu.memory_space<vmem>>, vector<16xf32>,
      %swap3A_182 = arith.index_cast %mul3A_177 : i32 to index
      %swap3A_183 = tpu.vector_load %arg16[%swap3A_182] {strides = array<i32>} : memref<4096xf32, #tpu.memory_space<vmem>>, vector<16xf32>,
      tpu.vector_store %arg16[%swap3A_182], %broadcast_in_dim3A_3 {strides = array<i32>} : memref<4096xf32, #tpu.memory_space<vmem>>, vector<16xf32>,
      %swap3A_184 = arith.index_cast %mul3A_177 : i32 to index
      %swap3A_185 = tpu.vector_load %arg24[%swap3A_184] {strides = array<i32>} : memref<4096xf32, #tpu.memory_space<vmem>>, vector<16xf32>,
      tpu.vector_store %arg24[%swap3A_184], %broadcast_in_dim3A_3 {strides = array<i32>} : memref<4096xf32, #tpu.memory_space<vmem>>, vector<16xf32>,
      %swap3A_186 = arith.index_cast %mul3A_177 : i32 to index
      %swap3A_187 = tpu.vector_load %arg17[%swap3A_186] {strides = array<i32>} : memref<4096xf32, #tpu.memory_space<vmem>>, vector<16xf32>,
      tpu.vector_store %arg17[%swap3A_186], %broadcast_in_dim3A_3 {strides = array<i32>} : memref<4096xf32, #tpu.memory_space<vmem>>, vector<16xf32>,
      %swap3A_188 = arith.index_cast %mul3A_177 : i32 to index
      %swap3A_189 = tpu.vector_load %arg25[%swap3A_188] {strides = array<i32>} : memref<4096xf32, #tpu.memory_space<vmem>>, vector<16xf32>,
      tpu.vector_store %arg25[%swap3A_188], %broadcast_in_dim3A_3 {strides = array<i32>} : memref<4096xf32, #tpu.memory_space<vmem>>, vector<16xf32>,
      %swap3A_190 = arith.index_cast %mul3A_177 : i32 to index
      %swap3A_191 = tpu.vector_load %arg18[%swap3A_190] {strides = array<i32>} : memref<4096xf32, #tpu.memory_space<vmem>>, vector<16xf32>,
      tpu.vector_store %arg18[%swap3A_190], %broadcast_in_dim3A_3 {strides = array<i32>} : memref<4096xf32, #tpu.memory_space<vmem>>, vector<16xf32>,
      %swap3A_192 = arith.index_cast %mul3A_177 : i32 to index
      %swap3A_193 = tpu.vector_load %arg26[%swap3A_192] {strides = array<i32>} : memref<4096xf32, #tpu.memory_space<vmem>>, vector<16xf32>,
      tpu.vector_store %arg26[%swap3A_192], %broadcast_in_dim3A_3 {strides = array<i32>} : memref<4096xf32, #tpu.memory_space<vmem>>, vector<16xf32>,
      %swap3A_194 = arith.index_cast %mul3A_177 : i32 to index
      %swap3A_195 = tpu.vector_load %arg19[%swap3A_194] {strides = array<i32>} : memref<4096xf32, #tpu.memory_space<vmem>>, vector<16xf32>,
      tpu.vector_store %arg19[%swap3A_194], %broadcast_in_dim3A_3 {strides = array<i32>} : memref<4096xf32, #tpu.memory_space<vmem>>, vector<16xf32>,
      %swap3A_196 = arith.index_cast %mul3A_177 : i32 to index
      %swap3A_197 = tpu.vector_load %arg27[%swap3A_196] {strides = array<i32>} : memref<4096xf32, #tpu.memory_space<vmem>>, vector<16xf32>,
      tpu.vector_store %arg27[%swap3A_196], %broadcast_in_dim3A_3 {strides = array<i32>} : memref<4096xf32, #tpu.memory_space<vmem>>, vector<16xf32>,
      %swap3A_198 = arith.index_cast %mul3A_177 : i32 to index
      %swap3A_199 = tpu.vector_load %arg20[%swap3A_198] {strides = array<i32>} : memref<4096xf32, #tpu.memory_space<vmem>>, vector<16xf32>,
      tpu.vector_store %arg20[%swap3A_198], %broadcast_in_dim3A_3 {strides = array<i32>} : memref<4096xf32, #tpu.memory_space<vmem>>, vector<16xf32>,
      %swap3A_200 = arith.index_cast %mul3A_177 : i32 to index
      %swap3A_201 = tpu.vector_load %arg28[%swap3A_200] {strides = array<i32>} : memref<4096xf32, #tpu.memory_space<vmem>>, vector<16xf32>,
      tpu.vector_store %arg28[%swap3A_200], %broadcast_in_dim3A_3 {strides = array<i32>} : memref<4096xf32, #tpu.memory_space<vmem>>, vector<16xf32>,
      %swap3A_202 = arith.index_cast %mul3A_177 : i32 to index
      %swap3A_203 = tpu.vector_load %arg21[%swap3A_202] {strides = array<i32>} : memref<4096xf32, #tpu.memory_space<vmem>>, vector<16xf32>,
      tpu.vector_store %arg21[%swap3A_202], %broadcast_in_dim3A_3 {strides = array<i32>} : memref<4096xf32, #tpu.memory_space<vmem>>, vector<16xf32>,
      %swap3A_204 = arith.index_cast %mul3A_177 : i32 to index
      %swap3A_205 = tpu.vector_load %arg29[%swap3A_204] {strides = array<i32>} : memref<4096xf32, #tpu.memory_space<vmem>>, vector<16xf32>,
      tpu.vector_store %arg29[%swap3A_204], %broadcast_in_dim3A_3 {strides = array<i32>} : memref<4096xf32, #tpu.memory_space<vmem>>, vector<16xf32>,
      %swap3A_206 = arith.index_cast %mul3A_177 : i32 to index
      %swap3A_207 = tpu.vector_load %arg22[%swap3A_206] {strides = array<i32>} : memref<4096xf32, #tpu.memory_space<vmem>>, vector<16xf32>,
      tpu.vector_store %arg22[%swap3A_206], %broadcast_in_dim3A_3 {strides = array<i32>} : memref<4096xf32, #tpu.memory_space<vmem>>, vector<16xf32>,
      %swap3A_208 = arith.index_cast %mul3A_177 : i32 to index
      %swap3A_209 = tpu.vector_load %arg30[%swap3A_208] {strides = array<i32>} : memref<4096xf32, #tpu.memory_space<vmem>>, vector<16xf32>,
      tpu.vector_store %arg30[%swap3A_208], %broadcast_in_dim3A_3 {strides = array<i32>} : memref<4096xf32, #tpu.memory_space<vmem>>, vector<16xf32>,
      %scan3A_210 = arith.constant 0 : i32
      %scan3A_211 = arith.constant 3 : i32
      %scan3A_212 = arith.addi %scan3A_101, %scan3A_211 : i32
      %mul3A_213 = arith.constant 16 : i32
      %mul3A_214 = arith.muli %scan3A_212, %mul3A_213 : i32
      %swap3A_215 = arith.index_cast %mul3A_214 : i32 to index
      %swap3A_216 = tpu.vector_load %arg15[%swap3A_215] {strides = array<i32>} : memref<4096xf32, #tpu.memory_space<vmem>>, vector<16xf32>,
      tpu.vector_store %arg15[%swap3A_215], %broadcast_in_dim3A_3 {strides = array<i32>} : memref<4096xf32, #tpu.memory_space<vmem>>, vector<16xf32>,
      %swap3A_217 = arith.index_cast %mul3A_214 : i32 to index
      %swap3A_218 = tpu.vector_load %arg23[%swap3A_217] {strides = array<i32>} : memref<4096xf32, #tpu.memory_space<vmem>>, vector<16xf32>,
      tpu.vector_store %arg23[%swap3A_217], %broadcast_in_dim3A_3 {strides = array<i32>} : memref<4096xf32, #tpu.memory_space<vmem>>, vector<16xf32>,
      %swap3A_219 = arith.index_cast %mul3A_214 : i32 to index
      %swap3A_220 = tpu.vector_load %arg16[%swap3A_219] {strides = array<i32>} : memref<4096xf32, #tpu.memory_space<vmem>>, vector<16xf32>,
      tpu.vector_store %arg16[%swap3A_219], %broadcast_in_dim3A_3 {strides = array<i32>} : memref<4096xf32, #tpu.memory_space<vmem>>, vector<16xf32>,
      %swap3A_221 = arith.index_cast %mul3A_214 : i32 to index
      %swap3A_222 = tpu.vector_load %arg24[%swap3A_221] {strides = array<i32>} : memref<4096xf32, #tpu.memory_space<vmem>>, vector<16xf32>,
      tpu.vector_store %arg24[%swap3A_221], %broadcast_in_dim3A_3 {strides = array<i32>} : memref<4096xf32, #tpu.memory_space<vmem>>, vector<16xf32>,
      %swap3A_223 = arith.index_cast %mul3A_214 : i32 to index
      %swap3A_224 = tpu.vector_load %arg17[%swap3A_223] {strides = array<i32>} : memref<4096xf32, #tpu.memory_space<vmem>>, vector<16xf32>,
      tpu.vector_store %arg17[%swap3A_223], %broadcast_in_dim3A_3 {strides = array<i32>} : memref<4096xf32, #tpu.memory_space<vmem>>, vector<16xf32>,
      %swap3A_225 = arith.index_cast %mul3A_214 : i32 to index
      %swap3A_226 = tpu.vector_load %arg25[%swap3A_225] {strides = array<i32>} : memref<4096xf32, #tpu.memory_space<vmem>>, vector<16xf32>,
      tpu.vector_store %arg25[%swap3A_225], %broadcast_in_dim3A_3 {strides = array<i32>} : memref<4096xf32, #tpu.memory_space<vmem>>, vector<16xf32>,
      %swap3A_227 = arith.index_cast %mul3A_214 : i32 to index
      %swap3A_228 = tpu.vector_load %arg18[%swap3A_227] {strides = array<i32>} : memref<4096xf32, #tpu.memory_space<vmem>>, vector<16xf32>,
      tpu.vector_store %arg18[%swap3A_227], %broadcast_in_dim3A_3 {strides = array<i32>} : memref<4096xf32, #tpu.memory_space<vmem>>, vector<16xf32>,
      %swap3A_229 = arith.index_cast %mul3A_214 : i32 to index
      %swap3A_230 = tpu.vector_load %arg26[%swap3A_229] {strides = array<i32>} : memref<4096xf32, #tpu.memory_space<vmem>>, vector<16xf32>,
      tpu.vector_store %arg26[%swap3A_229], %broadcast_in_dim3A_3 {strides = array<i32>} : memref<4096xf32, #tpu.memory_space<vmem>>, vector<16xf32>,
      %swap3A_231 = arith.index_cast %mul3A_214 : i32 to index
      %swap3A_232 = tpu.vector_load %arg19[%swap3A_231] {strides = array<i32>} : memref<4096xf32, #tpu.memory_space<vmem>>, vector<16xf32>,
      tpu.vector_store %arg19[%swap3A_231], %broadcast_in_dim3A_3 {strides = array<i32>} : memref<4096xf32, #tpu.memory_space<vmem>>, vector<16xf32>,
      %swap3A_233 = arith.index_cast %mul3A_214 : i32 to index
      %swap3A_234 = tpu.vector_load %arg27[%swap3A_233] {strides = array<i32>} : memref<4096xf32, #tpu.memory_space<vmem>>, vector<16xf32>,
      tpu.vector_store %arg27[%swap3A_233], %broadcast_in_dim3A_3 {strides = array<i32>} : memref<4096xf32, #tpu.memory_space<vmem>>, vector<16xf32>,
      %swap3A_235 = arith.index_cast %mul3A_214 : i32 to index
      %swap3A_236 = tpu.vector_load %arg20[%swap3A_235] {strides = array<i32>} : memref<4096xf32, #tpu.memory_space<vmem>>, vector<16xf32>,
      tpu.vector_store %arg20[%swap3A_235], %broadcast_in_dim3A_3 {strides = array<i32>} : memref<4096xf32, #tpu.memory_space<vmem>>, vector<16xf32>,
      %swap3A_237 = arith.index_cast %mul3A_214 : i32 to index
      %swap3A_238 = tpu.vector_load %arg28[%swap3A_237] {strides = array<i32>} : memref<4096xf32, #tpu.memory_space<vmem>>, vector<16xf32>,
      tpu.vector_store %arg28[%swap3A_237], %broadcast_in_dim3A_3 {strides = array<i32>} : memref<4096xf32, #tpu.memory_space<vmem>>, vector<16xf32>,
      %swap3A_239 = arith.index_cast %mul3A_214 : i32 to index
      %swap3A_240 = tpu.vector_load %arg21[%swap3A_239] {strides = array<i32>} : memref<4096xf32, #tpu.memory_space<vmem>>, vector<16xf32>,
      tpu.vector_store %arg21[%swap3A_239], %broadcast_in_dim3A_3 {strides = array<i32>} : memref<4096xf32, #tpu.memory_space<vmem>>, vector<16xf32>,
      %swap3A_241 = arith.index_cast %mul3A_214 : i32 to index
      %swap3A_242 = tpu.vector_load %arg29[%swap3A_241] {strides = array<i32>} : memref<4096xf32, #tpu.memory_space<vmem>>, vector<16xf32>,
      tpu.vector_store %arg29[%swap3A_241], %broadcast_in_dim3A_3 {strides = array<i32>} : memref<4096xf32, #tpu.memory_space<vmem>>, vector<16xf32>,
      %swap3A_243 = arith.index_cast %mul3A_214 : i32 to index
      %swap3A_244 = tpu.vector_load %arg22[%swap3A_243] {strides = array<i32>} : memref<4096xf32, #tpu.memory_space<vmem>>, vector<16xf32>,
      tpu.vector_store %arg22[%swap3A_243], %broadcast_in_dim3A_3 {strides = array<i32>} : memref<4096xf32, #tpu.memory_space<vmem>>, vector<16xf32>,
      %swap3A_245 = arith.index_cast %mul3A_214 : i32 to index
      %swap3A_246 = tpu.vector_load %arg30[%swap3A_245] {strides = array<i32>} : memref<4096xf32, #tpu.memory_space<vmem>>, vector<16xf32>,
      tpu.vector_store %arg30[%swap3A_245], %broadcast_in_dim3A_3 {strides = array<i32>} : memref<4096xf32, #tpu.memory_space<vmem>>, vector<16xf32>,
      %scan3A_247 = arith.constant 0 : i32
      scf.yield %scan3A_247 : i32
    }
    %scan3A_9 = arith.constant 256 : i32
    %broadcast_in_dim3A_10 = arith.constant 1.000000e+00 : f32
    %broadcast_in_dim3A_11 = vector.broadcast %broadcast_in_dim3A_10 : f32 to vector<16xf32>
    %add3A_12 = arith.constant 0 : i32
    %add3A_13 = arith.addi %mul3A_2, %add3A_12 : i32
    %dma_start3A = tpu.memref_slice %arg2[%add3A_13] : memref<1048576xf32, #tpu.memory_space<hbm>> -> memref<8192xf32, #tpu.memory_space<hbm>>
    %dma_start3A_14 = tpu.memref_slice %arg2[%add3A_13] : memref<1048576xf32, #tpu.memory_space<hbm>> -> memref<8192xf32, #tpu.memory_space<hbm>>
    tpu.enqueue_dma source(%dma_start3A_14 : memref<8192xf32, #tpu.memory_space<hbm>>) target(%arg7 : memref<8192xf32, #tpu.memory_space<vmem>>) target_semaphore(%arg13 : memref<!tpu.dma_semaphore, #tpu.memory_space<semaphore_mem>>)
    %dma_start3A_15 = tpu.memref_slice %arg3[%add3A_13] : memref<1048576xi32, #tpu.memory_space<hbm>> -> memref<8192xi32, #tpu.memory_space<hbm>>
    %dma_start3A_16 = tpu.memref_slice %arg3[%add3A_13] : memref<1048576xi32, #tpu.memory_space<hbm>> -> memref<8192xi32, #tpu.memory_space<hbm>>
    tpu.enqueue_dma source(%dma_start3A_16 : memref<8192xi32, #tpu.memory_space<hbm>>) target(%arg8 : memref<8192xi32, #tpu.memory_space<vmem>>) target_semaphore(%arg13 : memref<!tpu.dma_semaphore, #tpu.memory_space<semaphore_mem>>)
    %dma_start3A_17 = tpu.memref_slice %arg4[%add3A_13] : memref<1048576xi32, #tpu.memory_space<hbm>> -> memref<8192xi32, #tpu.memory_space<hbm>>
    %dma_start3A_18 = tpu.memref_slice %arg4[%add3A_13] : memref<1048576xi32, #tpu.memory_space<hbm>> -> memref<8192xi32, #tpu.memory_space<hbm>>
    tpu.enqueue_dma source(%dma_start3A_18 : memref<8192xi32, #tpu.memory_space<hbm>>) target(%arg9 : memref<8192xi32, #tpu.memory_space<vmem>>) target_semaphore(%arg13 : memref<!tpu.dma_semaphore, #tpu.memory_space<semaphore_mem>>)
    %add3A_19 = arith.constant 8192 : i32
    %add3A_20 = arith.addi %mul3A_2, %add3A_19 : i32
    %dma_start3A_21 = tpu.memref_slice %arg2[%add3A_20] : memref<1048576xf32, #tpu.memory_space<hbm>> -> memref<8192xf32, #tpu.memory_space<hbm>>
    %dma_start3A_22 = tpu.memref_slice %arg2[%add3A_20] : memref<1048576xf32, #tpu.memory_space<hbm>> -> memref<8192xf32, #tpu.memory_space<hbm>>
    tpu.enqueue_dma source(%dma_start3A_22 : memref<8192xf32, #tpu.memory_space<hbm>>) target(%arg10 : memref<8192xf32, #tpu.memory_space<vmem>>) target_semaphore(%arg14 : memref<!tpu.dma_semaphore, #tpu.memory_space<semaphore_mem>>)
    %dma_start3A_23 = tpu.memref_slice %arg3[%add3A_20] : memref<1048576xi32, #tpu.memory_space<hbm>> -> memref<8192xi32, #tpu.memory_space<hbm>>
    %dma_start3A_24 = tpu.memref_slice %arg3[%add3A_20] : memref<1048576xi32, #tpu.memory_space<hbm>> -> memref<8192xi32, #tpu.memory_space<hbm>>
    tpu.enqueue_dma source(%dma_start3A_24 : memref<8192xi32, #tpu.memory_space<hbm>>) target(%arg11 : memref<8192xi32, #tpu.memory_space<vmem>>) target_semaphore(%arg14 : memref<!tpu.dma_semaphore, #tpu.memory_space<semaphore_mem>>)
    %dma_start3A_25 = tpu.memref_slice %arg4[%add3A_20] : memref<1048576xi32, #tpu.memory_space<hbm>> -> memref<8192xi32, #tpu.memory_space<hbm>>
    %dma_start3A_26 = tpu.memref_slice %arg4[%add3A_20] : memref<1048576xi32, #tpu.memory_space<hbm>> -> memref<8192xi32, #tpu.memory_space<hbm>>
    tpu.enqueue_dma source(%dma_start3A_26 : memref<8192xi32, #tpu.memory_space<hbm>>) target(%arg12 : memref<8192xi32, #tpu.memory_space<vmem>>) target_semaphore(%arg14 : memref<!tpu.dma_semaphore, #tpu.memory_space<semaphore_mem>>)
    %dma_wait3A = tpu.memref_slice %arg2[%add3A_13] : memref<1048576xf32, #tpu.memory_space<hbm>> -> memref<8192xf32, #tpu.memory_space<hbm>>
    %dma_wait3A_27 = tpu.memref_slice %arg2[%add3A_13] : memref<1048576xf32, #tpu.memory_space<hbm>> -> memref<8192xf32, #tpu.memory_space<hbm>>
    tpu.wait_dma2 semaphore(%arg13 : memref<!tpu.dma_semaphore, #tpu.memory_space<semaphore_mem>>) src(%dma_wait3A_27 : memref<8192xf32, #tpu.memory_space<hbm>>) dst(%arg7 : memref<8192xf32, #tpu.memory_space<vmem>>)
    %dma_wait3A_28 = tpu.memref_slice %arg3[%add3A_13] : memref<1048576xi32, #tpu.memory_space<hbm>> -> memref<8192xi32, #tpu.memory_space<hbm>>
    %dma_wait3A_29 = tpu.memref_slice %arg3[%add3A_13] : memref<1048576xi32, #tpu.memory_space<hbm>> -> memref<8192xi32, #tpu.memory_space<hbm>>
    tpu.wait_dma2 semaphore(%arg13 : memref<!tpu.dma_semaphore, #tpu.memory_space<semaphore_mem>>) src(%dma_wait3A_29 : memref<8192xi32, #tpu.memory_space<hbm>>) dst(%arg8 : memref<8192xi32, #tpu.memory_space<vmem>>)
    %dma_wait3A_30 = tpu.memref_slice %arg4[%add3A_13] : memref<1048576xi32, #tpu.memory_space<hbm>> -> memref<8192xi32, #tpu.memory_space<hbm>>
    %dma_wait3A_31 = tpu.memref_slice %arg4[%add3A_13] : memref<1048576xi32, #tpu.memory_space<hbm>> -> memref<8192xi32, #tpu.memory_space<hbm>>
    tpu.wait_dma2 semaphore(%arg13 : memref<!tpu.dma_semaphore, #tpu.memory_space<semaphore_mem>>) src(%dma_wait3A_31 : memref<8192xi32, #tpu.memory_space<hbm>>) dst(%arg9 : memref<8192xi32, #tpu.memory_space<vmem>>)
    %scan3A_32 = arith.constant 0 : i32
    %scan3A_33 = arith.constant 0 : i32
    %scan3A_34 = arith.constant 64 : i32
    %scan3A_35 = arith.addi %scan3A_33, %scan3A_34 : i32
    %scan3A_36 = arith.constant 1 : i32
    %scan3A_37 = scf.for %scan3A_101 = %scan3A_33 to %scan3A_35 step %scan3A_36 iter_args(%scan3A_102 = %scan3A_32) -> (i32)  : i32 {
      %mul3A_103 = arith.constant 8 : i32
      %mul3A_104 = arith.muli %scan3A_101, %mul3A_103 : i32
      %add3A_105 = arith.constant 0 : i32
      %add3A_106 = arith.addi %mul3A_104, %add3A_105 : i32
      %mul3A_107 = arith.constant 16 : i32
      %mul3A_108 = arith.muli %add3A_106, %mul3A_107 : i32
      %get3A = arith.index_cast %mul3A_108 : i32 to index
      %get3A_109 = tpu.vector_load %arg7[%get3A] {strides = array<i32>} : memref<8192xf32, #tpu.memory_space<vmem>>, vector<16xf32>,
      %get3A_110 = arith.index_cast %mul3A_108 : i32 to index
      %get3A_111 = tpu.vector_load %arg8[%get3A_110] {strides = array<i32>} : memref<8192xi32, #tpu.memory_space<vmem>>, vector<16xi32>,
      %get3A_112 = arith.index_cast %mul3A_108 : i32 to index
      %get3A_113 = tpu.vector_load %arg9[%get3A_112] {strides = array<i32>} : memref<8192xi32, #tpu.memory_space<vmem>>, vector<16xi32>,
      %mul3A_114 = arith.constant 8 : i32
      %mul3A_115 = arith.muli %scan3A_101, %mul3A_114 : i32
      %add3A_116 = arith.constant 1 : i32
      %add3A_117 = arith.addi %mul3A_115, %add3A_116 : i32
      %mul3A_118 = arith.constant 16 : i32
      %mul3A_119 = arith.muli %add3A_117, %mul3A_118 : i32
      %get3A_120 = arith.index_cast %mul3A_119 : i32 to index
      %get3A_121 = tpu.vector_load %arg7[%get3A_120] {strides = array<i32>} : memref<8192xf32, #tpu.memory_space<vmem>>, vector<16xf32>,
      %get3A_122 = arith.index_cast %mul3A_119 : i32 to index
      %get3A_123 = tpu.vector_load %arg8[%get3A_122] {strides = array<i32>} : memref<8192xi32, #tpu.memory_space<vmem>>, vector<16xi32>,
      %get3A_124 = arith.index_cast %mul3A_119 : i32 to index
      %get3A_125 = tpu.vector_load %arg9[%get3A_124] {strides = array<i32>} : memref<8192xi32, #tpu.memory_space<vmem>>, vector<16xi32>,
      %mul3A_126 = arith.constant 8 : i32
      %mul3A_127 = arith.muli %scan3A_101, %mul3A_126 : i32
      %add3A_128 = arith.constant 2 : i32
      %add3A_129 = arith.addi %mul3A_127, %add3A_128 : i32
      %mul3A_130 = arith.constant 16 : i32
      %mul3A_131 = arith.muli %add3A_129, %mul3A_130 : i32
      %get3A_132 = arith.index_cast %mul3A_131 : i32 to index
      %get3A_133 = tpu.vector_load %arg7[%get3A_132] {strides = array<i32>} : memref<8192xf32, #tpu.memory_space<vmem>>, vector<16xf32>,
      %get3A_134 = arith.index_cast %mul3A_131 : i32 to index
      %get3A_135 = tpu.vector_load %arg8[%get3A_134] {strides = array<i32>} : memref<8192xi32, #tpu.memory_space<vmem>>, vector<16xi32>,
      %get3A_136 = arith.index_cast %mul3A_131 : i32 to index
      %get3A_137 = tpu.vector_load %arg9[%get3A_136] {strides = array<i32>} : memref<8192xi32, #tpu.memory_space<vmem>>, vector<16xi32>,
      %mul3A_138 = arith.constant 8 : i32
      %mul3A_139 = arith.muli %scan3A_101, %mul3A_138 : i32
      %add3A_140 = arith.constant 3 : i32
      %add3A_141 = arith.addi %mul3A_139, %add3A_140 : i32
      %mul3A_142 = arith.constant 16 : i32
      %mul3A_143 = arith.muli %add3A_141, %mul3A_142 : i32
      %get3A_144 = arith.index_cast %mul3A_143 : i32 to index
      %get3A_145 = tpu.vector_load %arg7[%get3A_144] {strides = array<i32>} : memref<8192xf32, #tpu.memory_space<vmem>>, vector<16xf32>,
      %get3A_146 = arith.index_cast %mul3A_143 : i32 to index
      %get3A_147 = tpu.vector_load %arg8[%get3A_146] {strides = array<i32>} : memref<8192xi32, #tpu.memory_space<vmem>>, vector<16xi32>,
      %get3A_148 = arith.index_cast %mul3A_143 : i32 to index
      %get3A_149 = tpu.vector_load %arg9[%get3A_148] {strides = array<i32>} : memref<8192xi32, #tpu.memory_space<vmem>>, vector<16xi32>,
      %mul3A_150 = arith.constant 8 : i32
      %mul3A_151 = arith.muli %scan3A_101, %mul3A_150 : i32
      %add3A_152 = arith.constant 4 : i32
      %add3A_153 = arith.addi %mul3A_151, %add3A_152 : i32
      %mul3A_154 = arith.constant 16 : i32
      %mul3A_155 = arith.muli %add3A_153, %mul3A_154 : i32
      %get3A_156 = arith.index_cast %mul3A_155 : i32 to index
      %get3A_157 = tpu.vector_load %arg7[%get3A_156] {strides = array<i32>} : memref<8192xf32, #tpu.memory_space<vmem>>, vector<16xf32>,
      %get3A_158 = arith.index_cast %mul3A_155 : i32 to index
      %get3A_159 = tpu.vector_load %arg8[%get3A_158] {strides = array<i32>} : memref<8192xi32, #tpu.memory_space<vmem>>, vector<16xi32>,
      %get3A_160 = arith.index_cast %mul3A_155 : i32 to index
      %get3A_161 = tpu.vector_load %arg9[%get3A_160] {strides = array<i32>} : memref<8192xi32, #tpu.memory_space<vmem>>, vector<16xi32>,
      %mul3A_162 = arith.constant 8 : i32
      %mul3A_163 = arith.muli %scan3A_101, %mul3A_162 : i32
      %add3A_164 = arith.constant 5 : i32
      %add3A_165 = arith.addi %mul3A_163, %add3A_164 : i32
      %mul3A_166 = arith.constant 16 : i32
      %mul3A_167 = arith.muli %add3A_165, %mul3A_166 : i32
      %get3A_168 = arith.index_cast %mul3A_167 : i32 to index
      %get3A_169 = tpu.vector_load %arg7[%get3A_168] {strides = array<i32>} : memref<8192xf32, #tpu.memory_space<vmem>>, vector<16xf32>,
      %get3A_170 = arith.index_cast %mul3A_167 : i32 to index
      %get3A_171 = tpu.vector_load %arg8[%get3A_170] {strides = array<i32>} : memref<8192xi32, #tpu.memory_space<vmem>>, vector<16xi32>,
      %get3A_172 = arith.index_cast %mul3A_167 : i32 to index
      %get3A_173 = tpu.vector_load %arg9[%get3A_172] {strides = array<i32>} : memref<8192xi32, #tpu.memory_space<vmem>>, vector<16xi32>,
      %mul3A_174 = arith.constant 8 : i32
      %mul3A_175 = arith.muli %scan3A_101, %mul3A_174 : i32
      %add3A_176 = arith.constant 6 : i32
      %add3A_177 = arith.addi %mul3A_175, %add3A_176 : i32
      %mul3A_178 = arith.constant 16 : i32
      %mul3A_179 = arith.muli %add3A_177, %mul3A_178 : i32
      %get3A_180 = arith.index_cast %mul3A_179 : i32 to index
      %get3A_181 = tpu.vector_load %arg7[%get3A_180] {strides = array<i32>} : memref<8192xf32, #tpu.memory_space<vmem>>, vector<16xf32>,
      %get3A_182 = arith.index_cast %mul3A_179 : i32 to index
      %get3A_183 = tpu.vector_load %arg8[%get3A_182] {strides = array<i32>} : memref<8192xi32, #tpu.memory_space<vmem>>, vector<16xi32>,
      %get3A_184 = arith.index_cast %mul3A_179 : i32 to index
      %get3A_185 = tpu.vector_load %arg9[%get3A_184] {strides = array<i32>} : memref<8192xi32, #tpu.memory_space<vmem>>, vector<16xi32>,
      %mul3A_186 = arith.constant 8 : i32
      %mul3A_187 = arith.muli %scan3A_101, %mul3A_186 : i32
      %add3A_188 = arith.constant 7 : i32
      %add3A_189 = arith.addi %mul3A_187, %add3A_188 : i32
      %mul3A_190 = arith.constant 16 : i32
      %mul3A_191 = arith.muli %add3A_189, %mul3A_190 : i32
      %get3A_192 = arith.index_cast %mul3A_191 : i32 to index
      %get3A_193 = tpu.vector_load %arg7[%get3A_192] {strides = array<i32>} : memref<8192xf32, #tpu.memory_space<vmem>>, vector<16xf32>,
      %get3A_194 = arith.index_cast %mul3A_191 : i32 to index
      %get3A_195 = tpu.vector_load %arg8[%get3A_194] {strides = array<i32>} : memref<8192xi32, #tpu.memory_space<vmem>>, vector<16xi32>,
      %get3A_196 = arith.index_cast %mul3A_191 : i32 to index
      %get3A_197 = tpu.vector_load %arg9[%get3A_196] {strides = array<i32>} : memref<8192xi32, #tpu.memory_space<vmem>>, vector<16xi32>,
      %gt3A = arith.constant 0 : i32
      %gt3A_198 = vector.broadcast %gt3A : i32 to vector<16xi32>
      %gt3A_199 = arith.cmpi sgt, %get3A_111, %gt3A_198 : vector<16xi32>
      %sub3A = arith.constant 1.000000e+00 : f32
      %sub3A_200 = vector.broadcast %sub3A : f32 to vector<16xf32>
      %sub3A_201 = arith.subf %sub3A_200, %get3A_109 : vector<16xf32>
      %select_n3A = arith.select %gt3A_199, %get3A_109, %sub3A_201 : vector<16xi1>, vector<16xf32>
      %jit3A = arith.constant 1.000000e-07 : f32
      %jit3A_202 = arith.constant 1.1920929E-7 : f32
      %broadcast_in_dim3A_203 = vector.broadcast %jit3A : f32 to vector<16xf32>
      %broadcast_in_dim3A_204 = vector.broadcast %jit3A_202 : f32 to vector<16xf32>
      %select_n3A_205 = arith.select %gt3A_199, %broadcast_in_dim3A_203, %broadcast_in_dim3A_204 : vector<16xi1>, vector<16xf32>
      %max3A = arith.maximumf %select_n3A, %select_n3A_205 : vector<16xf32>
      %bitcast3A = vector.bitcast %max3A : vector<16xf32> to vector<16xi32>
      %shift_right_arithmetic3A = arith.constant 17 : i32
      %shift_right_arithmetic3A_206 = vector.broadcast %shift_right_arithmetic3A : i32 to vector<16xi32>
      %shift_right_arithmetic3A_207 = arith.shrsi %bitcast3A, %shift_right_arithmetic3A_206 : vector<16xi32>
      %jit3A_208 = arith.constant -4544 : i32
      %jit3A_209 = arith.constant -6592 : i32
      %broadcast_in_dim3A_210 = vector.broadcast %jit3A_208 : i32 to vector<16xi32>
      %broadcast_in_dim3A_211 = vector.broadcast %jit3A_209 : i32 to vector<16xi32>
      %select_n3A_212 = arith.select %gt3A_199, %broadcast_in_dim3A_210, %broadcast_in_dim3A_211 : vector<16xi1>, vector<16xi32>
      %add3A_213 = arith.addi %shift_right_arithmetic3A_207, %select_n3A_212 : vector<16xi32>
      %gt3A_214 = arith.constant 0 : i32
      %gt3A_215 = vector.broadcast %gt3A_214 : i32 to vector<16xi32>
      %gt3A_216 = arith.cmpi sgt, %get3A_113, %gt3A_215 : vector<16xi32>
      %gt3A_217 = arith.constant 0 : i32
      %gt3A_218 = vector.broadcast %gt3A_217 : i32 to vector<16xi32>
      %gt3A_219 = arith.cmpi sgt, %get3A_123, %gt3A_218 : vector<16xi32>
      %sub3A_220 = arith.constant 1.000000e+00 : f32
      %sub3A_221 = vector.broadcast %sub3A_220 : f32 to vector<16xf32>
      %sub3A_222 = arith.subf %sub3A_221, %get3A_121 : vector<16xf32>
      %select_n3A_223 = arith.select %gt3A_219, %get3A_121, %sub3A_222 : vector<16xi1>, vector<16xf32>
      %jit3A_224 = arith.constant 1.000000e-07 : f32
      %jit3A_225 = arith.constant 1.1920929E-7 : f32
      %broadcast_in_dim3A_226 = vector.broadcast %jit3A_224 : f32 to vector<16xf32>
      %broadcast_in_dim3A_227 = vector.broadcast %jit3A_225 : f32 to vector<16xf32>
      %select_n3A_228 = arith.select %gt3A_219, %broadcast_in_dim3A_226, %broadcast_in_dim3A_227 : vector<16xi1>, vector<16xf32>
      %max3A_229 = arith.maximumf %select_n3A_223, %select_n3A_228 : vector<16xf32>
      %bitcast3A_230 = vector.bitcast %max3A_229 : vector<16xf32> to vector<16xi32>
      %shift_right_arithmetic3A_231 = arith.constant 17 : i32
      %shift_right_arithmetic3A_232 = vector.broadcast %shift_right_arithmetic3A_231 : i32 to vector<16xi32>
      %shift_right_arithmetic3A_233 = arith.shrsi %bitcast3A_230, %shift_right_arithmetic3A_232 : vector<16xi32>
      %jit3A_234 = arith.constant -4544 : i32
      %jit3A_235 = arith.constant -6592 : i32
      %broadcast_in_dim3A_236 = vector.broadcast %jit3A_234 : i32 to vector<16xi32>
      %broadcast_in_dim3A_237 = vector.broadcast %jit3A_235 : i32 to vector<16xi32>
      %select_n3A_238 = arith.select %gt3A_219, %broadcast_in_dim3A_236, %broadcast_in_dim3A_237 : vector<16xi1>, vector<16xi32>
      %add3A_239 = arith.addi %shift_right_arithmetic3A_233, %select_n3A_238 : vector<16xi32>
      %gt3A_240 = arith.constant 0 : i32
      %gt3A_241 = vector.broadcast %gt3A_240 : i32 to vector<16xi32>
      %gt3A_242 = arith.cmpi sgt, %get3A_125, %gt3A_241 : vector<16xi32>
      %gt3A_243 = arith.constant 0 : i32
      %gt3A_244 = vector.broadcast %gt3A_243 : i32 to vector<16xi32>
      %gt3A_245 = arith.cmpi sgt, %get3A_135, %gt3A_244 : vector<16xi32>
      %sub3A_246 = arith.constant 1.000000e+00 : f32
      %sub3A_247 = vector.broadcast %sub3A_246 : f32 to vector<16xf32>
      %sub3A_248 = arith.subf %sub3A_247, %get3A_133 : vector<16xf32>
      %select_n3A_249 = arith.select %gt3A_245, %get3A_133, %sub3A_248 : vector<16xi1>, vector<16xf32>
      %jit3A_250 = arith.constant 1.000000e-07 : f32
      %jit3A_251 = arith.constant 1.1920929E-7 : f32
      %broadcast_in_dim3A_252 = vector.broadcast %jit3A_250 : f32 to vector<16xf32>
      %broadcast_in_dim3A_253 = vector.broadcast %jit3A_251 : f32 to vector<16xf32>
      %select_n3A_254 = arith.select %gt3A_245, %broadcast_in_dim3A_252, %broadcast_in_dim3A_253 : vector<16xi1>, vector<16xf32>
      %max3A_255 = arith.maximumf %select_n3A_249, %select_n3A_254 : vector<16xf32>
      %bitcast3A_256 = vector.bitcast %max3A_255 : vector<16xf32> to vector<16xi32>
      %shift_right_arithmetic3A_257 = arith.constant 17 : i32
      %shift_right_arithmetic3A_258 = vector.broadcast %shift_right_arithmetic3A_257 : i32 to vector<16xi32>
      %shift_right_arithmetic3A_259 = arith.shrsi %bitcast3A_256, %shift_right_arithmetic3A_258 : vector<16xi32>
      %jit3A_260 = arith.constant -4544 : i32
      %jit3A_261 = arith.constant -6592 : i32
      %broadcast_in_dim3A_262 = vector.broadcast %jit3A_260 : i32 to vector<16xi32>
      %broadcast_in_dim3A_263 = vector.broadcast %jit3A_261 : i32 to vector<16xi32>
      %select_n3A_264 = arith.select %gt3A_245, %broadcast_in_dim3A_262, %broadcast_in_dim3A_263 : vector<16xi1>, vector<16xi32>
      %add3A_265 = arith.addi %shift_right_arithmetic3A_259, %select_n3A_264 : vector<16xi32>
      %gt3A_266 = arith.constant 0 : i32
      %gt3A_267 = vector.broadcast %gt3A_266 : i32 to vector<16xi32>
      %gt3A_268 = arith.cmpi sgt, %get3A_137, %gt3A_267 : vector<16xi32>
      %gt3A_269 = arith.constant 0 : i32
      %gt3A_270 = vector.broadcast %gt3A_269 : i32 to vector<16xi32>
      %gt3A_271 = arith.cmpi sgt, %get3A_147, %gt3A_270 : vector<16xi32>
      %sub3A_272 = arith.constant 1.000000e+00 : f32
      %sub3A_273 = vector.broadcast %sub3A_272 : f32 to vector<16xf32>
      %sub3A_274 = arith.subf %sub3A_273, %get3A_145 : vector<16xf32>
      %select_n3A_275 = arith.select %gt3A_271, %get3A_145, %sub3A_274 : vector<16xi1>, vector<16xf32>
      %jit3A_276 = arith.constant 1.000000e-07 : f32
      %jit3A_277 = arith.constant 1.1920929E-7 : f32
      %broadcast_in_dim3A_278 = vector.broadcast %jit3A_276 : f32 to vector<16xf32>
      %broadcast_in_dim3A_279 = vector.broadcast %jit3A_277 : f32 to vector<16xf32>
      %select_n3A_280 = arith.select %gt3A_271, %broadcast_in_dim3A_278, %broadcast_in_dim3A_279 : vector<16xi1>, vector<16xf32>
      %max3A_281 = arith.maximumf %select_n3A_275, %select_n3A_280 : vector<16xf32>
      %bitcast3A_282 = vector.bitcast %max3A_281 : vector<16xf32> to vector<16xi32>
      %shift_right_arithmetic3A_283 = arith.constant 17 : i32
      %shift_right_arithmetic3A_284 = vector.broadcast %shift_right_arithmetic3A_283 : i32 to vector<16xi32>
      %shift_right_arithmetic3A_285 = arith.shrsi %bitcast3A_282, %shift_right_arithmetic3A_284 : vector<16xi32>
      %jit3A_286 = arith.constant -4544 : i32
      %jit3A_287 = arith.constant -6592 : i32
      %broadcast_in_dim3A_288 = vector.broadcast %jit3A_286 : i32 to vector<16xi32>
      %broadcast_in_dim3A_289 = vector.broadcast %jit3A_287 : i32 to vector<16xi32>
      %select_n3A_290 = arith.select %gt3A_271, %broadcast_in_dim3A_288, %broadcast_in_dim3A_289 : vector<16xi1>, vector<16xi32>
      %add3A_291 = arith.addi %shift_right_arithmetic3A_285, %select_n3A_290 : vector<16xi32>
      %gt3A_292 = arith.constant 0 : i32
      %gt3A_293 = vector.broadcast %gt3A_292 : i32 to vector<16xi32>
      %gt3A_294 = arith.cmpi sgt, %get3A_149, %gt3A_293 : vector<16xi32>
      %gt3A_295 = arith.constant 0 : i32
      %gt3A_296 = vector.broadcast %gt3A_295 : i32 to vector<16xi32>
      %gt3A_297 = arith.cmpi sgt, %get3A_159, %gt3A_296 : vector<16xi32>
      %sub3A_298 = arith.constant 1.000000e+00 : f32
      %sub3A_299 = vector.broadcast %sub3A_298 : f32 to vector<16xf32>
      %sub3A_300 = arith.subf %sub3A_299, %get3A_157 : vector<16xf32>
      %select_n3A_301 = arith.select %gt3A_297, %get3A_157, %sub3A_300 : vector<16xi1>, vector<16xf32>
      %jit3A_302 = arith.constant 1.000000e-07 : f32
      %jit3A_303 = arith.constant 1.1920929E-7 : f32
      %broadcast_in_dim3A_304 = vector.broadcast %jit3A_302 : f32 to vector<16xf32>
      %broadcast_in_dim3A_305 = vector.broadcast %jit3A_303 : f32 to vector<16xf32>
      %select_n3A_306 = arith.select %gt3A_297, %broadcast_in_dim3A_304, %broadcast_in_dim3A_305 : vector<16xi1>, vector<16xf32>
      %max3A_307 = arith.maximumf %select_n3A_301, %select_n3A_306 : vector<16xf32>
      %bitcast3A_308 = vector.bitcast %max3A_307 : vector<16xf32> to vector<16xi32>
      %shift_right_arithmetic3A_309 = arith.constant 17 : i32
      %shift_right_arithmetic3A_310 = vector.broadcast %shift_right_arithmetic3A_309 : i32 to vector<16xi32>
      %shift_right_arithmetic3A_311 = arith.shrsi %bitcast3A_308, %shift_right_arithmetic3A_310 : vector<16xi32>
      %jit3A_312 = arith.constant -4544 : i32
      %jit3A_313 = arith.constant -6592 : i32
      %broadcast_in_dim3A_314 = vector.broadcast %jit3A_312 : i32 to vector<16xi32>
      %broadcast_in_dim3A_315 = vector.broadcast %jit3A_313 : i32 to vector<16xi32>
      %select_n3A_316 = arith.select %gt3A_297, %broadcast_in_dim3A_314, %broadcast_in_dim3A_315 : vector<16xi1>, vector<16xi32>
      %add3A_317 = arith.addi %shift_right_arithmetic3A_311, %select_n3A_316 : vector<16xi32>
      %gt3A_318 = arith.constant 0 : i32
      %gt3A_319 = vector.broadcast %gt3A_318 : i32 to vector<16xi32>
      %gt3A_320 = arith.cmpi sgt, %get3A_161, %gt3A_319 : vector<16xi32>
      %gt3A_321 = arith.constant 0 : i32
      %gt3A_322 = vector.broadcast %gt3A_321 : i32 to vector<16xi32>
      %gt3A_323 = arith.cmpi sgt, %get3A_171, %gt3A_322 : vector<16xi32>
      %sub3A_324 = arith.constant 1.000000e+00 : f32
      %sub3A_325 = vector.broadcast %sub3A_324 : f32 to vector<16xf32>
      %sub3A_326 = arith.subf %sub3A_325, %get3A_169 : vector<16xf32>
      %select_n3A_327 = arith.select %gt3A_323, %get3A_169, %sub3A_326 : vector<16xi1>, vector<16xf32>
      %jit3A_328 = arith.constant 1.000000e-07 : f32
      %jit3A_329 = arith.constant 1.1920929E-7 : f32
      %broadcast_in_dim3A_330 = vector.broadcast %jit3A_328 : f32 to vector<16xf32>
      %broadcast_in_dim3A_331 = vector.broadcast %jit3A_329 : f32 to vector<16xf32>
      %select_n3A_332 = arith.select %gt3A_323, %broadcast_in_dim3A_330, %broadcast_in_dim3A_331 : vector<16xi1>, vector<16xf32>
      %max3A_333 = arith.maximumf %select_n3A_327, %select_n3A_332 : vector<16xf32>
      %bitcast3A_334 = vector.bitcast %max3A_333 : vector<16xf32> to vector<16xi32>
      %shift_right_arithmetic3A_335 = arith.constant 17 : i32
      %shift_right_arithmetic3A_336 = vector.broadcast %shift_right_arithmetic3A_335 : i32 to vector<16xi32>
      %shift_right_arithmetic3A_337 = arith.shrsi %bitcast3A_334, %shift_right_arithmetic3A_336 : vector<16xi32>
      %jit3A_338 = arith.constant -4544 : i32
      %jit3A_339 = arith.constant -6592 : i32
      %broadcast_in_dim3A_340 = vector.broadcast %jit3A_338 : i32 to vector<16xi32>
      %broadcast_in_dim3A_341 = vector.broadcast %jit3A_339 : i32 to vector<16xi32>
      %select_n3A_342 = arith.select %gt3A_323, %broadcast_in_dim3A_340, %broadcast_in_dim3A_341 : vector<16xi1>, vector<16xi32>
      %add3A_343 = arith.addi %shift_right_arithmetic3A_337, %select_n3A_342 : vector<16xi32>
      %gt3A_344 = arith.constant 0 : i32
      %gt3A_345 = vector.broadcast %gt3A_344 : i32 to vector<16xi32>
      %gt3A_346 = arith.cmpi sgt, %get3A_173, %gt3A_345 : vector<16xi32>
      %gt3A_347 = arith.constant 0 : i32
      %gt3A_348 = vector.broadcast %gt3A_347 : i32 to vector<16xi32>
      %gt3A_349 = arith.cmpi sgt, %get3A_183, %gt3A_348 : vector<16xi32>
      %sub3A_350 = arith.constant 1.000000e+00 : f32
      %sub3A_351 = vector.broadcast %sub3A_350 : f32 to vector<16xf32>
      %sub3A_352 = arith.subf %sub3A_351, %get3A_181 : vector<16xf32>
      %select_n3A_353 = arith.select %gt3A_349, %get3A_181, %sub3A_352 : vector<16xi1>, vector<16xf32>
      %jit3A_354 = arith.constant 1.000000e-07 : f32
      %jit3A_355 = arith.constant 1.1920929E-7 : f32
      %broadcast_in_dim3A_356 = vector.broadcast %jit3A_354 : f32 to vector<16xf32>
      %broadcast_in_dim3A_357 = vector.broadcast %jit3A_355 : f32 to vector<16xf32>
      %select_n3A_358 = arith.select %gt3A_349, %broadcast_in_dim3A_356, %broadcast_in_dim3A_357 : vector<16xi1>, vector<16xf32>
      %max3A_359 = arith.maximumf %select_n3A_353, %select_n3A_358 : vector<16xf32>
      %bitcast3A_360 = vector.bitcast %max3A_359 : vector<16xf32> to vector<16xi32>
      %shift_right_arithmetic3A_361 = arith.constant 17 : i32
      %shift_right_arithmetic3A_362 = vector.broadcast %shift_right_arithmetic3A_361 : i32 to vector<16xi32>
      %shift_right_arithmetic3A_363 = arith.shrsi %bitcast3A_360, %shift_right_arithmetic3A_362 : vector<16xi32>
      %jit3A_364 = arith.constant -4544 : i32
      %jit3A_365 = arith.constant -6592 : i32
      %broadcast_in_dim3A_366 = vector.broadcast %jit3A_364 : i32 to vector<16xi32>
      %broadcast_in_dim3A_367 = vector.broadcast %jit3A_365 : i32 to vector<16xi32>
      %select_n3A_368 = arith.select %gt3A_349, %broadcast_in_dim3A_366, %broadcast_in_dim3A_367 : vector<16xi1>, vector<16xi32>
      %add3A_369 = arith.addi %shift_right_arithmetic3A_363, %select_n3A_368 : vector<16xi32>
      %gt3A_370 = arith.constant 0 : i32
      %gt3A_371 = vector.broadcast %gt3A_370 : i32 to vector<16xi32>
      %gt3A_372 = arith.cmpi sgt, %get3A_185, %gt3A_371 : vector<16xi32>
      %gt3A_373 = arith.constant 0 : i32
      %gt3A_374 = vector.broadcast %gt3A_373 : i32 to vector<16xi32>
      %gt3A_375 = arith.cmpi sgt, %get3A_195, %gt3A_374 : vector<16xi32>
      %sub3A_376 = arith.constant 1.000000e+00 : f32
      %sub3A_377 = vector.broadcast %sub3A_376 : f32 to vector<16xf32>
      %sub3A_378 = arith.subf %sub3A_377, %get3A_193 : vector<16xf32>
      %select_n3A_379 = arith.select %gt3A_375, %get3A_193, %sub3A_378 : vector<16xi1>, vector<16xf32>
      %jit3A_380 = arith.constant 1.000000e-07 : f32
      %jit3A_381 = arith.constant 1.1920929E-7 : f32
      %broadcast_in_dim3A_382 = vector.broadcast %jit3A_380 : f32 to vector<16xf32>
      %broadcast_in_dim3A_383 = vector.broadcast %jit3A_381 : f32 to vector<16xf32>
      %select_n3A_384 = arith.select %gt3A_375, %broadcast_in_dim3A_382, %broadcast_in_dim3A_383 : vector<16xi1>, vector<16xf32>
      %max3A_385 = arith.maximumf %select_n3A_379, %select_n3A_384 : vector<16xf32>
      %bitcast3A_386 = vector.bitcast %max3A_385 : vector<16xf32> to vector<16xi32>
      %shift_right_arithmetic3A_387 = arith.constant 17 : i32
      %shift_right_arithmetic3A_388 = vector.broadcast %shift_right_arithmetic3A_387 : i32 to vector<16xi32>
      %shift_right_arithmetic3A_389 = arith.shrsi %bitcast3A_386, %shift_right_arithmetic3A_388 : vector<16xi32>
      %jit3A_390 = arith.constant -4544 : i32
      %jit3A_391 = arith.constant -6592 : i32
      %broadcast_in_dim3A_392 = vector.broadcast %jit3A_390 : i32 to vector<16xi32>
      %broadcast_in_dim3A_393 = vector.broadcast %jit3A_391 : i32 to vector<16xi32>
      %select_n3A_394 = arith.select %gt3A_375, %broadcast_in_dim3A_392, %broadcast_in_dim3A_393 : vector<16xi1>, vector<16xi32>
      %add3A_395 = arith.addi %shift_right_arithmetic3A_389, %select_n3A_394 : vector<16xi32>
      %gt3A_396 = arith.constant 0 : i32
      %gt3A_397 = vector.broadcast %gt3A_396 : i32 to vector<16xi32>
      %gt3A_398 = arith.cmpi sgt, %get3A_197, %gt3A_397 : vector<16xi32>
      tpu.vector_store_idx %arg15[%add3A_213], %broadcast_in_dim3A_11 masked %gt3A_216 {add = true} : memref<4096xf32, #tpu.memory_space<vmem>>[vector<16xi32>], vector<16xf32>, vector<16xi1>
      tpu.vector_store_idx %arg23[%add3A_213], %max3A masked %gt3A_216 {add = true} : memref<4096xf32, #tpu.memory_space<vmem>>[vector<16xi32>], vector<16xf32>, vector<16xi1>
      tpu.vector_store_idx %arg16[%add3A_239], %broadcast_in_dim3A_11 masked %gt3A_242 {add = true} : memref<4096xf32, #tpu.memory_space<vmem>>[vector<16xi32>], vector<16xf32>, vector<16xi1>
      tpu.vector_store_idx %arg24[%add3A_239], %max3A_229 masked %gt3A_242 {add = true} : memref<4096xf32, #tpu.memory_space<vmem>>[vector<16xi32>], vector<16xf32>, vector<16xi1>
      tpu.vector_store_idx %arg17[%add3A_265], %broadcast_in_dim3A_11 masked %gt3A_268 {add = true} : memref<4096xf32, #tpu.memory_space<vmem>>[vector<16xi32>], vector<16xf32>, vector<16xi1>
      tpu.vector_store_idx %arg25[%add3A_265], %max3A_255 masked %gt3A_268 {add = true} : memref<4096xf32, #tpu.memory_space<vmem>>[vector<16xi32>], vector<16xf32>, vector<16xi1>
      tpu.vector_store_idx %arg18[%add3A_291], %broadcast_in_dim3A_11 masked %gt3A_294 {add = true} : memref<4096xf32, #tpu.memory_space<vmem>>[vector<16xi32>], vector<16xf32>, vector<16xi1>
      tpu.vector_store_idx %arg26[%add3A_291], %max3A_281 masked %gt3A_294 {add = true} : memref<4096xf32, #tpu.memory_space<vmem>>[vector<16xi32>], vector<16xf32>, vector<16xi1>
      tpu.vector_store_idx %arg19[%add3A_317], %broadcast_in_dim3A_11 masked %gt3A_320 {add = true} : memref<4096xf32, #tpu.memory_space<vmem>>[vector<16xi32>], vector<16xf32>, vector<16xi1>
      tpu.vector_store_idx %arg27[%add3A_317], %max3A_307 masked %gt3A_320 {add = true} : memref<4096xf32, #tpu.memory_space<vmem>>[vector<16xi32>], vector<16xf32>, vector<16xi1>
      tpu.vector_store_idx %arg20[%add3A_343], %broadcast_in_dim3A_11 masked %gt3A_346 {add = true} : memref<4096xf32, #tpu.memory_space<vmem>>[vector<16xi32>], vector<16xf32>, vector<16xi1>
      tpu.vector_store_idx %arg28[%add3A_343], %max3A_333 masked %gt3A_346 {add = true} : memref<4096xf32, #tpu.memory_space<vmem>>[vector<16xi32>], vector<16xf32>, vector<16xi1>
      tpu.vector_store_idx %arg21[%add3A_369], %broadcast_in_dim3A_11 masked %gt3A_372 {add = true} : memref<4096xf32, #tpu.memory_space<vmem>>[vector<16xi32>], vector<16xf32>, vector<16xi1>
      tpu.vector_store_idx %arg29[%add3A_369], %max3A_359 masked %gt3A_372 {add = true} : memref<4096xf32, #tpu.memory_space<vmem>>[vector<16xi32>], vector<16xf32>, vector<16xi1>
      tpu.vector_store_idx %arg22[%add3A_395], %broadcast_in_dim3A_11 masked %gt3A_398 {add = true} : memref<4096xf32, #tpu.memory_space<vmem>>[vector<16xi32>], vector<16xf32>, vector<16xi1>
      tpu.vector_store_idx %arg30[%add3A_395], %max3A_385 masked %gt3A_398 {add = true} : memref<4096xf32, #tpu.memory_space<vmem>>[vector<16xi32>], vector<16xf32>, vector<16xi1>
      %scan3A_399 = arith.constant 0 : i32
      scf.yield %scan3A_399 : i32
    }
    %scan3A_38 = arith.constant 64 : i32
    %add3A_39 = arith.constant 16384 : i32
    %add3A_40 = arith.addi %mul3A_2, %add3A_39 : i32
    %dma_start3A_41 = tpu.memref_slice %arg2[%add3A_40] : memref<1048576xf32, #tpu.memory_space<hbm>> -> memref<8192xf32, #tpu.memory_space<hbm>>
    %dma_start3A_42 = tpu.memref_slice %arg2[%add3A_40] : memref<1048576xf32, #tpu.memory_space<hbm>> -> memref<8192xf32, #tpu.memory_space<hbm>>
    tpu.enqueue_dma source(%dma_start3A_42 : memref<8192xf32, #tpu.memory_space<hbm>>) target(%arg7 : memref<8192xf32, #tpu.memory_space<vmem>>) target_semaphore(%arg13 : memref<!tpu.dma_semaphore, #tpu.memory_space<semaphore_mem>>)
    %dma_start3A_43 = tpu.memref_slice %arg3[%add3A_40] : memref<1048576xi32, #tpu.memory_space<hbm>> -> memref<8192xi32, #tpu.memory_space<hbm>>
    %dma_start3A_44 = tpu.memref_slice %arg3[%add3A_40] : memref<1048576xi32, #tpu.memory_space<hbm>> -> memref<8192xi32, #tpu.memory_space<hbm>>
    tpu.enqueue_dma source(%dma_start3A_44 : memref<8192xi32, #tpu.memory_space<hbm>>) target(%arg8 : memref<8192xi32, #tpu.memory_space<vmem>>) target_semaphore(%arg13 : memref<!tpu.dma_semaphore, #tpu.memory_space<semaphore_mem>>)
    %dma_start3A_45 = tpu.memref_slice %arg4[%add3A_40] : memref<1048576xi32, #tpu.memory_space<hbm>> -> memref<8192xi32, #tpu.memory_space<hbm>>
    %dma_start3A_46 = tpu.memref_slice %arg4[%add3A_40] : memref<1048576xi32, #tpu.memory_space<hbm>> -> memref<8192xi32, #tpu.memory_space<hbm>>
    tpu.enqueue_dma source(%dma_start3A_46 : memref<8192xi32, #tpu.memory_space<hbm>>) target(%arg9 : memref<8192xi32, #tpu.memory_space<vmem>>) target_semaphore(%arg13 : memref<!tpu.dma_semaphore, #tpu.memory_space<semaphore_mem>>)
    %dma_wait3A_47 = tpu.memref_slice %arg2[%add3A_20] : memref<1048576xf32, #tpu.memory_space<hbm>> -> memref<8192xf32, #tpu.memory_space<hbm>>
    %dma_wait3A_48 = tpu.memref_slice %arg2[%add3A_20] : memref<1048576xf32, #tpu.memory_space<hbm>> -> memref<8192xf32, #tpu.memory_space<hbm>>
    tpu.wait_dma2 semaphore(%arg14 : memref<!tpu.dma_semaphore, #tpu.memory_space<semaphore_mem>>) src(%dma_wait3A_48 : memref<8192xf32, #tpu.memory_space<hbm>>) dst(%arg10 : memref<8192xf32, #tpu.memory_space<vmem>>)
    %dma_wait3A_49 = tpu.memref_slice %arg3[%add3A_20] : memref<1048576xi32, #tpu.memory_space<hbm>> -> memref<8192xi32, #tpu.memory_space<hbm>>
    %dma_wait3A_50 = tpu.memref_slice %arg3[%add3A_20] : memref<1048576xi32, #tpu.memory_space<hbm>> -> memref<8192xi32, #tpu.memory_space<hbm>>
    tpu.wait_dma2 semaphore(%arg14 : memref<!tpu.dma_semaphore, #tpu.memory_space<semaphore_mem>>) src(%dma_wait3A_50 : memref<8192xi32, #tpu.memory_space<hbm>>) dst(%arg11 : memref<8192xi32, #tpu.memory_space<vmem>>)
    %dma_wait3A_51 = tpu.memref_slice %arg4[%add3A_20] : memref<1048576xi32, #tpu.memory_space<hbm>> -> memref<8192xi32, #tpu.memory_space<hbm>>
    %dma_wait3A_52 = tpu.memref_slice %arg4[%add3A_20] : memref<1048576xi32, #tpu.memory_space<hbm>> -> memref<8192xi32, #tpu.memory_space<hbm>>
    tpu.wait_dma2 semaphore(%arg14 : memref<!tpu.dma_semaphore, #tpu.memory_space<semaphore_mem>>) src(%dma_wait3A_52 : memref<8192xi32, #tpu.memory_space<hbm>>) dst(%arg12 : memref<8192xi32, #tpu.memory_space<vmem>>)
    %scan3A_53 = arith.constant 0 : i32
    %scan3A_54 = arith.constant 0 : i32
    %scan3A_55 = arith.constant 64 : i32
    %scan3A_56 = arith.addi %scan3A_54, %scan3A_55 : i32
    %scan3A_57 = arith.constant 1 : i32
    %scan3A_58 = scf.for %scan3A_101 = %scan3A_54 to %scan3A_56 step %scan3A_57 iter_args(%scan3A_102 = %scan3A_53) -> (i32)  : i32 {
      %mul3A_103 = arith.constant 8 : i32
      %mul3A_104 = arith.muli %scan3A_101, %mul3A_103 : i32
      %add3A_105 = arith.constant 0 : i32
      %add3A_106 = arith.addi %mul3A_104, %add3A_105 : i32
      %mul3A_107 = arith.constant 16 : i32
      %mul3A_108 = arith.muli %add3A_106, %mul3A_107 : i32
      %get3A = arith.index_cast %mul3A_108 : i32 to index
      %get3A_109 = tpu.vector_load %arg10[%get3A] {strides = array<i32>} : memref<8192xf32, #tpu.memory_space<vmem>>, vector<16xf32>,
      %get3A_110 = arith.index_cast %mul3A_108 : i32 to index
      %get3A_111 = tpu.vector_load %arg11[%get3A_110] {strides = array<i32>} : memref<8192xi32, #tpu.memory_space<vmem>>, vector<16xi32>,
      %get3A_112 = arith.index_cast %mul3A_108 : i32 to index
      %get3A_113 = tpu.vector_load %arg12[%get3A_112] {strides = array<i32>} : memref<8192xi32, #tpu.memory_space<vmem>>, vector<16xi32>,
      %mul3A_114 = arith.constant 8 : i32
      %mul3A_115 = arith.muli %scan3A_101, %mul3A_114 : i32
      %add3A_116 = arith.constant 1 : i32
      %add3A_117 = arith.addi %mul3A_115, %add3A_116 : i32
      %mul3A_118 = arith.constant 16 : i32
      %mul3A_119 = arith.muli %add3A_117, %mul3A_118 : i32
      %get3A_120 = arith.index_cast %mul3A_119 : i32 to index
      %get3A_121 = tpu.vector_load %arg10[%get3A_120] {strides = array<i32>} : memref<8192xf32, #tpu.memory_space<vmem>>, vector<16xf32>,
      %get3A_122 = arith.index_cast %mul3A_119 : i32 to index
      %get3A_123 = tpu.vector_load %arg11[%get3A_122] {strides = array<i32>} : memref<8192xi32, #tpu.memory_space<vmem>>, vector<16xi32>,
      %get3A_124 = arith.index_cast %mul3A_119 : i32 to index
      %get3A_125 = tpu.vector_load %arg12[%get3A_124] {strides = array<i32>} : memref<8192xi32, #tpu.memory_space<vmem>>, vector<16xi32>,
      %mul3A_126 = arith.constant 8 : i32
      %mul3A_127 = arith.muli %scan3A_101, %mul3A_126 : i32
      %add3A_128 = arith.constant 2 : i32
      %add3A_129 = arith.addi %mul3A_127, %add3A_128 : i32
      %mul3A_130 = arith.constant 16 : i32
      %mul3A_131 = arith.muli %add3A_129, %mul3A_130 : i32
      %get3A_132 = arith.index_cast %mul3A_131 : i32 to index
      %get3A_133 = tpu.vector_load %arg10[%get3A_132] {strides = array<i32>} : memref<8192xf32, #tpu.memory_space<vmem>>, vector<16xf32>,
      %get3A_134 = arith.index_cast %mul3A_131 : i32 to index
      %get3A_135 = tpu.vector_load %arg11[%get3A_134] {strides = array<i32>} : memref<8192xi32, #tpu.memory_space<vmem>>, vector<16xi32>,
      %get3A_136 = arith.index_cast %mul3A_131 : i32 to index
      %get3A_137 = tpu.vector_load %arg12[%get3A_136] {strides = array<i32>} : memref<8192xi32, #tpu.memory_space<vmem>>, vector<16xi32>,
      %mul3A_138 = arith.constant 8 : i32
      %mul3A_139 = arith.muli %scan3A_101, %mul3A_138 : i32
      %add3A_140 = arith.constant 3 : i32
      %add3A_141 = arith.addi %mul3A_139, %add3A_140 : i32
      %mul3A_142 = arith.constant 16 : i32
      %mul3A_143 = arith.muli %add3A_141, %mul3A_142 : i32
      %get3A_144 = arith.index_cast %mul3A_143 : i32 to index
      %get3A_145 = tpu.vector_load %arg10[%get3A_144] {strides = array<i32>} : memref<8192xf32, #tpu.memory_space<vmem>>, vector<16xf32>,
      %get3A_146 = arith.index_cast %mul3A_143 : i32 to index
      %get3A_147 = tpu.vector_load %arg11[%get3A_146] {strides = array<i32>} : memref<8192xi32, #tpu.memory_space<vmem>>, vector<16xi32>,
      %get3A_148 = arith.index_cast %mul3A_143 : i32 to index
      %get3A_149 = tpu.vector_load %arg12[%get3A_148] {strides = array<i32>} : memref<8192xi32, #tpu.memory_space<vmem>>, vector<16xi32>,
      %mul3A_150 = arith.constant 8 : i32
      %mul3A_151 = arith.muli %scan3A_101, %mul3A_150 : i32
      %add3A_152 = arith.constant 4 : i32
      %add3A_153 = arith.addi %mul3A_151, %add3A_152 : i32
      %mul3A_154 = arith.constant 16 : i32
      %mul3A_155 = arith.muli %add3A_153, %mul3A_154 : i32
      %get3A_156 = arith.index_cast %mul3A_155 : i32 to index
      %get3A_157 = tpu.vector_load %arg10[%get3A_156] {strides = array<i32>} : memref<8192xf32, #tpu.memory_space<vmem>>, vector<16xf32>,
      %get3A_158 = arith.index_cast %mul3A_155 : i32 to index
      %get3A_159 = tpu.vector_load %arg11[%get3A_158] {strides = array<i32>} : memref<8192xi32, #tpu.memory_space<vmem>>, vector<16xi32>,
      %get3A_160 = arith.index_cast %mul3A_155 : i32 to index
      %get3A_161 = tpu.vector_load %arg12[%get3A_160] {strides = array<i32>} : memref<8192xi32, #tpu.memory_space<vmem>>, vector<16xi32>,
      %mul3A_162 = arith.constant 8 : i32
      %mul3A_163 = arith.muli %scan3A_101, %mul3A_162 : i32
      %add3A_164 = arith.constant 5 : i32
      %add3A_165 = arith.addi %mul3A_163, %add3A_164 : i32
      %mul3A_166 = arith.constant 16 : i32
      %mul3A_167 = arith.muli %add3A_165, %mul3A_166 : i32
      %get3A_168 = arith.index_cast %mul3A_167 : i32 to index
      %get3A_169 = tpu.vector_load %arg10[%get3A_168] {strides = array<i32>} : memref<8192xf32, #tpu.memory_space<vmem>>, vector<16xf32>,
      %get3A_170 = arith.index_cast %mul3A_167 : i32 to index
      %get3A_171 = tpu.vector_load %arg11[%get3A_170] {strides = array<i32>} : memref<8192xi32, #tpu.memory_space<vmem>>, vector<16xi32>,
      %get3A_172 = arith.index_cast %mul3A_167 : i32 to index
      %get3A_173 = tpu.vector_load %arg12[%get3A_172] {strides = array<i32>} : memref<8192xi32, #tpu.memory_space<vmem>>, vector<16xi32>,
      %mul3A_174 = arith.constant 8 : i32
      %mul3A_175 = arith.muli %scan3A_101, %mul3A_174 : i32
      %add3A_176 = arith.constant 6 : i32
      %add3A_177 = arith.addi %mul3A_175, %add3A_176 : i32
      %mul3A_178 = arith.constant 16 : i32
      %mul3A_179 = arith.muli %add3A_177, %mul3A_178 : i32
      %get3A_180 = arith.index_cast %mul3A_179 : i32 to index
      %get3A_181 = tpu.vector_load %arg10[%get3A_180] {strides = array<i32>} : memref<8192xf32, #tpu.memory_space<vmem>>, vector<16xf32>,
      %get3A_182 = arith.index_cast %mul3A_179 : i32 to index
      %get3A_183 = tpu.vector_load %arg11[%get3A_182] {strides = array<i32>} : memref<8192xi32, #tpu.memory_space<vmem>>, vector<16xi32>,
      %get3A_184 = arith.index_cast %mul3A_179 : i32 to index
      %get3A_185 = tpu.vector_load %arg12[%get3A_184] {strides = array<i32>} : memref<8192xi32, #tpu.memory_space<vmem>>, vector<16xi32>,
      %mul3A_186 = arith.constant 8 : i32
      %mul3A_187 = arith.muli %scan3A_101, %mul3A_186 : i32
      %add3A_188 = arith.constant 7 : i32
      %add3A_189 = arith.addi %mul3A_187, %add3A_188 : i32
      %mul3A_190 = arith.constant 16 : i32
      %mul3A_191 = arith.muli %add3A_189, %mul3A_190 : i32
      %get3A_192 = arith.index_cast %mul3A_191 : i32 to index
      %get3A_193 = tpu.vector_load %arg10[%get3A_192] {strides = array<i32>} : memref<8192xf32, #tpu.memory_space<vmem>>, vector<16xf32>,
      %get3A_194 = arith.index_cast %mul3A_191 : i32 to index
      %get3A_195 = tpu.vector_load %arg11[%get3A_194] {strides = array<i32>} : memref<8192xi32, #tpu.memory_space<vmem>>, vector<16xi32>,
      %get3A_196 = arith.index_cast %mul3A_191 : i32 to index
      %get3A_197 = tpu.vector_load %arg12[%get3A_196] {strides = array<i32>} : memref<8192xi32, #tpu.memory_space<vmem>>, vector<16xi32>,
      %gt3A = arith.constant 0 : i32
      %gt3A_198 = vector.broadcast %gt3A : i32 to vector<16xi32>
      %gt3A_199 = arith.cmpi sgt, %get3A_111, %gt3A_198 : vector<16xi32>
      %sub3A = arith.constant 1.000000e+00 : f32
      %sub3A_200 = vector.broadcast %sub3A : f32 to vector<16xf32>
      %sub3A_201 = arith.subf %sub3A_200, %get3A_109 : vector<16xf32>
      %select_n3A = arith.select %gt3A_199, %get3A_109, %sub3A_201 : vector<16xi1>, vector<16xf32>
      %jit3A = arith.constant 1.000000e-07 : f32
      %jit3A_202 = arith.constant 1.1920929E-7 : f32
      %broadcast_in_dim3A_203 = vector.broadcast %jit3A : f32 to vector<16xf32>
      %broadcast_in_dim3A_204 = vector.broadcast %jit3A_202 : f32 to vector<16xf32>
      %select_n3A_205 = arith.select %gt3A_199, %broadcast_in_dim3A_203, %broadcast_in_dim3A_204 : vector<16xi1>, vector<16xf32>
      %max3A = arith.maximumf %select_n3A, %select_n3A_205 : vector<16xf32>
      %bitcast3A = vector.bitcast %max3A : vector<16xf32> to vector<16xi32>
      %shift_right_arithmetic3A = arith.constant 17 : i32
      %shift_right_arithmetic3A_206 = vector.broadcast %shift_right_arithmetic3A : i32 to vector<16xi32>
      %shift_right_arithmetic3A_207 = arith.shrsi %bitcast3A, %shift_right_arithmetic3A_206 : vector<16xi32>
      %jit3A_208 = arith.constant -4544 : i32
      %jit3A_209 = arith.constant -6592 : i32
      %broadcast_in_dim3A_210 = vector.broadcast %jit3A_208 : i32 to vector<16xi32>
      %broadcast_in_dim3A_211 = vector.broadcast %jit3A_209 : i32 to vector<16xi32>
      %select_n3A_212 = arith.select %gt3A_199, %broadcast_in_dim3A_210, %broadcast_in_dim3A_211 : vector<16xi1>, vector<16xi32>
      %add3A_213 = arith.addi %shift_right_arithmetic3A_207, %select_n3A_212 : vector<16xi32>
      %gt3A_214 = arith.constant 0 : i32
      %gt3A_215 = vector.broadcast %gt3A_214 : i32 to vector<16xi32>
      %gt3A_216 = arith.cmpi sgt, %get3A_113, %gt3A_215 : vector<16xi32>
      %gt3A_217 = arith.constant 0 : i32
      %gt3A_218 = vector.broadcast %gt3A_217 : i32 to vector<16xi32>
      %gt3A_219 = arith.cmpi sgt, %get3A_123, %gt3A_218 : vector<16xi32>
      %sub3A_220 = arith.constant 1.000000e+00 : f32
      %sub3A_221 = vector.broadcast %sub3A_220 : f32 to vector<16xf32>
      %sub3A_222 = arith.subf %sub3A_221, %get3A_121 : vector<16xf32>
      %select_n3A_223 = arith.select %gt3A_219, %get3A_121, %sub3A_222 : vector<16xi1>, vector<16xf32>
      %jit3A_224 = arith.constant 1.000000e-07 : f32
      %jit3A_225 = arith.constant 1.1920929E-7 : f32
      %broadcast_in_dim3A_226 = vector.broadcast %jit3A_224 : f32 to vector<16xf32>
      %broadcast_in_dim3A_227 = vector.broadcast %jit3A_225 : f32 to vector<16xf32>
      %select_n3A_228 = arith.select %gt3A_219, %broadcast_in_dim3A_226, %broadcast_in_dim3A_227 : vector<16xi1>, vector<16xf32>
      %max3A_229 = arith.maximumf %select_n3A_223, %select_n3A_228 : vector<16xf32>
      %bitcast3A_230 = vector.bitcast %max3A_229 : vector<16xf32> to vector<16xi32>
      %shift_right_arithmetic3A_231 = arith.constant 17 : i32
      %shift_right_arithmetic3A_232 = vector.broadcast %shift_right_arithmetic3A_231 : i32 to vector<16xi32>
      %shift_right_arithmetic3A_233 = arith.shrsi %bitcast3A_230, %shift_right_arithmetic3A_232 : vector<16xi32>
      %jit3A_234 = arith.constant -4544 : i32
      %jit3A_235 = arith.constant -6592 : i32
      %broadcast_in_dim3A_236 = vector.broadcast %jit3A_234 : i32 to vector<16xi32>
      %broadcast_in_dim3A_237 = vector.broadcast %jit3A_235 : i32 to vector<16xi32>
      %select_n3A_238 = arith.select %gt3A_219, %broadcast_in_dim3A_236, %broadcast_in_dim3A_237 : vector<16xi1>, vector<16xi32>
      %add3A_239 = arith.addi %shift_right_arithmetic3A_233, %select_n3A_238 : vector<16xi32>
      %gt3A_240 = arith.constant 0 : i32
      %gt3A_241 = vector.broadcast %gt3A_240 : i32 to vector<16xi32>
      %gt3A_242 = arith.cmpi sgt, %get3A_125, %gt3A_241 : vector<16xi32>
      %gt3A_243 = arith.constant 0 : i32
      %gt3A_244 = vector.broadcast %gt3A_243 : i32 to vector<16xi32>
      %gt3A_245 = arith.cmpi sgt, %get3A_135, %gt3A_244 : vector<16xi32>
      %sub3A_246 = arith.constant 1.000000e+00 : f32
      %sub3A_247 = vector.broadcast %sub3A_246 : f32 to vector<16xf32>
      %sub3A_248 = arith.subf %sub3A_247, %get3A_133 : vector<16xf32>
      %select_n3A_249 = arith.select %gt3A_245, %get3A_133, %sub3A_248 : vector<16xi1>, vector<16xf32>
      %jit3A_250 = arith.constant 1.000000e-07 : f32
      %jit3A_251 = arith.constant 1.1920929E-7 : f32
      %broadcast_in_dim3A_252 = vector.broadcast %jit3A_250 : f32 to vector<16xf32>
      %broadcast_in_dim3A_253 = vector.broadcast %jit3A_251 : f32 to vector<16xf32>
      %select_n3A_254 = arith.select %gt3A_245, %broadcast_in_dim3A_252, %broadcast_in_dim3A_253 : vector<16xi1>, vector<16xf32>
      %max3A_255 = arith.maximumf %select_n3A_249, %select_n3A_254 : vector<16xf32>
      %bitcast3A_256 = vector.bitcast %max3A_255 : vector<16xf32> to vector<16xi32>
      %shift_right_arithmetic3A_257 = arith.constant 17 : i32
      %shift_right_arithmetic3A_258 = vector.broadcast %shift_right_arithmetic3A_257 : i32 to vector<16xi32>
      %shift_right_arithmetic3A_259 = arith.shrsi %bitcast3A_256, %shift_right_arithmetic3A_258 : vector<16xi32>
      %jit3A_260 = arith.constant -4544 : i32
      %jit3A_261 = arith.constant -6592 : i32
      %broadcast_in_dim3A_262 = vector.broadcast %jit3A_260 : i32 to vector<16xi32>
      %broadcast_in_dim3A_263 = vector.broadcast %jit3A_261 : i32 to vector<16xi32>
      %select_n3A_264 = arith.select %gt3A_245, %broadcast_in_dim3A_262, %broadcast_in_dim3A_263 : vector<16xi1>, vector<16xi32>
      %add3A_265 = arith.addi %shift_right_arithmetic3A_259, %select_n3A_264 : vector<16xi32>
      %gt3A_266 = arith.constant 0 : i32
      %gt3A_267 = vector.broadcast %gt3A_266 : i32 to vector<16xi32>
      %gt3A_268 = arith.cmpi sgt, %get3A_137, %gt3A_267 : vector<16xi32>
      %gt3A_269 = arith.constant 0 : i32
      %gt3A_270 = vector.broadcast %gt3A_269 : i32 to vector<16xi32>
      %gt3A_271 = arith.cmpi sgt, %get3A_147, %gt3A_270 : vector<16xi32>
      %sub3A_272 = arith.constant 1.000000e+00 : f32
      %sub3A_273 = vector.broadcast %sub3A_272 : f32 to vector<16xf32>
      %sub3A_274 = arith.subf %sub3A_273, %get3A_145 : vector<16xf32>
      %select_n3A_275 = arith.select %gt3A_271, %get3A_145, %sub3A_274 : vector<16xi1>, vector<16xf32>
      %jit3A_276 = arith.constant 1.000000e-07 : f32
      %jit3A_277 = arith.constant 1.1920929E-7 : f32
      %broadcast_in_dim3A_278 = vector.broadcast %jit3A_276 : f32 to vector<16xf32>
      %broadcast_in_dim3A_279 = vector.broadcast %jit3A_277 : f32 to vector<16xf32>
      %select_n3A_280 = arith.select %gt3A_271, %broadcast_in_dim3A_278, %broadcast_in_dim3A_279 : vector<16xi1>, vector<16xf32>
      %max3A_281 = arith.maximumf %select_n3A_275, %select_n3A_280 : vector<16xf32>
      %bitcast3A_282 = vector.bitcast %max3A_281 : vector<16xf32> to vector<16xi32>
      %shift_right_arithmetic3A_283 = arith.constant 17 : i32
      %shift_right_arithmetic3A_284 = vector.broadcast %shift_right_arithmetic3A_283 : i32 to vector<16xi32>
      %shift_right_arithmetic3A_285 = arith.shrsi %bitcast3A_282, %shift_right_arithmetic3A_284 : vector<16xi32>
      %jit3A_286 = arith.constant -4544 : i32
      %jit3A_287 = arith.constant -6592 : i32
      %broadcast_in_dim3A_288 = vector.broadcast %jit3A_286 : i32 to vector<16xi32>
      %broadcast_in_dim3A_289 = vector.broadcast %jit3A_287 : i32 to vector<16xi32>
      %select_n3A_290 = arith.select %gt3A_271, %broadcast_in_dim3A_288, %broadcast_in_dim3A_289 : vector<16xi1>, vector<16xi32>
      %add3A_291 = arith.addi %shift_right_arithmetic3A_285, %select_n3A_290 : vector<16xi32>
      %gt3A_292 = arith.constant 0 : i32
      %gt3A_293 = vector.broadcast %gt3A_292 : i32 to vector<16xi32>
      %gt3A_294 = arith.cmpi sgt, %get3A_149, %gt3A_293 : vector<16xi32>
      %gt3A_295 = arith.constant 0 : i32
      %gt3A_296 = vector.broadcast %gt3A_295 : i32 to vector<16xi32>
      %gt3A_297 = arith.cmpi sgt, %get3A_159, %gt3A_296 : vector<16xi32>
      %sub3A_298 = arith.constant 1.000000e+00 : f32
      %sub3A_299 = vector.broadcast %sub3A_298 : f32 to vector<16xf32>
      %sub3A_300 = arith.subf %sub3A_299, %get3A_157 : vector<16xf32>
      %select_n3A_301 = arith.select %gt3A_297, %get3A_157, %sub3A_300 : vector<16xi1>, vector<16xf32>
      %jit3A_302 = arith.constant 1.000000e-07 : f32
      %jit3A_303 = arith.constant 1.1920929E-7 : f32
      %broadcast_in_dim3A_304 = vector.broadcast %jit3A_302 : f32 to vector<16xf32>
      %broadcast_in_dim3A_305 = vector.broadcast %jit3A_303 : f32 to vector<16xf32>
      %select_n3A_306 = arith.select %gt3A_297, %broadcast_in_dim3A_304, %broadcast_in_dim3A_305 : vector<16xi1>, vector<16xf32>
      %max3A_307 = arith.maximumf %select_n3A_301, %select_n3A_306 : vector<16xf32>
      %bitcast3A_308 = vector.bitcast %max3A_307 : vector<16xf32> to vector<16xi32>
      %shift_right_arithmetic3A_309 = arith.constant 17 : i32
      %shift_right_arithmetic3A_310 = vector.broadcast %shift_right_arithmetic3A_309 : i32 to vector<16xi32>
      %shift_right_arithmetic3A_311 = arith.shrsi %bitcast3A_308, %shift_right_arithmetic3A_310 : vector<16xi32>
      %jit3A_312 = arith.constant -4544 : i32
      %jit3A_313 = arith.constant -6592 : i32
      %broadcast_in_dim3A_314 = vector.broadcast %jit3A_312 : i32 to vector<16xi32>
      %broadcast_in_dim3A_315 = vector.broadcast %jit3A_313 : i32 to vector<16xi32>
      %select_n3A_316 = arith.select %gt3A_297, %broadcast_in_dim3A_314, %broadcast_in_dim3A_315 : vector<16xi1>, vector<16xi32>
      %add3A_317 = arith.addi %shift_right_arithmetic3A_311, %select_n3A_316 : vector<16xi32>
      %gt3A_318 = arith.constant 0 : i32
      %gt3A_319 = vector.broadcast %gt3A_318 : i32 to vector<16xi32>
      %gt3A_320 = arith.cmpi sgt, %get3A_161, %gt3A_319 : vector<16xi32>
      %gt3A_321 = arith.constant 0 : i32
      %gt3A_322 = vector.broadcast %gt3A_321 : i32 to vector<16xi32>
      %gt3A_323 = arith.cmpi sgt, %get3A_171, %gt3A_322 : vector<16xi32>
      %sub3A_324 = arith.constant 1.000000e+00 : f32
      %sub3A_325 = vector.broadcast %sub3A_324 : f32 to vector<16xf32>
      %sub3A_326 = arith.subf %sub3A_325, %get3A_169 : vector<16xf32>
      %select_n3A_327 = arith.select %gt3A_323, %get3A_169, %sub3A_326 : vector<16xi1>, vector<16xf32>
      %jit3A_328 = arith.constant 1.000000e-07 : f32
      %jit3A_329 = arith.constant 1.1920929E-7 : f32
      %broadcast_in_dim3A_330 = vector.broadcast %jit3A_328 : f32 to vector<16xf32>
      %broadcast_in_dim3A_331 = vector.broadcast %jit3A_329 : f32 to vector<16xf32>
      %select_n3A_332 = arith.select %gt3A_323, %broadcast_in_dim3A_330, %broadcast_in_dim3A_331 : vector<16xi1>, vector<16xf32>
      %max3A_333 = arith.maximumf %select_n3A_327, %select_n3A_332 : vector<16xf32>
      %bitcast3A_334 = vector.bitcast %max3A_333 : vector<16xf32> to vector<16xi32>
      %shift_right_arithmetic3A_335 = arith.constant 17 : i32
      %shift_right_arithmetic3A_336 = vector.broadcast %shift_right_arithmetic3A_335 : i32 to vector<16xi32>
      %shift_right_arithmetic3A_337 = arith.shrsi %bitcast3A_334, %shift_right_arithmetic3A_336 : vector<16xi32>
      %jit3A_338 = arith.constant -4544 : i32
      %jit3A_339 = arith.constant -6592 : i32
      %broadcast_in_dim3A_340 = vector.broadcast %jit3A_338 : i32 to vector<16xi32>
      %broadcast_in_dim3A_341 = vector.broadcast %jit3A_339 : i32 to vector<16xi32>
      %select_n3A_342 = arith.select %gt3A_323, %broadcast_in_dim3A_340, %broadcast_in_dim3A_341 : vector<16xi1>, vector<16xi32>
      %add3A_343 = arith.addi %shift_right_arithmetic3A_337, %select_n3A_342 : vector<16xi32>
      %gt3A_344 = arith.constant 0 : i32
      %gt3A_345 = vector.broadcast %gt3A_344 : i32 to vector<16xi32>
      %gt3A_346 = arith.cmpi sgt, %get3A_173, %gt3A_345 : vector<16xi32>
      %gt3A_347 = arith.constant 0 : i32
      %gt3A_348 = vector.broadcast %gt3A_347 : i32 to vector<16xi32>
      %gt3A_349 = arith.cmpi sgt, %get3A_183, %gt3A_348 : vector<16xi32>
      %sub3A_350 = arith.constant 1.000000e+00 : f32
      %sub3A_351 = vector.broadcast %sub3A_350 : f32 to vector<16xf32>
      %sub3A_352 = arith.subf %sub3A_351, %get3A_181 : vector<16xf32>
      %select_n3A_353 = arith.select %gt3A_349, %get3A_181, %sub3A_352 : vector<16xi1>, vector<16xf32>
      %jit3A_354 = arith.constant 1.000000e-07 : f32
      %jit3A_355 = arith.constant 1.1920929E-7 : f32
      %broadcast_in_dim3A_356 = vector.broadcast %jit3A_354 : f32 to vector<16xf32>
      %broadcast_in_dim3A_357 = vector.broadcast %jit3A_355 : f32 to vector<16xf32>
      %select_n3A_358 = arith.select %gt3A_349, %broadcast_in_dim3A_356, %broadcast_in_dim3A_357 : vector<16xi1>, vector<16xf32>
      %max3A_359 = arith.maximumf %select_n3A_353, %select_n3A_358 : vector<16xf32>
      %bitcast3A_360 = vector.bitcast %max3A_359 : vector<16xf32> to vector<16xi32>
      %shift_right_arithmetic3A_361 = arith.constant 17 : i32
      %shift_right_arithmetic3A_362 = vector.broadcast %shift_right_arithmetic3A_361 : i32 to vector<16xi32>
      %shift_right_arithmetic3A_363 = arith.shrsi %bitcast3A_360, %shift_right_arithmetic3A_362 : vector<16xi32>
      %jit3A_364 = arith.constant -4544 : i32
      %jit3A_365 = arith.constant -6592 : i32
      %broadcast_in_dim3A_366 = vector.broadcast %jit3A_364 : i32 to vector<16xi32>
      %broadcast_in_dim3A_367 = vector.broadcast %jit3A_365 : i32 to vector<16xi32>
      %select_n3A_368 = arith.select %gt3A_349, %broadcast_in_dim3A_366, %broadcast_in_dim3A_367 : vector<16xi1>, vector<16xi32>
      %add3A_369 = arith.addi %shift_right_arithmetic3A_363, %select_n3A_368 : vector<16xi32>
      %gt3A_370 = arith.constant 0 : i32
      %gt3A_371 = vector.broadcast %gt3A_370 : i32 to vector<16xi32>
      %gt3A_372 = arith.cmpi sgt, %get3A_185, %gt3A_371 : vector<16xi32>
      %gt3A_373 = arith.constant 0 : i32
      %gt3A_374 = vector.broadcast %gt3A_373 : i32 to vector<16xi32>
      %gt3A_375 = arith.cmpi sgt, %get3A_195, %gt3A_374 : vector<16xi32>
      %sub3A_376 = arith.constant 1.000000e+00 : f32
      %sub3A_377 = vector.broadcast %sub3A_376 : f32 to vector<16xf32>
      %sub3A_378 = arith.subf %sub3A_377, %get3A_193 : vector<16xf32>
      %select_n3A_379 = arith.select %gt3A_375, %get3A_193, %sub3A_378 : vector<16xi1>, vector<16xf32>
      %jit3A_380 = arith.constant 1.000000e-07 : f32
      %jit3A_381 = arith.constant 1.1920929E-7 : f32
      %broadcast_in_dim3A_382 = vector.broadcast %jit3A_380 : f32 to vector<16xf32>
      %broadcast_in_dim3A_383 = vector.broadcast %jit3A_381 : f32 to vector<16xf32>
      %select_n3A_384 = arith.select %gt3A_375, %broadcast_in_dim3A_382, %broadcast_in_dim3A_383 : vector<16xi1>, vector<16xf32>
      %max3A_385 = arith.maximumf %select_n3A_379, %select_n3A_384 : vector<16xf32>
      %bitcast3A_386 = vector.bitcast %max3A_385 : vector<16xf32> to vector<16xi32>
      %shift_right_arithmetic3A_387 = arith.constant 17 : i32
      %shift_right_arithmetic3A_388 = vector.broadcast %shift_right_arithmetic3A_387 : i32 to vector<16xi32>
      %shift_right_arithmetic3A_389 = arith.shrsi %bitcast3A_386, %shift_right_arithmetic3A_388 : vector<16xi32>
      %jit3A_390 = arith.constant -4544 : i32
      %jit3A_391 = arith.constant -6592 : i32
      %broadcast_in_dim3A_392 = vector.broadcast %jit3A_390 : i32 to vector<16xi32>
      %broadcast_in_dim3A_393 = vector.broadcast %jit3A_391 : i32 to vector<16xi32>
      %select_n3A_394 = arith.select %gt3A_375, %broadcast_in_dim3A_392, %broadcast_in_dim3A_393 : vector<16xi1>, vector<16xi32>
      %add3A_395 = arith.addi %shift_right_arithmetic3A_389, %select_n3A_394 : vector<16xi32>
      %gt3A_396 = arith.constant 0 : i32
      %gt3A_397 = vector.broadcast %gt3A_396 : i32 to vector<16xi32>
      %gt3A_398 = arith.cmpi sgt, %get3A_197, %gt3A_397 : vector<16xi32>
      tpu.vector_store_idx %arg15[%add3A_213], %broadcast_in_dim3A_11 masked %gt3A_216 {add = true} : memref<4096xf32, #tpu.memory_space<vmem>>[vector<16xi32>], vector<16xf32>, vector<16xi1>
      tpu.vector_store_idx %arg23[%add3A_213], %max3A masked %gt3A_216 {add = true} : memref<4096xf32, #tpu.memory_space<vmem>>[vector<16xi32>], vector<16xf32>, vector<16xi1>
      tpu.vector_store_idx %arg16[%add3A_239], %broadcast_in_dim3A_11 masked %gt3A_242 {add = true} : memref<4096xf32, #tpu.memory_space<vmem>>[vector<16xi32>], vector<16xf32>, vector<16xi1>
      tpu.vector_store_idx %arg24[%add3A_239], %max3A_229 masked %gt3A_242 {add = true} : memref<4096xf32, #tpu.memory_space<vmem>>[vector<16xi32>], vector<16xf32>, vector<16xi1>
      tpu.vector_store_idx %arg17[%add3A_265], %broadcast_in_dim3A_11 masked %gt3A_268 {add = true} : memref<4096xf32, #tpu.memory_space<vmem>>[vector<16xi32>], vector<16xf32>, vector<16xi1>
      tpu.vector_store_idx %arg25[%add3A_265], %max3A_255 masked %gt3A_268 {add = true} : memref<4096xf32, #tpu.memory_space<vmem>>[vector<16xi32>], vector<16xf32>, vector<16xi1>
      tpu.vector_store_idx %arg18[%add3A_291], %broadcast_in_dim3A_11 masked %gt3A_294 {add = true} : memref<4096xf32, #tpu.memory_space<vmem>>[vector<16xi32>], vector<16xf32>, vector<16xi1>
      tpu.vector_store_idx %arg26[%add3A_291], %max3A_281 masked %gt3A_294 {add = true} : memref<4096xf32, #tpu.memory_space<vmem>>[vector<16xi32>], vector<16xf32>, vector<16xi1>
      tpu.vector_store_idx %arg19[%add3A_317], %broadcast_in_dim3A_11 masked %gt3A_320 {add = true} : memref<4096xf32, #tpu.memory_space<vmem>>[vector<16xi32>], vector<16xf32>, vector<16xi1>
      tpu.vector_store_idx %arg27[%add3A_317], %max3A_307 masked %gt3A_320 {add = true} : memref<4096xf32, #tpu.memory_space<vmem>>[vector<16xi32>], vector<16xf32>, vector<16xi1>
      tpu.vector_store_idx %arg20[%add3A_343], %broadcast_in_dim3A_11 masked %gt3A_346 {add = true} : memref<4096xf32, #tpu.memory_space<vmem>>[vector<16xi32>], vector<16xf32>, vector<16xi1>
      tpu.vector_store_idx %arg28[%add3A_343], %max3A_333 masked %gt3A_346 {add = true} : memref<4096xf32, #tpu.memory_space<vmem>>[vector<16xi32>], vector<16xf32>, vector<16xi1>
      tpu.vector_store_idx %arg21[%add3A_369], %broadcast_in_dim3A_11 masked %gt3A_372 {add = true} : memref<4096xf32, #tpu.memory_space<vmem>>[vector<16xi32>], vector<16xf32>, vector<16xi1>
      tpu.vector_store_idx %arg29[%add3A_369], %max3A_359 masked %gt3A_372 {add = true} : memref<4096xf32, #tpu.memory_space<vmem>>[vector<16xi32>], vector<16xf32>, vector<16xi1>
      tpu.vector_store_idx %arg22[%add3A_395], %broadcast_in_dim3A_11 masked %gt3A_398 {add = true} : memref<4096xf32, #tpu.memory_space<vmem>>[vector<16xi32>], vector<16xf32>, vector<16xi1>
      tpu.vector_store_idx %arg30[%add3A_395], %max3A_385 masked %gt3A_398 {add = true} : memref<4096xf32, #tpu.memory_space<vmem>>[vector<16xi32>], vector<16xf32>, vector<16xi1>
      %scan3A_399 = arith.constant 0 : i32
      scf.yield %scan3A_399 : i32
    }
    %scan3A_59 = arith.constant 64 : i32
    %add3A_60 = arith.constant 24576 : i32
    %add3A_61 = arith.addi %mul3A_2, %add3A_60 : i32
    %dma_start3A_62 = tpu.memref_slice %arg2[%add3A_61] : memref<1048576xf32, #tpu.memory_space<hbm>> -> memref<8192xf32, #tpu.memory_space<hbm>>
    %dma_start3A_63 = tpu.memref_slice %arg2[%add3A_61] : memref<1048576xf32, #tpu.memory_space<hbm>> -> memref<8192xf32, #tpu.memory_space<hbm>>
    tpu.enqueue_dma source(%dma_start3A_63 : memref<8192xf32, #tpu.memory_space<hbm>>) target(%arg10 : memref<8192xf32, #tpu.memory_space<vmem>>) target_semaphore(%arg14 : memref<!tpu.dma_semaphore, #tpu.memory_space<semaphore_mem>>)
    %dma_start3A_64 = tpu.memref_slice %arg3[%add3A_61] : memref<1048576xi32, #tpu.memory_space<hbm>> -> memref<8192xi32, #tpu.memory_space<hbm>>
    %dma_start3A_65 = tpu.memref_slice %arg3[%add3A_61] : memref<1048576xi32, #tpu.memory_space<hbm>> -> memref<8192xi32, #tpu.memory_space<hbm>>
    tpu.enqueue_dma source(%dma_start3A_65 : memref<8192xi32, #tpu.memory_space<hbm>>) target(%arg11 : memref<8192xi32, #tpu.memory_space<vmem>>) target_semaphore(%arg14 : memref<!tpu.dma_semaphore, #tpu.memory_space<semaphore_mem>>)
    %dma_start3A_66 = tpu.memref_slice %arg4[%add3A_61] : memref<1048576xi32, #tpu.memory_space<hbm>> -> memref<8192xi32, #tpu.memory_space<hbm>>
    %dma_start3A_67 = tpu.memref_slice %arg4[%add3A_61] : memref<1048576xi32, #tpu.memory_space<hbm>> -> memref<8192xi32, #tpu.memory_space<hbm>>
    tpu.enqueue_dma source(%dma_start3A_67 : memref<8192xi32, #tpu.memory_space<hbm>>) target(%arg12 : memref<8192xi32, #tpu.memory_space<vmem>>) target_semaphore(%arg14 : memref<!tpu.dma_semaphore, #tpu.memory_space<semaphore_mem>>)
    %dma_wait3A_68 = tpu.memref_slice %arg2[%add3A_40] : memref<1048576xf32, #tpu.memory_space<hbm>> -> memref<8192xf32, #tpu.memory_space<hbm>>
    %dma_wait3A_69 = tpu.memref_slice %arg2[%add3A_40] : memref<1048576xf32, #tpu.memory_space<hbm>> -> memref<8192xf32, #tpu.memory_space<hbm>>
    tpu.wait_dma2 semaphore(%arg13 : memref<!tpu.dma_semaphore, #tpu.memory_space<semaphore_mem>>) src(%dma_wait3A_69 : memref<8192xf32, #tpu.memory_space<hbm>>) dst(%arg7 : memref<8192xf32, #tpu.memory_space<vmem>>)
    %dma_wait3A_70 = tpu.memref_slice %arg3[%add3A_40] : memref<1048576xi32, #tpu.memory_space<hbm>> -> memref<8192xi32, #tpu.memory_space<hbm>>
    %dma_wait3A_71 = tpu.memref_slice %arg3[%add3A_40] : memref<1048576xi32, #tpu.memory_space<hbm>> -> memref<8192xi32, #tpu.memory_space<hbm>>
    tpu.wait_dma2 semaphore(%arg13 : memref<!tpu.dma_semaphore, #tpu.memory_space<semaphore_mem>>) src(%dma_wait3A_71 : memref<8192xi32, #tpu.memory_space<hbm>>) dst(%arg8 : memref<8192xi32, #tpu.memory_space<vmem>>)
    %dma_wait3A_72 = tpu.memref_slice %arg4[%add3A_40] : memref<1048576xi32, #tpu.memory_space<hbm>> -> memref<8192xi32, #tpu.memory_space<hbm>>
    %dma_wait3A_73 = tpu.memref_slice %arg4[%add3A_40] : memref<1048576xi32, #tpu.memory_space<hbm>> -> memref<8192xi32, #tpu.memory_space<hbm>>
    tpu.wait_dma2 semaphore(%arg13 : memref<!tpu.dma_semaphore, #tpu.memory_space<semaphore_mem>>) src(%dma_wait3A_73 : memref<8192xi32, #tpu.memory_space<hbm>>) dst(%arg9 : memref<8192xi32, #tpu.memory_space<vmem>>)
    %scan3A_74 = arith.constant 0 : i32
    %scan3A_75 = arith.constant 0 : i32
    %scan3A_76 = arith.constant 64 : i32
    %scan3A_77 = arith.addi %scan3A_75, %scan3A_76 : i32
    %scan3A_78 = arith.constant 1 : i32
    %scan3A_79 = scf.for %scan3A_101 = %scan3A_75 to %scan3A_77 step %scan3A_78 iter_args(%scan3A_102 = %scan3A_74) -> (i32)  : i32 {
      %mul3A_103 = arith.constant 8 : i32
      %mul3A_104 = arith.muli %scan3A_101, %mul3A_103 : i32
      %add3A_105 = arith.constant 0 : i32
      %add3A_106 = arith.addi %mul3A_104, %add3A_105 : i32
      %mul3A_107 = arith.constant 16 : i32
      %mul3A_108 = arith.muli %add3A_106, %mul3A_107 : i32
      %get3A = arith.index_cast %mul3A_108 : i32 to index
      %get3A_109 = tpu.vector_load %arg7[%get3A] {strides = array<i32>} : memref<8192xf32, #tpu.memory_space<vmem>>, vector<16xf32>,
      %get3A_110 = arith.index_cast %mul3A_108 : i32 to index
      %get3A_111 = tpu.vector_load %arg8[%get3A_110] {strides = array<i32>} : memref<8192xi32, #tpu.memory_space<vmem>>, vector<16xi32>,
      %get3A_112 = arith.index_cast %mul3A_108 : i32 to index
      %get3A_113 = tpu.vector_load %arg9[%get3A_112] {strides = array<i32>} : memref<8192xi32, #tpu.memory_space<vmem>>, vector<16xi32>,
      %mul3A_114 = arith.constant 8 : i32
      %mul3A_115 = arith.muli %scan3A_101, %mul3A_114 : i32
      %add3A_116 = arith.constant 1 : i32
      %add3A_117 = arith.addi %mul3A_115, %add3A_116 : i32
      %mul3A_118 = arith.constant 16 : i32
      %mul3A_119 = arith.muli %add3A_117, %mul3A_118 : i32
      %get3A_120 = arith.index_cast %mul3A_119 : i32 to index
      %get3A_121 = tpu.vector_load %arg7[%get3A_120] {strides = array<i32>} : memref<8192xf32, #tpu.memory_space<vmem>>, vector<16xf32>,
      %get3A_122 = arith.index_cast %mul3A_119 : i32 to index
      %get3A_123 = tpu.vector_load %arg8[%get3A_122] {strides = array<i32>} : memref<8192xi32, #tpu.memory_space<vmem>>, vector<16xi32>,
      %get3A_124 = arith.index_cast %mul3A_119 : i32 to index
      %get3A_125 = tpu.vector_load %arg9[%get3A_124] {strides = array<i32>} : memref<8192xi32, #tpu.memory_space<vmem>>, vector<16xi32>,
      %mul3A_126 = arith.constant 8 : i32
      %mul3A_127 = arith.muli %scan3A_101, %mul3A_126 : i32
      %add3A_128 = arith.constant 2 : i32
      %add3A_129 = arith.addi %mul3A_127, %add3A_128 : i32
      %mul3A_130 = arith.constant 16 : i32
      %mul3A_131 = arith.muli %add3A_129, %mul3A_130 : i32
      %get3A_132 = arith.index_cast %mul3A_131 : i32 to index
      %get3A_133 = tpu.vector_load %arg7[%get3A_132] {strides = array<i32>} : memref<8192xf32, #tpu.memory_space<vmem>>, vector<16xf32>,
      %get3A_134 = arith.index_cast %mul3A_131 : i32 to index
      %get3A_135 = tpu.vector_load %arg8[%get3A_134] {strides = array<i32>} : memref<8192xi32, #tpu.memory_space<vmem>>, vector<16xi32>,
      %get3A_136 = arith.index_cast %mul3A_131 : i32 to index
      %get3A_137 = tpu.vector_load %arg9[%get3A_136] {strides = array<i32>} : memref<8192xi32, #tpu.memory_space<vmem>>, vector<16xi32>,
      %mul3A_138 = arith.constant 8 : i32
      %mul3A_139 = arith.muli %scan3A_101, %mul3A_138 : i32
      %add3A_140 = arith.constant 3 : i32
      %add3A_141 = arith.addi %mul3A_139, %add3A_140 : i32
      %mul3A_142 = arith.constant 16 : i32
      %mul3A_143 = arith.muli %add3A_141, %mul3A_142 : i32
      %get3A_144 = arith.index_cast %mul3A_143 : i32 to index
      %get3A_145 = tpu.vector_load %arg7[%get3A_144] {strides = array<i32>} : memref<8192xf32, #tpu.memory_space<vmem>>, vector<16xf32>,
      %get3A_146 = arith.index_cast %mul3A_143 : i32 to index
      %get3A_147 = tpu.vector_load %arg8[%get3A_146] {strides = array<i32>} : memref<8192xi32, #tpu.memory_space<vmem>>, vector<16xi32>,
      %get3A_148 = arith.index_cast %mul3A_143 : i32 to index
      %get3A_149 = tpu.vector_load %arg9[%get3A_148] {strides = array<i32>} : memref<8192xi32, #tpu.memory_space<vmem>>, vector<16xi32>,
      %mul3A_150 = arith.constant 8 : i32
      %mul3A_151 = arith.muli %scan3A_101, %mul3A_150 : i32
      %add3A_152 = arith.constant 4 : i32
      %add3A_153 = arith.addi %mul3A_151, %add3A_152 : i32
      %mul3A_154 = arith.constant 16 : i32
      %mul3A_155 = arith.muli %add3A_153, %mul3A_154 : i32
      %get3A_156 = arith.index_cast %mul3A_155 : i32 to index
      %get3A_157 = tpu.vector_load %arg7[%get3A_156] {strides = array<i32>} : memref<8192xf32, #tpu.memory_space<vmem>>, vector<16xf32>,
      %get3A_158 = arith.index_cast %mul3A_155 : i32 to index
      %get3A_159 = tpu.vector_load %arg8[%get3A_158] {strides = array<i32>} : memref<8192xi32, #tpu.memory_space<vmem>>, vector<16xi32>,
      %get3A_160 = arith.index_cast %mul3A_155 : i32 to index
      %get3A_161 = tpu.vector_load %arg9[%get3A_160] {strides = array<i32>} : memref<8192xi32, #tpu.memory_space<vmem>>, vector<16xi32>,
      %mul3A_162 = arith.constant 8 : i32
      %mul3A_163 = arith.muli %scan3A_101, %mul3A_162 : i32
      %add3A_164 = arith.constant 5 : i32
      %add3A_165 = arith.addi %mul3A_163, %add3A_164 : i32
      %mul3A_166 = arith.constant 16 : i32
      %mul3A_167 = arith.muli %add3A_165, %mul3A_166 : i32
      %get3A_168 = arith.index_cast %mul3A_167 : i32 to index
      %get3A_169 = tpu.vector_load %arg7[%get3A_168] {strides = array<i32>} : memref<8192xf32, #tpu.memory_space<vmem>>, vector<16xf32>,
      %get3A_170 = arith.index_cast %mul3A_167 : i32 to index
      %get3A_171 = tpu.vector_load %arg8[%get3A_170] {strides = array<i32>} : memref<8192xi32, #tpu.memory_space<vmem>>, vector<16xi32>,
      %get3A_172 = arith.index_cast %mul3A_167 : i32 to index
      %get3A_173 = tpu.vector_load %arg9[%get3A_172] {strides = array<i32>} : memref<8192xi32, #tpu.memory_space<vmem>>, vector<16xi32>,
      %mul3A_174 = arith.constant 8 : i32
      %mul3A_175 = arith.muli %scan3A_101, %mul3A_174 : i32
      %add3A_176 = arith.constant 6 : i32
      %add3A_177 = arith.addi %mul3A_175, %add3A_176 : i32
      %mul3A_178 = arith.constant 16 : i32
      %mul3A_179 = arith.muli %add3A_177, %mul3A_178 : i32
      %get3A_180 = arith.index_cast %mul3A_179 : i32 to index
      %get3A_181 = tpu.vector_load %arg7[%get3A_180] {strides = array<i32>} : memref<8192xf32, #tpu.memory_space<vmem>>, vector<16xf32>,
      %get3A_182 = arith.index_cast %mul3A_179 : i32 to index
      %get3A_183 = tpu.vector_load %arg8[%get3A_182] {strides = array<i32>} : memref<8192xi32, #tpu.memory_space<vmem>>, vector<16xi32>,
      %get3A_184 = arith.index_cast %mul3A_179 : i32 to index
      %get3A_185 = tpu.vector_load %arg9[%get3A_184] {strides = array<i32>} : memref<8192xi32, #tpu.memory_space<vmem>>, vector<16xi32>,
      %mul3A_186 = arith.constant 8 : i32
      %mul3A_187 = arith.muli %scan3A_101, %mul3A_186 : i32
      %add3A_188 = arith.constant 7 : i32
      %add3A_189 = arith.addi %mul3A_187, %add3A_188 : i32
      %mul3A_190 = arith.constant 16 : i32
      %mul3A_191 = arith.muli %add3A_189, %mul3A_190 : i32
      %get3A_192 = arith.index_cast %mul3A_191 : i32 to index
      %get3A_193 = tpu.vector_load %arg7[%get3A_192] {strides = array<i32>} : memref<8192xf32, #tpu.memory_space<vmem>>, vector<16xf32>,
      %get3A_194 = arith.index_cast %mul3A_191 : i32 to index
      %get3A_195 = tpu.vector_load %arg8[%get3A_194] {strides = array<i32>} : memref<8192xi32, #tpu.memory_space<vmem>>, vector<16xi32>,
      %get3A_196 = arith.index_cast %mul3A_191 : i32 to index
      %get3A_197 = tpu.vector_load %arg9[%get3A_196] {strides = array<i32>} : memref<8192xi32, #tpu.memory_space<vmem>>, vector<16xi32>,
      %gt3A = arith.constant 0 : i32
      %gt3A_198 = vector.broadcast %gt3A : i32 to vector<16xi32>
      %gt3A_199 = arith.cmpi sgt, %get3A_111, %gt3A_198 : vector<16xi32>
      %sub3A = arith.constant 1.000000e+00 : f32
      %sub3A_200 = vector.broadcast %sub3A : f32 to vector<16xf32>
      %sub3A_201 = arith.subf %sub3A_200, %get3A_109 : vector<16xf32>
      %select_n3A = arith.select %gt3A_199, %get3A_109, %sub3A_201 : vector<16xi1>, vector<16xf32>
      %jit3A = arith.constant 1.000000e-07 : f32
      %jit3A_202 = arith.constant 1.1920929E-7 : f32
      %broadcast_in_dim3A_203 = vector.broadcast %jit3A : f32 to vector<16xf32>
      %broadcast_in_dim3A_204 = vector.broadcast %jit3A_202 : f32 to vector<16xf32>
      %select_n3A_205 = arith.select %gt3A_199, %broadcast_in_dim3A_203, %broadcast_in_dim3A_204 : vector<16xi1>, vector<16xf32>
      %max3A = arith.maximumf %select_n3A, %select_n3A_205 : vector<16xf32>
      %bitcast3A = vector.bitcast %max3A : vector<16xf32> to vector<16xi32>
      %shift_right_arithmetic3A = arith.constant 17 : i32
      %shift_right_arithmetic3A_206 = vector.broadcast %shift_right_arithmetic3A : i32 to vector<16xi32>
      %shift_right_arithmetic3A_207 = arith.shrsi %bitcast3A, %shift_right_arithmetic3A_206 : vector<16xi32>
      %jit3A_208 = arith.constant -4544 : i32
      %jit3A_209 = arith.constant -6592 : i32
      %broadcast_in_dim3A_210 = vector.broadcast %jit3A_208 : i32 to vector<16xi32>
      %broadcast_in_dim3A_211 = vector.broadcast %jit3A_209 : i32 to vector<16xi32>
      %select_n3A_212 = arith.select %gt3A_199, %broadcast_in_dim3A_210, %broadcast_in_dim3A_211 : vector<16xi1>, vector<16xi32>
      %add3A_213 = arith.addi %shift_right_arithmetic3A_207, %select_n3A_212 : vector<16xi32>
      %gt3A_214 = arith.constant 0 : i32
      %gt3A_215 = vector.broadcast %gt3A_214 : i32 to vector<16xi32>
      %gt3A_216 = arith.cmpi sgt, %get3A_113, %gt3A_215 : vector<16xi32>
      %gt3A_217 = arith.constant 0 : i32
      %gt3A_218 = vector.broadcast %gt3A_217 : i32 to vector<16xi32>
      %gt3A_219 = arith.cmpi sgt, %get3A_123, %gt3A_218 : vector<16xi32>
      %sub3A_220 = arith.constant 1.000000e+00 : f32
      %sub3A_221 = vector.broadcast %sub3A_220 : f32 to vector<16xf32>
      %sub3A_222 = arith.subf %sub3A_221, %get3A_121 : vector<16xf32>
      %select_n3A_223 = arith.select %gt3A_219, %get3A_121, %sub3A_222 : vector<16xi1>, vector<16xf32>
      %jit3A_224 = arith.constant 1.000000e-07 : f32
      %jit3A_225 = arith.constant 1.1920929E-7 : f32
      %broadcast_in_dim3A_226 = vector.broadcast %jit3A_224 : f32 to vector<16xf32>
      %broadcast_in_dim3A_227 = vector.broadcast %jit3A_225 : f32 to vector<16xf32>
      %select_n3A_228 = arith.select %gt3A_219, %broadcast_in_dim3A_226, %broadcast_in_dim3A_227 : vector<16xi1>, vector<16xf32>
      %max3A_229 = arith.maximumf %select_n3A_223, %select_n3A_228 : vector<16xf32>
      %bitcast3A_230 = vector.bitcast %max3A_229 : vector<16xf32> to vector<16xi32>
      %shift_right_arithmetic3A_231 = arith.constant 17 : i32
      %shift_right_arithmetic3A_232 = vector.broadcast %shift_right_arithmetic3A_231 : i32 to vector<16xi32>
      %shift_right_arithmetic3A_233 = arith.shrsi %bitcast3A_230, %shift_right_arithmetic3A_232 : vector<16xi32>
      %jit3A_234 = arith.constant -4544 : i32
      %jit3A_235 = arith.constant -6592 : i32
      %broadcast_in_dim3A_236 = vector.broadcast %jit3A_234 : i32 to vector<16xi32>
      %broadcast_in_dim3A_237 = vector.broadcast %jit3A_235 : i32 to vector<16xi32>
      %select_n3A_238 = arith.select %gt3A_219, %broadcast_in_dim3A_236, %broadcast_in_dim3A_237 : vector<16xi1>, vector<16xi32>
      %add3A_239 = arith.addi %shift_right_arithmetic3A_233, %select_n3A_238 : vector<16xi32>
      %gt3A_240 = arith.constant 0 : i32
      %gt3A_241 = vector.broadcast %gt3A_240 : i32 to vector<16xi32>
      %gt3A_242 = arith.cmpi sgt, %get3A_125, %gt3A_241 : vector<16xi32>
      %gt3A_243 = arith.constant 0 : i32
      %gt3A_244 = vector.broadcast %gt3A_243 : i32 to vector<16xi32>
      %gt3A_245 = arith.cmpi sgt, %get3A_135, %gt3A_244 : vector<16xi32>
      %sub3A_246 = arith.constant 1.000000e+00 : f32
      %sub3A_247 = vector.broadcast %sub3A_246 : f32 to vector<16xf32>
      %sub3A_248 = arith.subf %sub3A_247, %get3A_133 : vector<16xf32>
      %select_n3A_249 = arith.select %gt3A_245, %get3A_133, %sub3A_248 : vector<16xi1>, vector<16xf32>
      %jit3A_250 = arith.constant 1.000000e-07 : f32
      %jit3A_251 = arith.constant 1.1920929E-7 : f32
      %broadcast_in_dim3A_252 = vector.broadcast %jit3A_250 : f32 to vector<16xf32>
      %broadcast_in_dim3A_253 = vector.broadcast %jit3A_251 : f32 to vector<16xf32>
      %select_n3A_254 = arith.select %gt3A_245, %broadcast_in_dim3A_252, %broadcast_in_dim3A_253 : vector<16xi1>, vector<16xf32>
      %max3A_255 = arith.maximumf %select_n3A_249, %select_n3A_254 : vector<16xf32>
      %bitcast3A_256 = vector.bitcast %max3A_255 : vector<16xf32> to vector<16xi32>
      %shift_right_arithmetic3A_257 = arith.constant 17 : i32
      %shift_right_arithmetic3A_258 = vector.broadcast %shift_right_arithmetic3A_257 : i32 to vector<16xi32>
      %shift_right_arithmetic3A_259 = arith.shrsi %bitcast3A_256, %shift_right_arithmetic3A_258 : vector<16xi32>
      %jit3A_260 = arith.constant -4544 : i32
      %jit3A_261 = arith.constant -6592 : i32
      %broadcast_in_dim3A_262 = vector.broadcast %jit3A_260 : i32 to vector<16xi32>
      %broadcast_in_dim3A_263 = vector.broadcast %jit3A_261 : i32 to vector<16xi32>
      %select_n3A_264 = arith.select %gt3A_245, %broadcast_in_dim3A_262, %broadcast_in_dim3A_263 : vector<16xi1>, vector<16xi32>
      %add3A_265 = arith.addi %shift_right_arithmetic3A_259, %select_n3A_264 : vector<16xi32>
      %gt3A_266 = arith.constant 0 : i32
      %gt3A_267 = vector.broadcast %gt3A_266 : i32 to vector<16xi32>
      %gt3A_268 = arith.cmpi sgt, %get3A_137, %gt3A_267 : vector<16xi32>
      %gt3A_269 = arith.constant 0 : i32
      %gt3A_270 = vector.broadcast %gt3A_269 : i32 to vector<16xi32>
      %gt3A_271 = arith.cmpi sgt, %get3A_147, %gt3A_270 : vector<16xi32>
      %sub3A_272 = arith.constant 1.000000e+00 : f32
      %sub3A_273 = vector.broadcast %sub3A_272 : f32 to vector<16xf32>
      %sub3A_274 = arith.subf %sub3A_273, %get3A_145 : vector<16xf32>
      %select_n3A_275 = arith.select %gt3A_271, %get3A_145, %sub3A_274 : vector<16xi1>, vector<16xf32>
      %jit3A_276 = arith.constant 1.000000e-07 : f32
      %jit3A_277 = arith.constant 1.1920929E-7 : f32
      %broadcast_in_dim3A_278 = vector.broadcast %jit3A_276 : f32 to vector<16xf32>
      %broadcast_in_dim3A_279 = vector.broadcast %jit3A_277 : f32 to vector<16xf32>
      %select_n3A_280 = arith.select %gt3A_271, %broadcast_in_dim3A_278, %broadcast_in_dim3A_279 : vector<16xi1>, vector<16xf32>
      %max3A_281 = arith.maximumf %select_n3A_275, %select_n3A_280 : vector<16xf32>
      %bitcast3A_282 = vector.bitcast %max3A_281 : vector<16xf32> to vector<16xi32>
      %shift_right_arithmetic3A_283 = arith.constant 17 : i32
      %shift_right_arithmetic3A_284 = vector.broadcast %shift_right_arithmetic3A_283 : i32 to vector<16xi32>
      %shift_right_arithmetic3A_285 = arith.shrsi %bitcast3A_282, %shift_right_arithmetic3A_284 : vector<16xi32>
      %jit3A_286 = arith.constant -4544 : i32
      %jit3A_287 = arith.constant -6592 : i32
      %broadcast_in_dim3A_288 = vector.broadcast %jit3A_286 : i32 to vector<16xi32>
      %broadcast_in_dim3A_289 = vector.broadcast %jit3A_287 : i32 to vector<16xi32>
      %select_n3A_290 = arith.select %gt3A_271, %broadcast_in_dim3A_288, %broadcast_in_dim3A_289 : vector<16xi1>, vector<16xi32>
      %add3A_291 = arith.addi %shift_right_arithmetic3A_285, %select_n3A_290 : vector<16xi32>
      %gt3A_292 = arith.constant 0 : i32
      %gt3A_293 = vector.broadcast %gt3A_292 : i32 to vector<16xi32>
      %gt3A_294 = arith.cmpi sgt, %get3A_149, %gt3A_293 : vector<16xi32>
      %gt3A_295 = arith.constant 0 : i32
      %gt3A_296 = vector.broadcast %gt3A_295 : i32 to vector<16xi32>
      %gt3A_297 = arith.cmpi sgt, %get3A_159, %gt3A_296 : vector<16xi32>
      %sub3A_298 = arith.constant 1.000000e+00 : f32
      %sub3A_299 = vector.broadcast %sub3A_298 : f32 to vector<16xf32>
      %sub3A_300 = arith.subf %sub3A_299, %get3A_157 : vector<16xf32>
      %select_n3A_301 = arith.select %gt3A_297, %get3A_157, %sub3A_300 : vector<16xi1>, vector<16xf32>
      %jit3A_302 = arith.constant 1.000000e-07 : f32
      %jit3A_303 = arith.constant 1.1920929E-7 : f32
      %broadcast_in_dim3A_304 = vector.broadcast %jit3A_302 : f32 to vector<16xf32>
      %broadcast_in_dim3A_305 = vector.broadcast %jit3A_303 : f32 to vector<16xf32>
      %select_n3A_306 = arith.select %gt3A_297, %broadcast_in_dim3A_304, %broadcast_in_dim3A_305 : vector<16xi1>, vector<16xf32>
      %max3A_307 = arith.maximumf %select_n3A_301, %select_n3A_306 : vector<16xf32>
      %bitcast3A_308 = vector.bitcast %max3A_307 : vector<16xf32> to vector<16xi32>
      %shift_right_arithmetic3A_309 = arith.constant 17 : i32
      %shift_right_arithmetic3A_310 = vector.broadcast %shift_right_arithmetic3A_309 : i32 to vector<16xi32>
      %shift_right_arithmetic3A_311 = arith.shrsi %bitcast3A_308, %shift_right_arithmetic3A_310 : vector<16xi32>
      %jit3A_312 = arith.constant -4544 : i32
      %jit3A_313 = arith.constant -6592 : i32
      %broadcast_in_dim3A_314 = vector.broadcast %jit3A_312 : i32 to vector<16xi32>
      %broadcast_in_dim3A_315 = vector.broadcast %jit3A_313 : i32 to vector<16xi32>
      %select_n3A_316 = arith.select %gt3A_297, %broadcast_in_dim3A_314, %broadcast_in_dim3A_315 : vector<16xi1>, vector<16xi32>
      %add3A_317 = arith.addi %shift_right_arithmetic3A_311, %select_n3A_316 : vector<16xi32>
      %gt3A_318 = arith.constant 0 : i32
      %gt3A_319 = vector.broadcast %gt3A_318 : i32 to vector<16xi32>
      %gt3A_320 = arith.cmpi sgt, %get3A_161, %gt3A_319 : vector<16xi32>
      %gt3A_321 = arith.constant 0 : i32
      %gt3A_322 = vector.broadcast %gt3A_321 : i32 to vector<16xi32>
      %gt3A_323 = arith.cmpi sgt, %get3A_171, %gt3A_322 : vector<16xi32>
      %sub3A_324 = arith.constant 1.000000e+00 : f32
      %sub3A_325 = vector.broadcast %sub3A_324 : f32 to vector<16xf32>
      %sub3A_326 = arith.subf %sub3A_325, %get3A_169 : vector<16xf32>
      %select_n3A_327 = arith.select %gt3A_323, %get3A_169, %sub3A_326 : vector<16xi1>, vector<16xf32>
      %jit3A_328 = arith.constant 1.000000e-07 : f32
      %jit3A_329 = arith.constant 1.1920929E-7 : f32
      %broadcast_in_dim3A_330 = vector.broadcast %jit3A_328 : f32 to vector<16xf32>
      %broadcast_in_dim3A_331 = vector.broadcast %jit3A_329 : f32 to vector<16xf32>
      %select_n3A_332 = arith.select %gt3A_323, %broadcast_in_dim3A_330, %broadcast_in_dim3A_331 : vector<16xi1>, vector<16xf32>
      %max3A_333 = arith.maximumf %select_n3A_327, %select_n3A_332 : vector<16xf32>
      %bitcast3A_334 = vector.bitcast %max3A_333 : vector<16xf32> to vector<16xi32>
      %shift_right_arithmetic3A_335 = arith.constant 17 : i32
      %shift_right_arithmetic3A_336 = vector.broadcast %shift_right_arithmetic3A_335 : i32 to vector<16xi32>
      %shift_right_arithmetic3A_337 = arith.shrsi %bitcast3A_334, %shift_right_arithmetic3A_336 : vector<16xi32>
      %jit3A_338 = arith.constant -4544 : i32
      %jit3A_339 = arith.constant -6592 : i32
      %broadcast_in_dim3A_340 = vector.broadcast %jit3A_338 : i32 to vector<16xi32>
      %broadcast_in_dim3A_341 = vector.broadcast %jit3A_339 : i32 to vector<16xi32>
      %select_n3A_342 = arith.select %gt3A_323, %broadcast_in_dim3A_340, %broadcast_in_dim3A_341 : vector<16xi1>, vector<16xi32>
      %add3A_343 = arith.addi %shift_right_arithmetic3A_337, %select_n3A_342 : vector<16xi32>
      %gt3A_344 = arith.constant 0 : i32
      %gt3A_345 = vector.broadcast %gt3A_344 : i32 to vector<16xi32>
      %gt3A_346 = arith.cmpi sgt, %get3A_173, %gt3A_345 : vector<16xi32>
      %gt3A_347 = arith.constant 0 : i32
      %gt3A_348 = vector.broadcast %gt3A_347 : i32 to vector<16xi32>
      %gt3A_349 = arith.cmpi sgt, %get3A_183, %gt3A_348 : vector<16xi32>
      %sub3A_350 = arith.constant 1.000000e+00 : f32
      %sub3A_351 = vector.broadcast %sub3A_350 : f32 to vector<16xf32>
      %sub3A_352 = arith.subf %sub3A_351, %get3A_181 : vector<16xf32>
      %select_n3A_353 = arith.select %gt3A_349, %get3A_181, %sub3A_352 : vector<16xi1>, vector<16xf32>
      %jit3A_354 = arith.constant 1.000000e-07 : f32
      %jit3A_355 = arith.constant 1.1920929E-7 : f32
      %broadcast_in_dim3A_356 = vector.broadcast %jit3A_354 : f32 to vector<16xf32>
      %broadcast_in_dim3A_357 = vector.broadcast %jit3A_355 : f32 to vector<16xf32>
      %select_n3A_358 = arith.select %gt3A_349, %broadcast_in_dim3A_356, %broadcast_in_dim3A_357 : vector<16xi1>, vector<16xf32>
      %max3A_359 = arith.maximumf %select_n3A_353, %select_n3A_358 : vector<16xf32>
      %bitcast3A_360 = vector.bitcast %max3A_359 : vector<16xf32> to vector<16xi32>
      %shift_right_arithmetic3A_361 = arith.constant 17 : i32
      %shift_right_arithmetic3A_362 = vector.broadcast %shift_right_arithmetic3A_361 : i32 to vector<16xi32>
      %shift_right_arithmetic3A_363 = arith.shrsi %bitcast3A_360, %shift_right_arithmetic3A_362 : vector<16xi32>
      %jit3A_364 = arith.constant -4544 : i32
      %jit3A_365 = arith.constant -6592 : i32
      %broadcast_in_dim3A_366 = vector.broadcast %jit3A_364 : i32 to vector<16xi32>
      %broadcast_in_dim3A_367 = vector.broadcast %jit3A_365 : i32 to vector<16xi32>
      %select_n3A_368 = arith.select %gt3A_349, %broadcast_in_dim3A_366, %broadcast_in_dim3A_367 : vector<16xi1>, vector<16xi32>
      %add3A_369 = arith.addi %shift_right_arithmetic3A_363, %select_n3A_368 : vector<16xi32>
      %gt3A_370 = arith.constant 0 : i32
      %gt3A_371 = vector.broadcast %gt3A_370 : i32 to vector<16xi32>
      %gt3A_372 = arith.cmpi sgt, %get3A_185, %gt3A_371 : vector<16xi32>
      %gt3A_373 = arith.constant 0 : i32
      %gt3A_374 = vector.broadcast %gt3A_373 : i32 to vector<16xi32>
      %gt3A_375 = arith.cmpi sgt, %get3A_195, %gt3A_374 : vector<16xi32>
      %sub3A_376 = arith.constant 1.000000e+00 : f32
      %sub3A_377 = vector.broadcast %sub3A_376 : f32 to vector<16xf32>
      %sub3A_378 = arith.subf %sub3A_377, %get3A_193 : vector<16xf32>
      %select_n3A_379 = arith.select %gt3A_375, %get3A_193, %sub3A_378 : vector<16xi1>, vector<16xf32>
      %jit3A_380 = arith.constant 1.000000e-07 : f32
      %jit3A_381 = arith.constant 1.1920929E-7 : f32
      %broadcast_in_dim3A_382 = vector.broadcast %jit3A_380 : f32 to vector<16xf32>
      %broadcast_in_dim3A_383 = vector.broadcast %jit3A_381 : f32 to vector<16xf32>
      %select_n3A_384 = arith.select %gt3A_375, %broadcast_in_dim3A_382, %broadcast_in_dim3A_383 : vector<16xi1>, vector<16xf32>
      %max3A_385 = arith.maximumf %select_n3A_379, %select_n3A_384 : vector<16xf32>
      %bitcast3A_386 = vector.bitcast %max3A_385 : vector<16xf32> to vector<16xi32>
      %shift_right_arithmetic3A_387 = arith.constant 17 : i32
      %shift_right_arithmetic3A_388 = vector.broadcast %shift_right_arithmetic3A_387 : i32 to vector<16xi32>
      %shift_right_arithmetic3A_389 = arith.shrsi %bitcast3A_386, %shift_right_arithmetic3A_388 : vector<16xi32>
      %jit3A_390 = arith.constant -4544 : i32
      %jit3A_391 = arith.constant -6592 : i32
      %broadcast_in_dim3A_392 = vector.broadcast %jit3A_390 : i32 to vector<16xi32>
      %broadcast_in_dim3A_393 = vector.broadcast %jit3A_391 : i32 to vector<16xi32>
      %select_n3A_394 = arith.select %gt3A_375, %broadcast_in_dim3A_392, %broadcast_in_dim3A_393 : vector<16xi1>, vector<16xi32>
      %add3A_395 = arith.addi %shift_right_arithmetic3A_389, %select_n3A_394 : vector<16xi32>
      %gt3A_396 = arith.constant 0 : i32
      %gt3A_397 = vector.broadcast %gt3A_396 : i32 to vector<16xi32>
      %gt3A_398 = arith.cmpi sgt, %get3A_197, %gt3A_397 : vector<16xi32>
      tpu.vector_store_idx %arg15[%add3A_213], %broadcast_in_dim3A_11 masked %gt3A_216 {add = true} : memref<4096xf32, #tpu.memory_space<vmem>>[vector<16xi32>], vector<16xf32>, vector<16xi1>
      tpu.vector_store_idx %arg23[%add3A_213], %max3A masked %gt3A_216 {add = true} : memref<4096xf32, #tpu.memory_space<vmem>>[vector<16xi32>], vector<16xf32>, vector<16xi1>
      tpu.vector_store_idx %arg16[%add3A_239], %broadcast_in_dim3A_11 masked %gt3A_242 {add = true} : memref<4096xf32, #tpu.memory_space<vmem>>[vector<16xi32>], vector<16xf32>, vector<16xi1>
      tpu.vector_store_idx %arg24[%add3A_239], %max3A_229 masked %gt3A_242 {add = true} : memref<4096xf32, #tpu.memory_space<vmem>>[vector<16xi32>], vector<16xf32>, vector<16xi1>
      tpu.vector_store_idx %arg17[%add3A_265], %broadcast_in_dim3A_11 masked %gt3A_268 {add = true} : memref<4096xf32, #tpu.memory_space<vmem>>[vector<16xi32>], vector<16xf32>, vector<16xi1>
      tpu.vector_store_idx %arg25[%add3A_265], %max3A_255 masked %gt3A_268 {add = true} : memref<4096xf32, #tpu.memory_space<vmem>>[vector<16xi32>], vector<16xf32>, vector<16xi1>
      tpu.vector_store_idx %arg18[%add3A_291], %broadcast_in_dim3A_11 masked %gt3A_294 {add = true} : memref<4096xf32, #tpu.memory_space<vmem>>[vector<16xi32>], vector<16xf32>, vector<16xi1>
      tpu.vector_store_idx %arg26[%add3A_291], %max3A_281 masked %gt3A_294 {add = true} : memref<4096xf32, #tpu.memory_space<vmem>>[vector<16xi32>], vector<16xf32>, vector<16xi1>
      tpu.vector_store_idx %arg19[%add3A_317], %broadcast_in_dim3A_11 masked %gt3A_320 {add = true} : memref<4096xf32, #tpu.memory_space<vmem>>[vector<16xi32>], vector<16xf32>, vector<16xi1>
      tpu.vector_store_idx %arg27[%add3A_317], %max3A_307 masked %gt3A_320 {add = true} : memref<4096xf32, #tpu.memory_space<vmem>>[vector<16xi32>], vector<16xf32>, vector<16xi1>
      tpu.vector_store_idx %arg20[%add3A_343], %broadcast_in_dim3A_11 masked %gt3A_346 {add = true} : memref<4096xf32, #tpu.memory_space<vmem>>[vector<16xi32>], vector<16xf32>, vector<16xi1>
      tpu.vector_store_idx %arg28[%add3A_343], %max3A_333 masked %gt3A_346 {add = true} : memref<4096xf32, #tpu.memory_space<vmem>>[vector<16xi32>], vector<16xf32>, vector<16xi1>
      tpu.vector_store_idx %arg21[%add3A_369], %broadcast_in_dim3A_11 masked %gt3A_372 {add = true} : memref<4096xf32, #tpu.memory_space<vmem>>[vector<16xi32>], vector<16xf32>, vector<16xi1>
      tpu.vector_store_idx %arg29[%add3A_369], %max3A_359 masked %gt3A_372 {add = true} : memref<4096xf32, #tpu.memory_space<vmem>>[vector<16xi32>], vector<16xf32>, vector<16xi1>
      tpu.vector_store_idx %arg22[%add3A_395], %broadcast_in_dim3A_11 masked %gt3A_398 {add = true} : memref<4096xf32, #tpu.memory_space<vmem>>[vector<16xi32>], vector<16xf32>, vector<16xi1>
      tpu.vector_store_idx %arg30[%add3A_395], %max3A_385 masked %gt3A_398 {add = true} : memref<4096xf32, #tpu.memory_space<vmem>>[vector<16xi32>], vector<16xf32>, vector<16xi1>
      %scan3A_399 = arith.constant 0 : i32
      scf.yield %scan3A_399 : i32
    }
    %scan3A_80 = arith.constant 64 : i32
    %dma_wait3A_81 = tpu.memref_slice %arg2[%add3A_61] : memref<1048576xf32, #tpu.memory_space<hbm>> -> memref<8192xf32, #tpu.memory_space<hbm>>
    %dma_wait3A_82 = tpu.memref_slice %arg2[%add3A_61] : memref<1048576xf32, #tpu.memory_space<hbm>> -> memref<8192xf32, #tpu.memory_space<hbm>>
    tpu.wait_dma2 semaphore(%arg14 : memref<!tpu.dma_semaphore, #tpu.memory_space<semaphore_mem>>) src(%dma_wait3A_82 : memref<8192xf32, #tpu.memory_space<hbm>>) dst(%arg10 : memref<8192xf32, #tpu.memory_space<vmem>>)
    %dma_wait3A_83 = tpu.memref_slice %arg3[%add3A_61] : memref<1048576xi32, #tpu.memory_space<hbm>> -> memref<8192xi32, #tpu.memory_space<hbm>>
    %dma_wait3A_84 = tpu.memref_slice %arg3[%add3A_61] : memref<1048576xi32, #tpu.memory_space<hbm>> -> memref<8192xi32, #tpu.memory_space<hbm>>
    tpu.wait_dma2 semaphore(%arg14 : memref<!tpu.dma_semaphore, #tpu.memory_space<semaphore_mem>>) src(%dma_wait3A_84 : memref<8192xi32, #tpu.memory_space<hbm>>) dst(%arg11 : memref<8192xi32, #tpu.memory_space<vmem>>)
    %dma_wait3A_85 = tpu.memref_slice %arg4[%add3A_61] : memref<1048576xi32, #tpu.memory_space<hbm>> -> memref<8192xi32, #tpu.memory_space<hbm>>
    %dma_wait3A_86 = tpu.memref_slice %arg4[%add3A_61] : memref<1048576xi32, #tpu.memory_space<hbm>> -> memref<8192xi32, #tpu.memory_space<hbm>>
    tpu.wait_dma2 semaphore(%arg14 : memref<!tpu.dma_semaphore, #tpu.memory_space<semaphore_mem>>) src(%dma_wait3A_86 : memref<8192xi32, #tpu.memory_space<hbm>>) dst(%arg12 : memref<8192xi32, #tpu.memory_space<vmem>>)
    %scan3A_87 = arith.constant 0 : i32
    %scan3A_88 = arith.constant 0 : i32
    %scan3A_89 = arith.constant 64 : i32
    %scan3A_90 = arith.addi %scan3A_88, %scan3A_89 : i32
    %scan3A_91 = arith.constant 1 : i32
    %scan3A_92 = scf.for %scan3A_101 = %scan3A_88 to %scan3A_90 step %scan3A_91 iter_args(%scan3A_102 = %scan3A_87) -> (i32)  : i32 {
      %mul3A_103 = arith.constant 8 : i32
      %mul3A_104 = arith.muli %scan3A_101, %mul3A_103 : i32
      %add3A_105 = arith.constant 0 : i32
      %add3A_106 = arith.addi %mul3A_104, %add3A_105 : i32
      %mul3A_107 = arith.constant 16 : i32
      %mul3A_108 = arith.muli %add3A_106, %mul3A_107 : i32
      %get3A = arith.index_cast %mul3A_108 : i32 to index
      %get3A_109 = tpu.vector_load %arg10[%get3A] {strides = array<i32>} : memref<8192xf32, #tpu.memory_space<vmem>>, vector<16xf32>,
      %get3A_110 = arith.index_cast %mul3A_108 : i32 to index
      %get3A_111 = tpu.vector_load %arg11[%get3A_110] {strides = array<i32>} : memref<8192xi32, #tpu.memory_space<vmem>>, vector<16xi32>,
      %get3A_112 = arith.index_cast %mul3A_108 : i32 to index
      %get3A_113 = tpu.vector_load %arg12[%get3A_112] {strides = array<i32>} : memref<8192xi32, #tpu.memory_space<vmem>>, vector<16xi32>,
      %mul3A_114 = arith.constant 8 : i32
      %mul3A_115 = arith.muli %scan3A_101, %mul3A_114 : i32
      %add3A_116 = arith.constant 1 : i32
      %add3A_117 = arith.addi %mul3A_115, %add3A_116 : i32
      %mul3A_118 = arith.constant 16 : i32
      %mul3A_119 = arith.muli %add3A_117, %mul3A_118 : i32
      %get3A_120 = arith.index_cast %mul3A_119 : i32 to index
      %get3A_121 = tpu.vector_load %arg10[%get3A_120] {strides = array<i32>} : memref<8192xf32, #tpu.memory_space<vmem>>, vector<16xf32>,
      %get3A_122 = arith.index_cast %mul3A_119 : i32 to index
      %get3A_123 = tpu.vector_load %arg11[%get3A_122] {strides = array<i32>} : memref<8192xi32, #tpu.memory_space<vmem>>, vector<16xi32>,
      %get3A_124 = arith.index_cast %mul3A_119 : i32 to index
      %get3A_125 = tpu.vector_load %arg12[%get3A_124] {strides = array<i32>} : memref<8192xi32, #tpu.memory_space<vmem>>, vector<16xi32>,
      %mul3A_126 = arith.constant 8 : i32
      %mul3A_127 = arith.muli %scan3A_101, %mul3A_126 : i32
      %add3A_128 = arith.constant 2 : i32
      %add3A_129 = arith.addi %mul3A_127, %add3A_128 : i32
      %mul3A_130 = arith.constant 16 : i32
      %mul3A_131 = arith.muli %add3A_129, %mul3A_130 : i32
      %get3A_132 = arith.index_cast %mul3A_131 : i32 to index
      %get3A_133 = tpu.vector_load %arg10[%get3A_132] {strides = array<i32>} : memref<8192xf32, #tpu.memory_space<vmem>>, vector<16xf32>,
      %get3A_134 = arith.index_cast %mul3A_131 : i32 to index
      %get3A_135 = tpu.vector_load %arg11[%get3A_134] {strides = array<i32>} : memref<8192xi32, #tpu.memory_space<vmem>>, vector<16xi32>,
      %get3A_136 = arith.index_cast %mul3A_131 : i32 to index
      %get3A_137 = tpu.vector_load %arg12[%get3A_136] {strides = array<i32>} : memref<8192xi32, #tpu.memory_space<vmem>>, vector<16xi32>,
      %mul3A_138 = arith.constant 8 : i32
      %mul3A_139 = arith.muli %scan3A_101, %mul3A_138 : i32
      %add3A_140 = arith.constant 3 : i32
      %add3A_141 = arith.addi %mul3A_139, %add3A_140 : i32
      %mul3A_142 = arith.constant 16 : i32
      %mul3A_143 = arith.muli %add3A_141, %mul3A_142 : i32
      %get3A_144 = arith.index_cast %mul3A_143 : i32 to index
      %get3A_145 = tpu.vector_load %arg10[%get3A_144] {strides = array<i32>} : memref<8192xf32, #tpu.memory_space<vmem>>, vector<16xf32>,
      %get3A_146 = arith.index_cast %mul3A_143 : i32 to index
      %get3A_147 = tpu.vector_load %arg11[%get3A_146] {strides = array<i32>} : memref<8192xi32, #tpu.memory_space<vmem>>, vector<16xi32>,
      %get3A_148 = arith.index_cast %mul3A_143 : i32 to index
      %get3A_149 = tpu.vector_load %arg12[%get3A_148] {strides = array<i32>} : memref<8192xi32, #tpu.memory_space<vmem>>, vector<16xi32>,
      %mul3A_150 = arith.constant 8 : i32
      %mul3A_151 = arith.muli %scan3A_101, %mul3A_150 : i32
      %add3A_152 = arith.constant 4 : i32
      %add3A_153 = arith.addi %mul3A_151, %add3A_152 : i32
      %mul3A_154 = arith.constant 16 : i32
      %mul3A_155 = arith.muli %add3A_153, %mul3A_154 : i32
      %get3A_156 = arith.index_cast %mul3A_155 : i32 to index
      %get3A_157 = tpu.vector_load %arg10[%get3A_156] {strides = array<i32>} : memref<8192xf32, #tpu.memory_space<vmem>>, vector<16xf32>,
      %get3A_158 = arith.index_cast %mul3A_155 : i32 to index
      %get3A_159 = tpu.vector_load %arg11[%get3A_158] {strides = array<i32>} : memref<8192xi32, #tpu.memory_space<vmem>>, vector<16xi32>,
      %get3A_160 = arith.index_cast %mul3A_155 : i32 to index
      %get3A_161 = tpu.vector_load %arg12[%get3A_160] {strides = array<i32>} : memref<8192xi32, #tpu.memory_space<vmem>>, vector<16xi32>,
      %mul3A_162 = arith.constant 8 : i32
      %mul3A_163 = arith.muli %scan3A_101, %mul3A_162 : i32
      %add3A_164 = arith.constant 5 : i32
      %add3A_165 = arith.addi %mul3A_163, %add3A_164 : i32
      %mul3A_166 = arith.constant 16 : i32
      %mul3A_167 = arith.muli %add3A_165, %mul3A_166 : i32
      %get3A_168 = arith.index_cast %mul3A_167 : i32 to index
      %get3A_169 = tpu.vector_load %arg10[%get3A_168] {strides = array<i32>} : memref<8192xf32, #tpu.memory_space<vmem>>, vector<16xf32>,
      %get3A_170 = arith.index_cast %mul3A_167 : i32 to index
      %get3A_171 = tpu.vector_load %arg11[%get3A_170] {strides = array<i32>} : memref<8192xi32, #tpu.memory_space<vmem>>, vector<16xi32>,
      %get3A_172 = arith.index_cast %mul3A_167 : i32 to index
      %get3A_173 = tpu.vector_load %arg12[%get3A_172] {strides = array<i32>} : memref<8192xi32, #tpu.memory_space<vmem>>, vector<16xi32>,
      %mul3A_174 = arith.constant 8 : i32
      %mul3A_175 = arith.muli %scan3A_101, %mul3A_174 : i32
      %add3A_176 = arith.constant 6 : i32
      %add3A_177 = arith.addi %mul3A_175, %add3A_176 : i32
      %mul3A_178 = arith.constant 16 : i32
      %mul3A_179 = arith.muli %add3A_177, %mul3A_178 : i32
      %get3A_180 = arith.index_cast %mul3A_179 : i32 to index
      %get3A_181 = tpu.vector_load %arg10[%get3A_180] {strides = array<i32>} : memref<8192xf32, #tpu.memory_space<vmem>>, vector<16xf32>,
      %get3A_182 = arith.index_cast %mul3A_179 : i32 to index
      %get3A_183 = tpu.vector_load %arg11[%get3A_182] {strides = array<i32>} : memref<8192xi32, #tpu.memory_space<vmem>>, vector<16xi32>,
      %get3A_184 = arith.index_cast %mul3A_179 : i32 to index
      %get3A_185 = tpu.vector_load %arg12[%get3A_184] {strides = array<i32>} : memref<8192xi32, #tpu.memory_space<vmem>>, vector<16xi32>,
      %mul3A_186 = arith.constant 8 : i32
      %mul3A_187 = arith.muli %scan3A_101, %mul3A_186 : i32
      %add3A_188 = arith.constant 7 : i32
      %add3A_189 = arith.addi %mul3A_187, %add3A_188 : i32
      %mul3A_190 = arith.constant 16 : i32
      %mul3A_191 = arith.muli %add3A_189, %mul3A_190 : i32
      %get3A_192 = arith.index_cast %mul3A_191 : i32 to index
      %get3A_193 = tpu.vector_load %arg10[%get3A_192] {strides = array<i32>} : memref<8192xf32, #tpu.memory_space<vmem>>, vector<16xf32>,
      %get3A_194 = arith.index_cast %mul3A_191 : i32 to index
      %get3A_195 = tpu.vector_load %arg11[%get3A_194] {strides = array<i32>} : memref<8192xi32, #tpu.memory_space<vmem>>, vector<16xi32>,
      %get3A_196 = arith.index_cast %mul3A_191 : i32 to index
      %get3A_197 = tpu.vector_load %arg12[%get3A_196] {strides = array<i32>} : memref<8192xi32, #tpu.memory_space<vmem>>, vector<16xi32>,
      %gt3A = arith.constant 0 : i32
      %gt3A_198 = vector.broadcast %gt3A : i32 to vector<16xi32>
      %gt3A_199 = arith.cmpi sgt, %get3A_111, %gt3A_198 : vector<16xi32>
      %sub3A = arith.constant 1.000000e+00 : f32
      %sub3A_200 = vector.broadcast %sub3A : f32 to vector<16xf32>
      %sub3A_201 = arith.subf %sub3A_200, %get3A_109 : vector<16xf32>
      %select_n3A = arith.select %gt3A_199, %get3A_109, %sub3A_201 : vector<16xi1>, vector<16xf32>
      %jit3A = arith.constant 1.000000e-07 : f32
      %jit3A_202 = arith.constant 1.1920929E-7 : f32
      %broadcast_in_dim3A_203 = vector.broadcast %jit3A : f32 to vector<16xf32>
      %broadcast_in_dim3A_204 = vector.broadcast %jit3A_202 : f32 to vector<16xf32>
      %select_n3A_205 = arith.select %gt3A_199, %broadcast_in_dim3A_203, %broadcast_in_dim3A_204 : vector<16xi1>, vector<16xf32>
      %max3A = arith.maximumf %select_n3A, %select_n3A_205 : vector<16xf32>
      %bitcast3A = vector.bitcast %max3A : vector<16xf32> to vector<16xi32>
      %shift_right_arithmetic3A = arith.constant 17 : i32
      %shift_right_arithmetic3A_206 = vector.broadcast %shift_right_arithmetic3A : i32 to vector<16xi32>
      %shift_right_arithmetic3A_207 = arith.shrsi %bitcast3A, %shift_right_arithmetic3A_206 : vector<16xi32>
      %jit3A_208 = arith.constant -4544 : i32
      %jit3A_209 = arith.constant -6592 : i32
      %broadcast_in_dim3A_210 = vector.broadcast %jit3A_208 : i32 to vector<16xi32>
      %broadcast_in_dim3A_211 = vector.broadcast %jit3A_209 : i32 to vector<16xi32>
      %select_n3A_212 = arith.select %gt3A_199, %broadcast_in_dim3A_210, %broadcast_in_dim3A_211 : vector<16xi1>, vector<16xi32>
      %add3A_213 = arith.addi %shift_right_arithmetic3A_207, %select_n3A_212 : vector<16xi32>
      %gt3A_214 = arith.constant 0 : i32
      %gt3A_215 = vector.broadcast %gt3A_214 : i32 to vector<16xi32>
      %gt3A_216 = arith.cmpi sgt, %get3A_113, %gt3A_215 : vector<16xi32>
      %gt3A_217 = arith.constant 0 : i32
      %gt3A_218 = vector.broadcast %gt3A_217 : i32 to vector<16xi32>
      %gt3A_219 = arith.cmpi sgt, %get3A_123, %gt3A_218 : vector<16xi32>
      %sub3A_220 = arith.constant 1.000000e+00 : f32
      %sub3A_221 = vector.broadcast %sub3A_220 : f32 to vector<16xf32>
      %sub3A_222 = arith.subf %sub3A_221, %get3A_121 : vector<16xf32>
      %select_n3A_223 = arith.select %gt3A_219, %get3A_121, %sub3A_222 : vector<16xi1>, vector<16xf32>
      %jit3A_224 = arith.constant 1.000000e-07 : f32
      %jit3A_225 = arith.constant 1.1920929E-7 : f32
      %broadcast_in_dim3A_226 = vector.broadcast %jit3A_224 : f32 to vector<16xf32>
      %broadcast_in_dim3A_227 = vector.broadcast %jit3A_225 : f32 to vector<16xf32>
      %select_n3A_228 = arith.select %gt3A_219, %broadcast_in_dim3A_226, %broadcast_in_dim3A_227 : vector<16xi1>, vector<16xf32>
      %max3A_229 = arith.maximumf %select_n3A_223, %select_n3A_228 : vector<16xf32>
      %bitcast3A_230 = vector.bitcast %max3A_229 : vector<16xf32> to vector<16xi32>
      %shift_right_arithmetic3A_231 = arith.constant 17 : i32
      %shift_right_arithmetic3A_232 = vector.broadcast %shift_right_arithmetic3A_231 : i32 to vector<16xi32>
      %shift_right_arithmetic3A_233 = arith.shrsi %bitcast3A_230, %shift_right_arithmetic3A_232 : vector<16xi32>
      %jit3A_234 = arith.constant -4544 : i32
      %jit3A_235 = arith.constant -6592 : i32
      %broadcast_in_dim3A_236 = vector.broadcast %jit3A_234 : i32 to vector<16xi32>
      %broadcast_in_dim3A_237 = vector.broadcast %jit3A_235 : i32 to vector<16xi32>
      %select_n3A_238 = arith.select %gt3A_219, %broadcast_in_dim3A_236, %broadcast_in_dim3A_237 : vector<16xi1>, vector<16xi32>
      %add3A_239 = arith.addi %shift_right_arithmetic3A_233, %select_n3A_238 : vector<16xi32>
      %gt3A_240 = arith.constant 0 : i32
      %gt3A_241 = vector.broadcast %gt3A_240 : i32 to vector<16xi32>
      %gt3A_242 = arith.cmpi sgt, %get3A_125, %gt3A_241 : vector<16xi32>
      %gt3A_243 = arith.constant 0 : i32
      %gt3A_244 = vector.broadcast %gt3A_243 : i32 to vector<16xi32>
      %gt3A_245 = arith.cmpi sgt, %get3A_135, %gt3A_244 : vector<16xi32>
      %sub3A_246 = arith.constant 1.000000e+00 : f32
      %sub3A_247 = vector.broadcast %sub3A_246 : f32 to vector<16xf32>
      %sub3A_248 = arith.subf %sub3A_247, %get3A_133 : vector<16xf32>
      %select_n3A_249 = arith.select %gt3A_245, %get3A_133, %sub3A_248 : vector<16xi1>, vector<16xf32>
      %jit3A_250 = arith.constant 1.000000e-07 : f32
      %jit3A_251 = arith.constant 1.1920929E-7 : f32
      %broadcast_in_dim3A_252 = vector.broadcast %jit3A_250 : f32 to vector<16xf32>
      %broadcast_in_dim3A_253 = vector.broadcast %jit3A_251 : f32 to vector<16xf32>
      %select_n3A_254 = arith.select %gt3A_245, %broadcast_in_dim3A_252, %broadcast_in_dim3A_253 : vector<16xi1>, vector<16xf32>
      %max3A_255 = arith.maximumf %select_n3A_249, %select_n3A_254 : vector<16xf32>
      %bitcast3A_256 = vector.bitcast %max3A_255 : vector<16xf32> to vector<16xi32>
      %shift_right_arithmetic3A_257 = arith.constant 17 : i32
      %shift_right_arithmetic3A_258 = vector.broadcast %shift_right_arithmetic3A_257 : i32 to vector<16xi32>
      %shift_right_arithmetic3A_259 = arith.shrsi %bitcast3A_256, %shift_right_arithmetic3A_258 : vector<16xi32>
      %jit3A_260 = arith.constant -4544 : i32
      %jit3A_261 = arith.constant -6592 : i32
      %broadcast_in_dim3A_262 = vector.broadcast %jit3A_260 : i32 to vector<16xi32>
      %broadcast_in_dim3A_263 = vector.broadcast %jit3A_261 : i32 to vector<16xi32>
      %select_n3A_264 = arith.select %gt3A_245, %broadcast_in_dim3A_262, %broadcast_in_dim3A_263 : vector<16xi1>, vector<16xi32>
      %add3A_265 = arith.addi %shift_right_arithmetic3A_259, %select_n3A_264 : vector<16xi32>
      %gt3A_266 = arith.constant 0 : i32
      %gt3A_267 = vector.broadcast %gt3A_266 : i32 to vector<16xi32>
      %gt3A_268 = arith.cmpi sgt, %get3A_137, %gt3A_267 : vector<16xi32>
      %gt3A_269 = arith.constant 0 : i32
      %gt3A_270 = vector.broadcast %gt3A_269 : i32 to vector<16xi32>
      %gt3A_271 = arith.cmpi sgt, %get3A_147, %gt3A_270 : vector<16xi32>
      %sub3A_272 = arith.constant 1.000000e+00 : f32
      %sub3A_273 = vector.broadcast %sub3A_272 : f32 to vector<16xf32>
      %sub3A_274 = arith.subf %sub3A_273, %get3A_145 : vector<16xf32>
      %select_n3A_275 = arith.select %gt3A_271, %get3A_145, %sub3A_274 : vector<16xi1>, vector<16xf32>
      %jit3A_276 = arith.constant 1.000000e-07 : f32
      %jit3A_277 = arith.constant 1.1920929E-7 : f32
      %broadcast_in_dim3A_278 = vector.broadcast %jit3A_276 : f32 to vector<16xf32>
      %broadcast_in_dim3A_279 = vector.broadcast %jit3A_277 : f32 to vector<16xf32>
      %select_n3A_280 = arith.select %gt3A_271, %broadcast_in_dim3A_278, %broadcast_in_dim3A_279 : vector<16xi1>, vector<16xf32>
      %max3A_281 = arith.maximumf %select_n3A_275, %select_n3A_280 : vector<16xf32>
      %bitcast3A_282 = vector.bitcast %max3A_281 : vector<16xf32> to vector<16xi32>
      %shift_right_arithmetic3A_283 = arith.constant 17 : i32
      %shift_right_arithmetic3A_284 = vector.broadcast %shift_right_arithmetic3A_283 : i32 to vector<16xi32>
      %shift_right_arithmetic3A_285 = arith.shrsi %bitcast3A_282, %shift_right_arithmetic3A_284 : vector<16xi32>
      %jit3A_286 = arith.constant -4544 : i32
      %jit3A_287 = arith.constant -6592 : i32
      %broadcast_in_dim3A_288 = vector.broadcast %jit3A_286 : i32 to vector<16xi32>
      %broadcast_in_dim3A_289 = vector.broadcast %jit3A_287 : i32 to vector<16xi32>
      %select_n3A_290 = arith.select %gt3A_271, %broadcast_in_dim3A_288, %broadcast_in_dim3A_289 : vector<16xi1>, vector<16xi32>
      %add3A_291 = arith.addi %shift_right_arithmetic3A_285, %select_n3A_290 : vector<16xi32>
      %gt3A_292 = arith.constant 0 : i32
      %gt3A_293 = vector.broadcast %gt3A_292 : i32 to vector<16xi32>
      %gt3A_294 = arith.cmpi sgt, %get3A_149, %gt3A_293 : vector<16xi32>
      %gt3A_295 = arith.constant 0 : i32
      %gt3A_296 = vector.broadcast %gt3A_295 : i32 to vector<16xi32>
      %gt3A_297 = arith.cmpi sgt, %get3A_159, %gt3A_296 : vector<16xi32>
      %sub3A_298 = arith.constant 1.000000e+00 : f32
      %sub3A_299 = vector.broadcast %sub3A_298 : f32 to vector<16xf32>
      %sub3A_300 = arith.subf %sub3A_299, %get3A_157 : vector<16xf32>
      %select_n3A_301 = arith.select %gt3A_297, %get3A_157, %sub3A_300 : vector<16xi1>, vector<16xf32>
      %jit3A_302 = arith.constant 1.000000e-07 : f32
      %jit3A_303 = arith.constant 1.1920929E-7 : f32
      %broadcast_in_dim3A_304 = vector.broadcast %jit3A_302 : f32 to vector<16xf32>
      %broadcast_in_dim3A_305 = vector.broadcast %jit3A_303 : f32 to vector<16xf32>
      %select_n3A_306 = arith.select %gt3A_297, %broadcast_in_dim3A_304, %broadcast_in_dim3A_305 : vector<16xi1>, vector<16xf32>
      %max3A_307 = arith.maximumf %select_n3A_301, %select_n3A_306 : vector<16xf32>
      %bitcast3A_308 = vector.bitcast %max3A_307 : vector<16xf32> to vector<16xi32>
      %shift_right_arithmetic3A_309 = arith.constant 17 : i32
      %shift_right_arithmetic3A_310 = vector.broadcast %shift_right_arithmetic3A_309 : i32 to vector<16xi32>
      %shift_right_arithmetic3A_311 = arith.shrsi %bitcast3A_308, %shift_right_arithmetic3A_310 : vector<16xi32>
      %jit3A_312 = arith.constant -4544 : i32
      %jit3A_313 = arith.constant -6592 : i32
      %broadcast_in_dim3A_314 = vector.broadcast %jit3A_312 : i32 to vector<16xi32>
      %broadcast_in_dim3A_315 = vector.broadcast %jit3A_313 : i32 to vector<16xi32>
      %select_n3A_316 = arith.select %gt3A_297, %broadcast_in_dim3A_314, %broadcast_in_dim3A_315 : vector<16xi1>, vector<16xi32>
      %add3A_317 = arith.addi %shift_right_arithmetic3A_311, %select_n3A_316 : vector<16xi32>
      %gt3A_318 = arith.constant 0 : i32
      %gt3A_319 = vector.broadcast %gt3A_318 : i32 to vector<16xi32>
      %gt3A_320 = arith.cmpi sgt, %get3A_161, %gt3A_319 : vector<16xi32>
      %gt3A_321 = arith.constant 0 : i32
      %gt3A_322 = vector.broadcast %gt3A_321 : i32 to vector<16xi32>
      %gt3A_323 = arith.cmpi sgt, %get3A_171, %gt3A_322 : vector<16xi32>
      %sub3A_324 = arith.constant 1.000000e+00 : f32
      %sub3A_325 = vector.broadcast %sub3A_324 : f32 to vector<16xf32>
      %sub3A_326 = arith.subf %sub3A_325, %get3A_169 : vector<16xf32>
      %select_n3A_327 = arith.select %gt3A_323, %get3A_169, %sub3A_326 : vector<16xi1>, vector<16xf32>
      %jit3A_328 = arith.constant 1.000000e-07 : f32
      %jit3A_329 = arith.constant 1.1920929E-7 : f32
      %broadcast_in_dim3A_330 = vector.broadcast %jit3A_328 : f32 to vector<16xf32>
      %broadcast_in_dim3A_331 = vector.broadcast %jit3A_329 : f32 to vector<16xf32>
      %select_n3A_332 = arith.select %gt3A_323, %broadcast_in_dim3A_330, %broadcast_in_dim3A_331 : vector<16xi1>, vector<16xf32>
      %max3A_333 = arith.maximumf %select_n3A_327, %select_n3A_332 : vector<16xf32>
      %bitcast3A_334 = vector.bitcast %max3A_333 : vector<16xf32> to vector<16xi32>
      %shift_right_arithmetic3A_335 = arith.constant 17 : i32
      %shift_right_arithmetic3A_336 = vector.broadcast %shift_right_arithmetic3A_335 : i32 to vector<16xi32>
      %shift_right_arithmetic3A_337 = arith.shrsi %bitcast3A_334, %shift_right_arithmetic3A_336 : vector<16xi32>
      %jit3A_338 = arith.constant -4544 : i32
      %jit3A_339 = arith.constant -6592 : i32
      %broadcast_in_dim3A_340 = vector.broadcast %jit3A_338 : i32 to vector<16xi32>
      %broadcast_in_dim3A_341 = vector.broadcast %jit3A_339 : i32 to vector<16xi32>
      %select_n3A_342 = arith.select %gt3A_323, %broadcast_in_dim3A_340, %broadcast_in_dim3A_341 : vector<16xi1>, vector<16xi32>
      %add3A_343 = arith.addi %shift_right_arithmetic3A_337, %select_n3A_342 : vector<16xi32>
      %gt3A_344 = arith.constant 0 : i32
      %gt3A_345 = vector.broadcast %gt3A_344 : i32 to vector<16xi32>
      %gt3A_346 = arith.cmpi sgt, %get3A_173, %gt3A_345 : vector<16xi32>
      %gt3A_347 = arith.constant 0 : i32
      %gt3A_348 = vector.broadcast %gt3A_347 : i32 to vector<16xi32>
      %gt3A_349 = arith.cmpi sgt, %get3A_183, %gt3A_348 : vector<16xi32>
      %sub3A_350 = arith.constant 1.000000e+00 : f32
      %sub3A_351 = vector.broadcast %sub3A_350 : f32 to vector<16xf32>
      %sub3A_352 = arith.subf %sub3A_351, %get3A_181 : vector<16xf32>
      %select_n3A_353 = arith.select %gt3A_349, %get3A_181, %sub3A_352 : vector<16xi1>, vector<16xf32>
      %jit3A_354 = arith.constant 1.000000e-07 : f32
      %jit3A_355 = arith.constant 1.1920929E-7 : f32
      %broadcast_in_dim3A_356 = vector.broadcast %jit3A_354 : f32 to vector<16xf32>
      %broadcast_in_dim3A_357 = vector.broadcast %jit3A_355 : f32 to vector<16xf32>
      %select_n3A_358 = arith.select %gt3A_349, %broadcast_in_dim3A_356, %broadcast_in_dim3A_357 : vector<16xi1>, vector<16xf32>
      %max3A_359 = arith.maximumf %select_n3A_353, %select_n3A_358 : vector<16xf32>
      %bitcast3A_360 = vector.bitcast %max3A_359 : vector<16xf32> to vector<16xi32>
      %shift_right_arithmetic3A_361 = arith.constant 17 : i32
      %shift_right_arithmetic3A_362 = vector.broadcast %shift_right_arithmetic3A_361 : i32 to vector<16xi32>
      %shift_right_arithmetic3A_363 = arith.shrsi %bitcast3A_360, %shift_right_arithmetic3A_362 : vector<16xi32>
      %jit3A_364 = arith.constant -4544 : i32
      %jit3A_365 = arith.constant -6592 : i32
      %broadcast_in_dim3A_366 = vector.broadcast %jit3A_364 : i32 to vector<16xi32>
      %broadcast_in_dim3A_367 = vector.broadcast %jit3A_365 : i32 to vector<16xi32>
      %select_n3A_368 = arith.select %gt3A_349, %broadcast_in_dim3A_366, %broadcast_in_dim3A_367 : vector<16xi1>, vector<16xi32>
      %add3A_369 = arith.addi %shift_right_arithmetic3A_363, %select_n3A_368 : vector<16xi32>
      %gt3A_370 = arith.constant 0 : i32
      %gt3A_371 = vector.broadcast %gt3A_370 : i32 to vector<16xi32>
      %gt3A_372 = arith.cmpi sgt, %get3A_185, %gt3A_371 : vector<16xi32>
      %gt3A_373 = arith.constant 0 : i32
      %gt3A_374 = vector.broadcast %gt3A_373 : i32 to vector<16xi32>
      %gt3A_375 = arith.cmpi sgt, %get3A_195, %gt3A_374 : vector<16xi32>
      %sub3A_376 = arith.constant 1.000000e+00 : f32
      %sub3A_377 = vector.broadcast %sub3A_376 : f32 to vector<16xf32>
      %sub3A_378 = arith.subf %sub3A_377, %get3A_193 : vector<16xf32>
      %select_n3A_379 = arith.select %gt3A_375, %get3A_193, %sub3A_378 : vector<16xi1>, vector<16xf32>
      %jit3A_380 = arith.constant 1.000000e-07 : f32
      %jit3A_381 = arith.constant 1.1920929E-7 : f32
      %broadcast_in_dim3A_382 = vector.broadcast %jit3A_380 : f32 to vector<16xf32>
      %broadcast_in_dim3A_383 = vector.broadcast %jit3A_381 : f32 to vector<16xf32>
      %select_n3A_384 = arith.select %gt3A_375, %broadcast_in_dim3A_382, %broadcast_in_dim3A_383 : vector<16xi1>, vector<16xf32>
      %max3A_385 = arith.maximumf %select_n3A_379, %select_n3A_384 : vector<16xf32>
      %bitcast3A_386 = vector.bitcast %max3A_385 : vector<16xf32> to vector<16xi32>
      %shift_right_arithmetic3A_387 = arith.constant 17 : i32
      %shift_right_arithmetic3A_388 = vector.broadcast %shift_right_arithmetic3A_387 : i32 to vector<16xi32>
      %shift_right_arithmetic3A_389 = arith.shrsi %bitcast3A_386, %shift_right_arithmetic3A_388 : vector<16xi32>
      %jit3A_390 = arith.constant -4544 : i32
      %jit3A_391 = arith.constant -6592 : i32
      %broadcast_in_dim3A_392 = vector.broadcast %jit3A_390 : i32 to vector<16xi32>
      %broadcast_in_dim3A_393 = vector.broadcast %jit3A_391 : i32 to vector<16xi32>
      %select_n3A_394 = arith.select %gt3A_375, %broadcast_in_dim3A_392, %broadcast_in_dim3A_393 : vector<16xi1>, vector<16xi32>
      %add3A_395 = arith.addi %shift_right_arithmetic3A_389, %select_n3A_394 : vector<16xi32>
      %gt3A_396 = arith.constant 0 : i32
      %gt3A_397 = vector.broadcast %gt3A_396 : i32 to vector<16xi32>
      %gt3A_398 = arith.cmpi sgt, %get3A_197, %gt3A_397 : vector<16xi32>
      tpu.vector_store_idx %arg15[%add3A_213], %broadcast_in_dim3A_11 masked %gt3A_216 {add = true} : memref<4096xf32, #tpu.memory_space<vmem>>[vector<16xi32>], vector<16xf32>, vector<16xi1>
      tpu.vector_store_idx %arg23[%add3A_213], %max3A masked %gt3A_216 {add = true} : memref<4096xf32, #tpu.memory_space<vmem>>[vector<16xi32>], vector<16xf32>, vector<16xi1>
      tpu.vector_store_idx %arg16[%add3A_239], %broadcast_in_dim3A_11 masked %gt3A_242 {add = true} : memref<4096xf32, #tpu.memory_space<vmem>>[vector<16xi32>], vector<16xf32>, vector<16xi1>
      tpu.vector_store_idx %arg24[%add3A_239], %max3A_229 masked %gt3A_242 {add = true} : memref<4096xf32, #tpu.memory_space<vmem>>[vector<16xi32>], vector<16xf32>, vector<16xi1>
      tpu.vector_store_idx %arg17[%add3A_265], %broadcast_in_dim3A_11 masked %gt3A_268 {add = true} : memref<4096xf32, #tpu.memory_space<vmem>>[vector<16xi32>], vector<16xf32>, vector<16xi1>
      tpu.vector_store_idx %arg25[%add3A_265], %max3A_255 masked %gt3A_268 {add = true} : memref<4096xf32, #tpu.memory_space<vmem>>[vector<16xi32>], vector<16xf32>, vector<16xi1>
      tpu.vector_store_idx %arg18[%add3A_291], %broadcast_in_dim3A_11 masked %gt3A_294 {add = true} : memref<4096xf32, #tpu.memory_space<vmem>>[vector<16xi32>], vector<16xf32>, vector<16xi1>
      tpu.vector_store_idx %arg26[%add3A_291], %max3A_281 masked %gt3A_294 {add = true} : memref<4096xf32, #tpu.memory_space<vmem>>[vector<16xi32>], vector<16xf32>, vector<16xi1>
      tpu.vector_store_idx %arg19[%add3A_317], %broadcast_in_dim3A_11 masked %gt3A_320 {add = true} : memref<4096xf32, #tpu.memory_space<vmem>>[vector<16xi32>], vector<16xf32>, vector<16xi1>
      tpu.vector_store_idx %arg27[%add3A_317], %max3A_307 masked %gt3A_320 {add = true} : memref<4096xf32, #tpu.memory_space<vmem>>[vector<16xi32>], vector<16xf32>, vector<16xi1>
      tpu.vector_store_idx %arg20[%add3A_343], %broadcast_in_dim3A_11 masked %gt3A_346 {add = true} : memref<4096xf32, #tpu.memory_space<vmem>>[vector<16xi32>], vector<16xf32>, vector<16xi1>
      tpu.vector_store_idx %arg28[%add3A_343], %max3A_333 masked %gt3A_346 {add = true} : memref<4096xf32, #tpu.memory_space<vmem>>[vector<16xi32>], vector<16xf32>, vector<16xi1>
      tpu.vector_store_idx %arg21[%add3A_369], %broadcast_in_dim3A_11 masked %gt3A_372 {add = true} : memref<4096xf32, #tpu.memory_space<vmem>>[vector<16xi32>], vector<16xf32>, vector<16xi1>
      tpu.vector_store_idx %arg29[%add3A_369], %max3A_359 masked %gt3A_372 {add = true} : memref<4096xf32, #tpu.memory_space<vmem>>[vector<16xi32>], vector<16xf32>, vector<16xi1>
      tpu.vector_store_idx %arg22[%add3A_395], %broadcast_in_dim3A_11 masked %gt3A_398 {add = true} : memref<4096xf32, #tpu.memory_space<vmem>>[vector<16xi32>], vector<16xf32>, vector<16xi1>
      tpu.vector_store_idx %arg30[%add3A_395], %max3A_385 masked %gt3A_398 {add = true} : memref<4096xf32, #tpu.memory_space<vmem>>[vector<16xi32>], vector<16xf32>, vector<16xi1>
      %scan3A_399 = arith.constant 0 : i32
      scf.yield %scan3A_399 : i32
    }
    %scan3A_93 = arith.constant 64 : i32
    %scan3A_94 = arith.constant 0 : i32
    %scan3A_95 = arith.constant 0 : i32
    %scan3A_96 = arith.constant 256 : i32
    %scan3A_97 = arith.addi %scan3A_95, %scan3A_96 : i32
    %scan3A_98 = arith.constant 4 : i32
    %scan3A_99 = scf.for %scan3A_101 = %scan3A_95 to %scan3A_97 step %scan3A_98 iter_args(%scan3A_102 = %scan3A_94) -> (i32)  : i32 {
      %mul3A_103 = arith.constant 16 : i32
      %mul3A_104 = arith.muli %scan3A_101, %mul3A_103 : i32
      %get3A = arith.index_cast %mul3A_104 : i32 to index
      %get3A_105 = tpu.vector_load %arg15[%get3A] {strides = array<i32>} : memref<4096xf32, #tpu.memory_space<vmem>>, vector<16xf32>,
      %get3A_106 = arith.index_cast %mul3A_104 : i32 to index
      %get3A_107 = tpu.vector_load %arg16[%get3A_106] {strides = array<i32>} : memref<4096xf32, #tpu.memory_space<vmem>>, vector<16xf32>,
      %add3A_108 = arith.addf %get3A_105, %get3A_107 : vector<16xf32>
      %get3A_109 = arith.index_cast %mul3A_104 : i32 to index
      %get3A_110 = tpu.vector_load %arg17[%get3A_109] {strides = array<i32>} : memref<4096xf32, #tpu.memory_space<vmem>>, vector<16xf32>,
      %get3A_111 = arith.index_cast %mul3A_104 : i32 to index
      %get3A_112 = tpu.vector_load %arg18[%get3A_111] {strides = array<i32>} : memref<4096xf32, #tpu.memory_space<vmem>>, vector<16xf32>,
      %add3A_113 = arith.addf %get3A_110, %get3A_112 : vector<16xf32>
      %add3A_114 = arith.addf %add3A_108, %add3A_113 : vector<16xf32>
      %get3A_115 = arith.index_cast %mul3A_104 : i32 to index
      %get3A_116 = tpu.vector_load %arg19[%get3A_115] {strides = array<i32>} : memref<4096xf32, #tpu.memory_space<vmem>>, vector<16xf32>,
      %get3A_117 = arith.index_cast %mul3A_104 : i32 to index
      %get3A_118 = tpu.vector_load %arg20[%get3A_117] {strides = array<i32>} : memref<4096xf32, #tpu.memory_space<vmem>>, vector<16xf32>,
      %add3A_119 = arith.addf %get3A_116, %get3A_118 : vector<16xf32>
      %get3A_120 = arith.index_cast %mul3A_104 : i32 to index
      %get3A_121 = tpu.vector_load %arg21[%get3A_120] {strides = array<i32>} : memref<4096xf32, #tpu.memory_space<vmem>>, vector<16xf32>,
      %get3A_122 = arith.index_cast %mul3A_104 : i32 to index
      %get3A_123 = tpu.vector_load %arg22[%get3A_122] {strides = array<i32>} : memref<4096xf32, #tpu.memory_space<vmem>>, vector<16xf32>,
      %add3A_124 = arith.addf %get3A_121, %get3A_123 : vector<16xf32>
      %add3A_125 = arith.addf %add3A_119, %add3A_124 : vector<16xf32>
      %add3A_126 = arith.addf %add3A_114, %add3A_125 : vector<16xf32>
      %swap3A = arith.index_cast %mul3A_104 : i32 to index
      %swap3A_127 = tpu.vector_load %arg15[%swap3A] {strides = array<i32>} : memref<4096xf32, #tpu.memory_space<vmem>>, vector<16xf32>,
      tpu.vector_store %arg15[%swap3A], %add3A_126 {strides = array<i32>} : memref<4096xf32, #tpu.memory_space<vmem>>, vector<16xf32>,
      %get3A_128 = arith.index_cast %mul3A_104 : i32 to index
      %get3A_129 = tpu.vector_load %arg23[%get3A_128] {strides = array<i32>} : memref<4096xf32, #tpu.memory_space<vmem>>, vector<16xf32>,
      %get3A_130 = arith.index_cast %mul3A_104 : i32 to index
      %get3A_131 = tpu.vector_load %arg24[%get3A_130] {strides = array<i32>} : memref<4096xf32, #tpu.memory_space<vmem>>, vector<16xf32>,
      %add3A_132 = arith.addf %get3A_129, %get3A_131 : vector<16xf32>
      %get3A_133 = arith.index_cast %mul3A_104 : i32 to index
      %get3A_134 = tpu.vector_load %arg25[%get3A_133] {strides = array<i32>} : memref<4096xf32, #tpu.memory_space<vmem>>, vector<16xf32>,
      %get3A_135 = arith.index_cast %mul3A_104 : i32 to index
      %get3A_136 = tpu.vector_load %arg26[%get3A_135] {strides = array<i32>} : memref<4096xf32, #tpu.memory_space<vmem>>, vector<16xf32>,
      %add3A_137 = arith.addf %get3A_134, %get3A_136 : vector<16xf32>
      %add3A_138 = arith.addf %add3A_132, %add3A_137 : vector<16xf32>
      %get3A_139 = arith.index_cast %mul3A_104 : i32 to index
      %get3A_140 = tpu.vector_load %arg27[%get3A_139] {strides = array<i32>} : memref<4096xf32, #tpu.memory_space<vmem>>, vector<16xf32>,
      %get3A_141 = arith.index_cast %mul3A_104 : i32 to index
      %get3A_142 = tpu.vector_load %arg28[%get3A_141] {strides = array<i32>} : memref<4096xf32, #tpu.memory_space<vmem>>, vector<16xf32>,
      %add3A_143 = arith.addf %get3A_140, %get3A_142 : vector<16xf32>
      %get3A_144 = arith.index_cast %mul3A_104 : i32 to index
      %get3A_145 = tpu.vector_load %arg29[%get3A_144] {strides = array<i32>} : memref<4096xf32, #tpu.memory_space<vmem>>, vector<16xf32>,
      %get3A_146 = arith.index_cast %mul3A_104 : i32 to index
      %get3A_147 = tpu.vector_load %arg30[%get3A_146] {strides = array<i32>} : memref<4096xf32, #tpu.memory_space<vmem>>, vector<16xf32>,
      %add3A_148 = arith.addf %get3A_145, %get3A_147 : vector<16xf32>
      %add3A_149 = arith.addf %add3A_143, %add3A_148 : vector<16xf32>
      %add3A_150 = arith.addf %add3A_138, %add3A_149 : vector<16xf32>
      %swap3A_151 = arith.index_cast %mul3A_104 : i32 to index
      %swap3A_152 = tpu.vector_load %arg23[%swap3A_151] {strides = array<i32>} : memref<4096xf32, #tpu.memory_space<vmem>>, vector<16xf32>,
      tpu.vector_store %arg23[%swap3A_151], %add3A_150 {strides = array<i32>} : memref<4096xf32, #tpu.memory_space<vmem>>, vector<16xf32>,
      %scan3A_153 = arith.constant 0 : i32
      %scan3A_154 = arith.constant 1 : i32
      %scan3A_155 = arith.addi %scan3A_101, %scan3A_154 : i32
      %mul3A_156 = arith.constant 16 : i32
      %mul3A_157 = arith.muli %scan3A_155, %mul3A_156 : i32
      %get3A_158 = arith.index_cast %mul3A_157 : i32 to index
      %get3A_159 = tpu.vector_load %arg15[%get3A_158] {strides = array<i32>} : memref<4096xf32, #tpu.memory_space<vmem>>, vector<16xf32>,
      %get3A_160 = arith.index_cast %mul3A_157 : i32 to index
      %get3A_161 = tpu.vector_load %arg16[%get3A_160] {strides = array<i32>} : memref<4096xf32, #tpu.memory_space<vmem>>, vector<16xf32>,
      %add3A_162 = arith.addf %get3A_159, %get3A_161 : vector<16xf32>
      %get3A_163 = arith.index_cast %mul3A_157 : i32 to index
      %get3A_164 = tpu.vector_load %arg17[%get3A_163] {strides = array<i32>} : memref<4096xf32, #tpu.memory_space<vmem>>, vector<16xf32>,
      %get3A_165 = arith.index_cast %mul3A_157 : i32 to index
      %get3A_166 = tpu.vector_load %arg18[%get3A_165] {strides = array<i32>} : memref<4096xf32, #tpu.memory_space<vmem>>, vector<16xf32>,
      %add3A_167 = arith.addf %get3A_164, %get3A_166 : vector<16xf32>
      %add3A_168 = arith.addf %add3A_162, %add3A_167 : vector<16xf32>
      %get3A_169 = arith.index_cast %mul3A_157 : i32 to index
      %get3A_170 = tpu.vector_load %arg19[%get3A_169] {strides = array<i32>} : memref<4096xf32, #tpu.memory_space<vmem>>, vector<16xf32>,
      %get3A_171 = arith.index_cast %mul3A_157 : i32 to index
      %get3A_172 = tpu.vector_load %arg20[%get3A_171] {strides = array<i32>} : memref<4096xf32, #tpu.memory_space<vmem>>, vector<16xf32>,
      %add3A_173 = arith.addf %get3A_170, %get3A_172 : vector<16xf32>
      %get3A_174 = arith.index_cast %mul3A_157 : i32 to index
      %get3A_175 = tpu.vector_load %arg21[%get3A_174] {strides = array<i32>} : memref<4096xf32, #tpu.memory_space<vmem>>, vector<16xf32>,
      %get3A_176 = arith.index_cast %mul3A_157 : i32 to index
      %get3A_177 = tpu.vector_load %arg22[%get3A_176] {strides = array<i32>} : memref<4096xf32, #tpu.memory_space<vmem>>, vector<16xf32>,
      %add3A_178 = arith.addf %get3A_175, %get3A_177 : vector<16xf32>
      %add3A_179 = arith.addf %add3A_173, %add3A_178 : vector<16xf32>
      %add3A_180 = arith.addf %add3A_168, %add3A_179 : vector<16xf32>
      %swap3A_181 = arith.index_cast %mul3A_157 : i32 to index
      %swap3A_182 = tpu.vector_load %arg15[%swap3A_181] {strides = array<i32>} : memref<4096xf32, #tpu.memory_space<vmem>>, vector<16xf32>,
      tpu.vector_store %arg15[%swap3A_181], %add3A_180 {strides = array<i32>} : memref<4096xf32, #tpu.memory_space<vmem>>, vector<16xf32>,
      %get3A_183 = arith.index_cast %mul3A_157 : i32 to index
      %get3A_184 = tpu.vector_load %arg23[%get3A_183] {strides = array<i32>} : memref<4096xf32, #tpu.memory_space<vmem>>, vector<16xf32>,
      %get3A_185 = arith.index_cast %mul3A_157 : i32 to index
      %get3A_186 = tpu.vector_load %arg24[%get3A_185] {strides = array<i32>} : memref<4096xf32, #tpu.memory_space<vmem>>, vector<16xf32>,
      %add3A_187 = arith.addf %get3A_184, %get3A_186 : vector<16xf32>
      %get3A_188 = arith.index_cast %mul3A_157 : i32 to index
      %get3A_189 = tpu.vector_load %arg25[%get3A_188] {strides = array<i32>} : memref<4096xf32, #tpu.memory_space<vmem>>, vector<16xf32>,
      %get3A_190 = arith.index_cast %mul3A_157 : i32 to index
      %get3A_191 = tpu.vector_load %arg26[%get3A_190] {strides = array<i32>} : memref<4096xf32, #tpu.memory_space<vmem>>, vector<16xf32>,
      %add3A_192 = arith.addf %get3A_189, %get3A_191 : vector<16xf32>
      %add3A_193 = arith.addf %add3A_187, %add3A_192 : vector<16xf32>
      %get3A_194 = arith.index_cast %mul3A_157 : i32 to index
      %get3A_195 = tpu.vector_load %arg27[%get3A_194] {strides = array<i32>} : memref<4096xf32, #tpu.memory_space<vmem>>, vector<16xf32>,
      %get3A_196 = arith.index_cast %mul3A_157 : i32 to index
      %get3A_197 = tpu.vector_load %arg28[%get3A_196] {strides = array<i32>} : memref<4096xf32, #tpu.memory_space<vmem>>, vector<16xf32>,
      %add3A_198 = arith.addf %get3A_195, %get3A_197 : vector<16xf32>
      %get3A_199 = arith.index_cast %mul3A_157 : i32 to index
      %get3A_200 = tpu.vector_load %arg29[%get3A_199] {strides = array<i32>} : memref<4096xf32, #tpu.memory_space<vmem>>, vector<16xf32>,
      %get3A_201 = arith.index_cast %mul3A_157 : i32 to index
      %get3A_202 = tpu.vector_load %arg30[%get3A_201] {strides = array<i32>} : memref<4096xf32, #tpu.memory_space<vmem>>, vector<16xf32>,
      %add3A_203 = arith.addf %get3A_200, %get3A_202 : vector<16xf32>
      %add3A_204 = arith.addf %add3A_198, %add3A_203 : vector<16xf32>
      %add3A_205 = arith.addf %add3A_193, %add3A_204 : vector<16xf32>
      %swap3A_206 = arith.index_cast %mul3A_157 : i32 to index
      %swap3A_207 = tpu.vector_load %arg23[%swap3A_206] {strides = array<i32>} : memref<4096xf32, #tpu.memory_space<vmem>>, vector<16xf32>,
      tpu.vector_store %arg23[%swap3A_206], %add3A_205 {strides = array<i32>} : memref<4096xf32, #tpu.memory_space<vmem>>, vector<16xf32>,
      %scan3A_208 = arith.constant 0 : i32
      %scan3A_209 = arith.constant 2 : i32
      %scan3A_210 = arith.addi %scan3A_101, %scan3A_209 : i32
      %mul3A_211 = arith.constant 16 : i32
      %mul3A_212 = arith.muli %scan3A_210, %mul3A_211 : i32
      %get3A_213 = arith.index_cast %mul3A_212 : i32 to index
      %get3A_214 = tpu.vector_load %arg15[%get3A_213] {strides = array<i32>} : memref<4096xf32, #tpu.memory_space<vmem>>, vector<16xf32>,
      %get3A_215 = arith.index_cast %mul3A_212 : i32 to index
      %get3A_216 = tpu.vector_load %arg16[%get3A_215] {strides = array<i32>} : memref<4096xf32, #tpu.memory_space<vmem>>, vector<16xf32>,
      %add3A_217 = arith.addf %get3A_214, %get3A_216 : vector<16xf32>
      %get3A_218 = arith.index_cast %mul3A_212 : i32 to index
      %get3A_219 = tpu.vector_load %arg17[%get3A_218] {strides = array<i32>} : memref<4096xf32, #tpu.memory_space<vmem>>, vector<16xf32>,
      %get3A_220 = arith.index_cast %mul3A_212 : i32 to index
      %get3A_221 = tpu.vector_load %arg18[%get3A_220] {strides = array<i32>} : memref<4096xf32, #tpu.memory_space<vmem>>, vector<16xf32>,
      %add3A_222 = arith.addf %get3A_219, %get3A_221 : vector<16xf32>
      %add3A_223 = arith.addf %add3A_217, %add3A_222 : vector<16xf32>
      %get3A_224 = arith.index_cast %mul3A_212 : i32 to index
      %get3A_225 = tpu.vector_load %arg19[%get3A_224] {strides = array<i32>} : memref<4096xf32, #tpu.memory_space<vmem>>, vector<16xf32>,
      %get3A_226 = arith.index_cast %mul3A_212 : i32 to index
      %get3A_227 = tpu.vector_load %arg20[%get3A_226] {strides = array<i32>} : memref<4096xf32, #tpu.memory_space<vmem>>, vector<16xf32>,
      %add3A_228 = arith.addf %get3A_225, %get3A_227 : vector<16xf32>
      %get3A_229 = arith.index_cast %mul3A_212 : i32 to index
      %get3A_230 = tpu.vector_load %arg21[%get3A_229] {strides = array<i32>} : memref<4096xf32, #tpu.memory_space<vmem>>, vector<16xf32>,
      %get3A_231 = arith.index_cast %mul3A_212 : i32 to index
      %get3A_232 = tpu.vector_load %arg22[%get3A_231] {strides = array<i32>} : memref<4096xf32, #tpu.memory_space<vmem>>, vector<16xf32>,
      %add3A_233 = arith.addf %get3A_230, %get3A_232 : vector<16xf32>
      %add3A_234 = arith.addf %add3A_228, %add3A_233 : vector<16xf32>
      %add3A_235 = arith.addf %add3A_223, %add3A_234 : vector<16xf32>
      %swap3A_236 = arith.index_cast %mul3A_212 : i32 to index
      %swap3A_237 = tpu.vector_load %arg15[%swap3A_236] {strides = array<i32>} : memref<4096xf32, #tpu.memory_space<vmem>>, vector<16xf32>,
      tpu.vector_store %arg15[%swap3A_236], %add3A_235 {strides = array<i32>} : memref<4096xf32, #tpu.memory_space<vmem>>, vector<16xf32>,
      %get3A_238 = arith.index_cast %mul3A_212 : i32 to index
      %get3A_239 = tpu.vector_load %arg23[%get3A_238] {strides = array<i32>} : memref<4096xf32, #tpu.memory_space<vmem>>, vector<16xf32>,
      %get3A_240 = arith.index_cast %mul3A_212 : i32 to index
      %get3A_241 = tpu.vector_load %arg24[%get3A_240] {strides = array<i32>} : memref<4096xf32, #tpu.memory_space<vmem>>, vector<16xf32>,
      %add3A_242 = arith.addf %get3A_239, %get3A_241 : vector<16xf32>
      %get3A_243 = arith.index_cast %mul3A_212 : i32 to index
      %get3A_244 = tpu.vector_load %arg25[%get3A_243] {strides = array<i32>} : memref<4096xf32, #tpu.memory_space<vmem>>, vector<16xf32>,
      %get3A_245 = arith.index_cast %mul3A_212 : i32 to index
      %get3A_246 = tpu.vector_load %arg26[%get3A_245] {strides = array<i32>} : memref<4096xf32, #tpu.memory_space<vmem>>, vector<16xf32>,
      %add3A_247 = arith.addf %get3A_244, %get3A_246 : vector<16xf32>
      %add3A_248 = arith.addf %add3A_242, %add3A_247 : vector<16xf32>
      %get3A_249 = arith.index_cast %mul3A_212 : i32 to index
      %get3A_250 = tpu.vector_load %arg27[%get3A_249] {strides = array<i32>} : memref<4096xf32, #tpu.memory_space<vmem>>, vector<16xf32>,
      %get3A_251 = arith.index_cast %mul3A_212 : i32 to index
      %get3A_252 = tpu.vector_load %arg28[%get3A_251] {strides = array<i32>} : memref<4096xf32, #tpu.memory_space<vmem>>, vector<16xf32>,
      %add3A_253 = arith.addf %get3A_250, %get3A_252 : vector<16xf32>
      %get3A_254 = arith.index_cast %mul3A_212 : i32 to index
      %get3A_255 = tpu.vector_load %arg29[%get3A_254] {strides = array<i32>} : memref<4096xf32, #tpu.memory_space<vmem>>, vector<16xf32>,
      %get3A_256 = arith.index_cast %mul3A_212 : i32 to index
      %get3A_257 = tpu.vector_load %arg30[%get3A_256] {strides = array<i32>} : memref<4096xf32, #tpu.memory_space<vmem>>, vector<16xf32>,
      %add3A_258 = arith.addf %get3A_255, %get3A_257 : vector<16xf32>
      %add3A_259 = arith.addf %add3A_253, %add3A_258 : vector<16xf32>
      %add3A_260 = arith.addf %add3A_248, %add3A_259 : vector<16xf32>
      %swap3A_261 = arith.index_cast %mul3A_212 : i32 to index
      %swap3A_262 = tpu.vector_load %arg23[%swap3A_261] {strides = array<i32>} : memref<4096xf32, #tpu.memory_space<vmem>>, vector<16xf32>,
      tpu.vector_store %arg23[%swap3A_261], %add3A_260 {strides = array<i32>} : memref<4096xf32, #tpu.memory_space<vmem>>, vector<16xf32>,
      %scan3A_263 = arith.constant 0 : i32
      %scan3A_264 = arith.constant 3 : i32
      %scan3A_265 = arith.addi %scan3A_101, %scan3A_264 : i32
      %mul3A_266 = arith.constant 16 : i32
      %mul3A_267 = arith.muli %scan3A_265, %mul3A_266 : i32
      %get3A_268 = arith.index_cast %mul3A_267 : i32 to index
      %get3A_269 = tpu.vector_load %arg15[%get3A_268] {strides = array<i32>} : memref<4096xf32, #tpu.memory_space<vmem>>, vector<16xf32>,
      %get3A_270 = arith.index_cast %mul3A_267 : i32 to index
      %get3A_271 = tpu.vector_load %arg16[%get3A_270] {strides = array<i32>} : memref<4096xf32, #tpu.memory_space<vmem>>, vector<16xf32>,
      %add3A_272 = arith.addf %get3A_269, %get3A_271 : vector<16xf32>
      %get3A_273 = arith.index_cast %mul3A_267 : i32 to index
      %get3A_274 = tpu.vector_load %arg17[%get3A_273] {strides = array<i32>} : memref<4096xf32, #tpu.memory_space<vmem>>, vector<16xf32>,
      %get3A_275 = arith.index_cast %mul3A_267 : i32 to index
      %get3A_276 = tpu.vector_load %arg18[%get3A_275] {strides = array<i32>} : memref<4096xf32, #tpu.memory_space<vmem>>, vector<16xf32>,
      %add3A_277 = arith.addf %get3A_274, %get3A_276 : vector<16xf32>
      %add3A_278 = arith.addf %add3A_272, %add3A_277 : vector<16xf32>
      %get3A_279 = arith.index_cast %mul3A_267 : i32 to index
      %get3A_280 = tpu.vector_load %arg19[%get3A_279] {strides = array<i32>} : memref<4096xf32, #tpu.memory_space<vmem>>, vector<16xf32>,
      %get3A_281 = arith.index_cast %mul3A_267 : i32 to index
      %get3A_282 = tpu.vector_load %arg20[%get3A_281] {strides = array<i32>} : memref<4096xf32, #tpu.memory_space<vmem>>, vector<16xf32>,
      %add3A_283 = arith.addf %get3A_280, %get3A_282 : vector<16xf32>
      %get3A_284 = arith.index_cast %mul3A_267 : i32 to index
      %get3A_285 = tpu.vector_load %arg21[%get3A_284] {strides = array<i32>} : memref<4096xf32, #tpu.memory_space<vmem>>, vector<16xf32>,
      %get3A_286 = arith.index_cast %mul3A_267 : i32 to index
      %get3A_287 = tpu.vector_load %arg22[%get3A_286] {strides = array<i32>} : memref<4096xf32, #tpu.memory_space<vmem>>, vector<16xf32>,
      %add3A_288 = arith.addf %get3A_285, %get3A_287 : vector<16xf32>
      %add3A_289 = arith.addf %add3A_283, %add3A_288 : vector<16xf32>
      %add3A_290 = arith.addf %add3A_278, %add3A_289 : vector<16xf32>
      %swap3A_291 = arith.index_cast %mul3A_267 : i32 to index
      %swap3A_292 = tpu.vector_load %arg15[%swap3A_291] {strides = array<i32>} : memref<4096xf32, #tpu.memory_space<vmem>>, vector<16xf32>,
      tpu.vector_store %arg15[%swap3A_291], %add3A_290 {strides = array<i32>} : memref<4096xf32, #tpu.memory_space<vmem>>, vector<16xf32>,
      %get3A_293 = arith.index_cast %mul3A_267 : i32 to index
      %get3A_294 = tpu.vector_load %arg23[%get3A_293] {strides = array<i32>} : memref<4096xf32, #tpu.memory_space<vmem>>, vector<16xf32>,
      %get3A_295 = arith.index_cast %mul3A_267 : i32 to index
      %get3A_296 = tpu.vector_load %arg24[%get3A_295] {strides = array<i32>} : memref<4096xf32, #tpu.memory_space<vmem>>, vector<16xf32>,
      %add3A_297 = arith.addf %get3A_294, %get3A_296 : vector<16xf32>
      %get3A_298 = arith.index_cast %mul3A_267 : i32 to index
      %get3A_299 = tpu.vector_load %arg25[%get3A_298] {strides = array<i32>} : memref<4096xf32, #tpu.memory_space<vmem>>, vector<16xf32>,
      %get3A_300 = arith.index_cast %mul3A_267 : i32 to index
      %get3A_301 = tpu.vector_load %arg26[%get3A_300] {strides = array<i32>} : memref<4096xf32, #tpu.memory_space<vmem>>, vector<16xf32>,
      %add3A_302 = arith.addf %get3A_299, %get3A_301 : vector<16xf32>
      %add3A_303 = arith.addf %add3A_297, %add3A_302 : vector<16xf32>
      %get3A_304 = arith.index_cast %mul3A_267 : i32 to index
      %get3A_305 = tpu.vector_load %arg27[%get3A_304] {strides = array<i32>} : memref<4096xf32, #tpu.memory_space<vmem>>, vector<16xf32>,
      %get3A_306 = arith.index_cast %mul3A_267 : i32 to index
      %get3A_307 = tpu.vector_load %arg28[%get3A_306] {strides = array<i32>} : memref<4096xf32, #tpu.memory_space<vmem>>, vector<16xf32>,
      %add3A_308 = arith.addf %get3A_305, %get3A_307 : vector<16xf32>
      %get3A_309 = arith.index_cast %mul3A_267 : i32 to index
      %get3A_310 = tpu.vector_load %arg29[%get3A_309] {strides = array<i32>} : memref<4096xf32, #tpu.memory_space<vmem>>, vector<16xf32>,
      %get3A_311 = arith.index_cast %mul3A_267 : i32 to index
      %get3A_312 = tpu.vector_load %arg30[%get3A_311] {strides = array<i32>} : memref<4096xf32, #tpu.memory_space<vmem>>, vector<16xf32>,
      %add3A_313 = arith.addf %get3A_310, %get3A_312 : vector<16xf32>
      %add3A_314 = arith.addf %add3A_308, %add3A_313 : vector<16xf32>
      %add3A_315 = arith.addf %add3A_303, %add3A_314 : vector<16xf32>
      %swap3A_316 = arith.index_cast %mul3A_267 : i32 to index
      %swap3A_317 = tpu.vector_load %arg23[%swap3A_316] {strides = array<i32>} : memref<4096xf32, #tpu.memory_space<vmem>>, vector<16xf32>,
      tpu.vector_store %arg23[%swap3A_316], %add3A_315 {strides = array<i32>} : memref<4096xf32, #tpu.memory_space<vmem>>, vector<16xf32>,
      %scan3A_318 = arith.constant 0 : i32
      scf.yield %scan3A_318 : i32
    }
    %scan3A_100 = arith.constant 256 : i32
    "tpu.region"() ({
      %run_scoped3A = tpu.sem_alloc : memref<!tpu.dma_semaphore, #tpu.memory_space<semaphore_mem>>
      %dma_start3A_101 = arith.constant 0 : i32
      %dma_start3A_102 = tpu.memref_slice %arg5[%add3A, %dma_start3A_101] : memref<32x4096xf32, #tpu.memory_space<hbm>> -> memref<1x4096xf32, #tpu.memory_space<hbm>>
      %dma_start3A_103 = tpu.memref_squeeze %dma_start3A_102 : memref<1x4096xf32, #tpu.memory_space<hbm>> -> memref<4096xf32, #tpu.memory_space<hbm>>
      %dma_start3A_104 = arith.constant 0 : i32
      %dma_start3A_105 = tpu.memref_slice %arg5[%add3A, %dma_start3A_104] : memref<32x4096xf32, #tpu.memory_space<hbm>> -> memref<1x4096xf32, #tpu.memory_space<hbm>>
      %dma_start3A_106 = tpu.memref_squeeze %dma_start3A_105 : memref<1x4096xf32, #tpu.memory_space<hbm>> -> memref<4096xf32, #tpu.memory_space<hbm>>
      tpu.enqueue_dma source(%arg15 : memref<4096xf32, #tpu.memory_space<vmem>>) target(%dma_start3A_106 : memref<4096xf32, #tpu.memory_space<hbm>>) target_semaphore(%run_scoped3A : memref<!tpu.dma_semaphore, #tpu.memory_space<semaphore_mem>>)
      %dma_wait3A_107 = arith.constant 0 : i32
      %dma_wait3A_108 = tpu.memref_slice %arg5[%add3A, %dma_wait3A_107] : memref<32x4096xf32, #tpu.memory_space<hbm>> -> memref<1x4096xf32, #tpu.memory_space<hbm>>
      %dma_wait3A_109 = tpu.memref_squeeze %dma_wait3A_108 : memref<1x4096xf32, #tpu.memory_space<hbm>> -> memref<4096xf32, #tpu.memory_space<hbm>>
      %dma_wait3A_110 = arith.constant 0 : i32
      %dma_wait3A_111 = tpu.memref_slice %arg5[%add3A, %dma_wait3A_110] : memref<32x4096xf32, #tpu.memory_space<hbm>> -> memref<1x4096xf32, #tpu.memory_space<hbm>>
      %dma_wait3A_112 = tpu.memref_squeeze %dma_wait3A_111 : memref<1x4096xf32, #tpu.memory_space<hbm>> -> memref<4096xf32, #tpu.memory_space<hbm>>
      tpu.wait_dma2 semaphore(%run_scoped3A : memref<!tpu.dma_semaphore, #tpu.memory_space<semaphore_mem>>) src(%arg15 : memref<4096xf32, #tpu.memory_space<vmem>>) dst(%dma_wait3A_112 : memref<4096xf32, #tpu.memory_space<hbm>>)
      tpu.yield
    }) : () -> ()
    "tpu.region"() ({
      %run_scoped3A = tpu.sem_alloc : memref<!tpu.dma_semaphore, #tpu.memory_space<semaphore_mem>>
      %dma_start3A_101 = arith.constant 0 : i32
      %dma_start3A_102 = tpu.memref_slice %arg6[%add3A, %dma_start3A_101] : memref<32x4096xf32, #tpu.memory_space<hbm>> -> memref<1x4096xf32, #tpu.memory_space<hbm>>
      %dma_start3A_103 = tpu.memref_squeeze %dma_start3A_102 : memref<1x4096xf32, #tpu.memory_space<hbm>> -> memref<4096xf32, #tpu.memory_space<hbm>>
      %dma_start3A_104 = arith.constant 0 : i32
      %dma_start3A_105 = tpu.memref_slice %arg6[%add3A, %dma_start3A_104] : memref<32x4096xf32, #tpu.memory_space<hbm>> -> memref<1x4096xf32, #tpu.memory_space<hbm>>
      %dma_start3A_106 = tpu.memref_squeeze %dma_start3A_105 : memref<1x4096xf32, #tpu.memory_space<hbm>> -> memref<4096xf32, #tpu.memory_space<hbm>>
      tpu.enqueue_dma source(%arg23 : memref<4096xf32, #tpu.memory_space<vmem>>) target(%dma_start3A_106 : memref<4096xf32, #tpu.memory_space<hbm>>) target_semaphore(%run_scoped3A : memref<!tpu.dma_semaphore, #tpu.memory_space<semaphore_mem>>)
      %dma_wait3A_107 = arith.constant 0 : i32
      %dma_wait3A_108 = tpu.memref_slice %arg6[%add3A, %dma_wait3A_107] : memref<32x4096xf32, #tpu.memory_space<hbm>> -> memref<1x4096xf32, #tpu.memory_space<hbm>>
      %dma_wait3A_109 = tpu.memref_squeeze %dma_wait3A_108 : memref<1x4096xf32, #tpu.memory_space<hbm>> -> memref<4096xf32, #tpu.memory_space<hbm>>
      %dma_wait3A_110 = arith.constant 0 : i32
      %dma_wait3A_111 = tpu.memref_slice %arg6[%add3A, %dma_wait3A_110] : memref<32x4096xf32, #tpu.memory_space<hbm>> -> memref<1x4096xf32, #tpu.memory_space<hbm>>
      %dma_wait3A_112 = tpu.memref_squeeze %dma_wait3A_111 : memref<1x4096xf32, #tpu.memory_space<hbm>> -> memref<4096xf32, #tpu.memory_space<hbm>>
      tpu.wait_dma2 semaphore(%run_scoped3A : memref<!tpu.dma_semaphore, #tpu.memory_space<semaphore_mem>>) src(%arg23 : memref<4096xf32, #tpu.memory_space<vmem>>) dst(%dma_wait3A_112 : memref<4096xf32, #tpu.memory_space<hbm>>)
      tpu.yield
    }) : () -> ()
    return
  }
}

module attributes {stable_mosaic.version = 14 : i64} {
  func.func @_tc_select_body(%arg0: memref<32x32x128xf32, #tpu.memory_space<vmem>>, %arg1: memref<32x32x128xf32, #tpu.memory_space<vmem>>, %arg2: memref<1x1xf32, #tpu.memory_space<smem>>) attributes {dimension_semantics = [], scalar_prefetch = 0 : i64, scratch_operands = 0 : i64, tpu.core_type = #tpu.core_type<tc>} {
    %get3A = arith.constant 0 : index
    %get3A_0 = arith.constant 0 : index
    %get3A_1 = arith.constant 0 : index
    %get3A_2 = vector.load %arg0[%get3A, %get3A_0, %get3A_1] : memref<32x32x128xf32, #tpu.memory_space<vmem>>, vector<32x32x128xf32>
    %reduce_sum3A = arith.constant dense<0.000000e+00> : vector<32x128xf32>
    %reduce_sum3A_3 = vector.multi_reduction <add>, %get3A_2, %reduce_sum3A [0] : vector<32x32x128xf32> to vector<32x128xf32>
    %get3A_4 = arith.constant 0 : index
    %get3A_5 = arith.constant 0 : index
    %get3A_6 = arith.constant 0 : index
    %get3A_7 = vector.load %arg1[%get3A_4, %get3A_5, %get3A_6] : memref<32x32x128xf32, #tpu.memory_space<vmem>>, vector<32x32x128xf32>
    %reduce_sum3A_8 = arith.constant dense<0.000000e+00> : vector<32x128xf32>
    %reduce_sum3A_9 = vector.multi_reduction <add>, %get3A_7, %reduce_sum3A_8 [0] : vector<32x32x128xf32> to vector<32x128xf32>
    %slice3A = vector.extract_strided_slice %reduce_sum3A_3 {offsets = [0, 0], sizes = [16, 128], strides = [1, 1]} : vector<32x128xf32> to vector<16x128xf32>
    %slice3A_10 = vector.extract_strided_slice %reduce_sum3A_9 {offsets = [0, 0], sizes = [16, 128], strides = [1, 1]} : vector<32x128xf32> to vector<16x128xf32>
    %slice3A_11 = vector.extract_strided_slice %reduce_sum3A_3 {offsets = [16, 0], sizes = [16, 128], strides = [1, 1]} : vector<32x128xf32> to vector<16x128xf32>
    %slice3A_12 = vector.extract_strided_slice %reduce_sum3A_9 {offsets = [16, 0], sizes = [16, 128], strides = [1, 1]} : vector<32x128xf32> to vector<16x128xf32>
    %reduce_sum3A_13 = vector.shape_cast %slice3A_11 : vector<16x128xf32> to vector<1x16x128xf32>
    %reduce_sum3A_14 = arith.constant dense<0.000000e+00> : vector<1xf32>
    %reduce_sum3A_15 = vector.multi_reduction <add>, %reduce_sum3A_13, %reduce_sum3A_14 [1, 2] : vector<1x16x128xf32> to vector<1xf32>
    %reduce_sum3A_16 = vector.shape_cast %reduce_sum3A_15 : vector<1xf32> to vector<1x1x1xf32>
    %reduce_sum3A_17 = vector.extract %reduce_sum3A_16[0, 0, 0] : f32 from vector<1x1x1xf32>
    %gt3A = arith.constant 0.000000e+00 : f32
    %gt3A_18 = vector.broadcast %gt3A : f32 to vector<16x128xf32>
    %gt3A_19 = arith.cmpf ogt, %slice3A_11, %gt3A_18 : vector<16x128xf32>
    %max3A = arith.constant 1.000000e+00 : f32
    %max3A_20 = vector.broadcast %max3A : f32 to vector<16x128xf32>
    %max3A_21 = arith.maximumf %slice3A_11, %max3A_20 : vector<16x128xf32>
    %div3A = arith.divf %slice3A_12, %max3A_21 : vector<16x128xf32>
    %jit3A = arith.constant 5.000000e-01 : f32
    %broadcast_in_dim3A = vector.broadcast %jit3A : f32 to vector<16x128xf32>
    %select_n3A = arith.select %gt3A_19, %div3A, %broadcast_in_dim3A : vector<16x128xi1>, vector<16x128xf32>
    %log3A = math.log %select_n3A : vector<16x128xf32>
    %neg3A = arith.constant 0.000000e+00 : f32
    %neg3A_22 = vector.broadcast %neg3A : f32 to vector<16x128xf32>
    %neg3A_23 = arith.subf %neg3A_22, %log3A : vector<16x128xf32>
    %mul3A = arith.mulf %slice3A_11, %neg3A_23 : vector<16x128xf32>
    %reduce_sum3A_24 = vector.shape_cast %mul3A : vector<16x128xf32> to vector<1x16x128xf32>
    %reduce_sum3A_25 = arith.constant dense<0.000000e+00> : vector<1xf32>
    %reduce_sum3A_26 = vector.multi_reduction <add>, %reduce_sum3A_24, %reduce_sum3A_25 [1, 2] : vector<1x16x128xf32> to vector<1xf32>
    %reduce_sum3A_27 = vector.shape_cast %reduce_sum3A_26 : vector<1xf32> to vector<1x1x1xf32>
    %reduce_sum3A_28 = vector.extract %reduce_sum3A_27[0, 0, 0] : f32 from vector<1x1x1xf32>
    %gt3A_29 = arith.constant 0.000000e+00 : f32
    %gt3A_30 = vector.broadcast %gt3A_29 : f32 to vector<16x128xf32>
    %gt3A_31 = arith.cmpf ogt, %slice3A, %gt3A_30 : vector<16x128xf32>
    %max3A_32 = arith.constant 1.000000e+00 : f32
    %max3A_33 = vector.broadcast %max3A_32 : f32 to vector<16x128xf32>
    %max3A_34 = arith.maximumf %slice3A, %max3A_33 : vector<16x128xf32>
    %div3A_35 = arith.divf %slice3A_10, %max3A_34 : vector<16x128xf32>
    %jit3A_36 = arith.constant 5.000000e-01 : f32
    %broadcast_in_dim3A_37 = vector.broadcast %jit3A_36 : f32 to vector<16x128xf32>
    %select_n3A_38 = arith.select %gt3A_31, %div3A_35, %broadcast_in_dim3A_37 : vector<16x128xi1>, vector<16x128xf32>
    %log3A_39 = math.log %select_n3A_38 : vector<16x128xf32>
    %neg3A_40 = arith.constant 0.000000e+00 : f32
    %neg3A_41 = vector.broadcast %neg3A_40 : f32 to vector<16x128xf32>
    %neg3A_42 = arith.subf %neg3A_41, %log3A_39 : vector<16x128xf32>
    %mul3A_43 = arith.mulf %slice3A, %neg3A_42 : vector<16x128xf32>
    %iota3A = tpu.iota {dimensions = array<i32: 0>} : vector<128x128xi32>
    %iota3A_44 = tpu.iota {dimensions = array<i32: 1>} : vector<128x128xi32>
    %le3A = arith.cmpi sle, %iota3A, %iota3A_44 : vector<128x128xi32>
    %convert_element_type3A = arith.extui %le3A : vector<128x128xi1> to vector<128x128xi32>
    %convert_element_type3A_45 = arith.sitofp %convert_element_type3A : vector<128x128xi32> to vector<128x128xf32>
    %dot_general3A = arith.constant dense<0.000000e+00> : vector<16x128xf32>
    %dot_general3A_46 = tpu.matmul %slice3A, %convert_element_type3A_45, %dot_general3A {dimension_numbers = #tpu.dot_dimension_numbers<[1], [0], [0], [1], [0, 0, 1, 1], [], []>, precision = #tpu.contract_precision<fp32>, transpose_lhs_hint = false} : vector<16x128xf32>, vector<128x128xf32>, vector<16x128xf32> -> vector<16x128xf32>
    %dot_general3A_47 = arith.constant dense<0.000000e+00> : vector<16x128xf32>
    %dot_general3A_48 = tpu.matmul %mul3A_43, %convert_element_type3A_45, %dot_general3A_47 {dimension_numbers = #tpu.dot_dimension_numbers<[1], [0], [0], [1], [0, 0, 1, 1], [], []>, precision = #tpu.contract_precision<fp32>, transpose_lhs_hint = false} : vector<16x128xf32>, vector<128x128xf32>, vector<16x128xf32> -> vector<16x128xf32>
    %iota3A_49 = tpu.iota {dimensions = array<i32: 1>} : vector<16x16xi32>
    %iota3A_50 = tpu.iota {dimensions = array<i32: 0>} : vector<16x16xi32>
    %lt3A = arith.cmpi slt, %iota3A_49, %iota3A_50 : vector<16x16xi32>
    %convert_element_type3A_51 = arith.extui %lt3A : vector<16x16xi1> to vector<16x16xi32>
    %convert_element_type3A_52 = arith.sitofp %convert_element_type3A_51 : vector<16x16xi32> to vector<16x16xf32>
    %slice3A_53 = vector.extract_strided_slice %dot_general3A_46 {offsets = [0, 127], sizes = [16, 1], strides = [1, 1]} : vector<16x128xf32> to vector<16x1xf32>
    %dot_general3A_54 = arith.constant dense<0.000000e+00> : vector<16x1xf32>
    %dot_general3A_55 = tpu.matmul %convert_element_type3A_52, %slice3A_53, %dot_general3A_54 {dimension_numbers = #tpu.dot_dimension_numbers<[1], [0], [0], [1], [0, 0, 1, 1], [], []>, precision = #tpu.contract_precision<fp32>, transpose_lhs_hint = false} : vector<16x16xf32>, vector<16x1xf32>, vector<16x1xf32> -> vector<16x1xf32>
    %slice3A_56 = vector.extract_strided_slice %dot_general3A_48 {offsets = [0, 127], sizes = [16, 1], strides = [1, 1]} : vector<16x128xf32> to vector<16x1xf32>
    %dot_general3A_57 = arith.constant dense<0.000000e+00> : vector<16x1xf32>
    %dot_general3A_58 = tpu.matmul %convert_element_type3A_52, %slice3A_56, %dot_general3A_57 {dimension_numbers = #tpu.dot_dimension_numbers<[1], [0], [0], [1], [0, 0, 1, 1], [], []>, precision = #tpu.contract_precision<fp32>, transpose_lhs_hint = false} : vector<16x16xf32>, vector<16x1xf32>, vector<16x1xf32> -> vector<16x1xf32>
    %add3A = vector.broadcast %dot_general3A_55 : vector<16x1xf32> to vector<16x128xf32>
    %add3A_59 = arith.addf %add3A, %dot_general3A_46 : vector<16x128xf32>
    %sub3A = arith.subf %add3A_59, %slice3A : vector<16x128xf32>
    %add3A_60 = vector.broadcast %dot_general3A_58 : vector<16x1xf32> to vector<16x128xf32>
    %add3A_61 = arith.addf %add3A_60, %dot_general3A_48 : vector<16x128xf32>
    %sub3A_62 = arith.subf %add3A_61, %mul3A_43 : vector<16x128xf32>
    %reduce_sum3A_63 = vector.shape_cast %slice3A : vector<16x128xf32> to vector<1x16x128xf32>
    %reduce_sum3A_64 = arith.constant dense<0.000000e+00> : vector<1xf32>
    %reduce_sum3A_65 = vector.multi_reduction <add>, %reduce_sum3A_63, %reduce_sum3A_64 [1, 2] : vector<1x16x128xf32> to vector<1xf32>
    %reduce_sum3A_66 = vector.shape_cast %reduce_sum3A_65 : vector<1xf32> to vector<1x1x1xf32>
    %reduce_sum3A_67 = vector.extract %reduce_sum3A_66[0, 0, 0] : f32 from vector<1x1x1xf32>
    %gt3A_68 = arith.constant 0.000000e+00 : f32
    %gt3A_69 = arith.cmpf ogt, %reduce_sum3A_17, %gt3A_68 : f32
    %mul3A_70 = arith.constant 3.000000e+00 : f32
    %mul3A_71 = arith.mulf %mul3A_70, %reduce_sum3A_17 : f32
    %min3A = arith.minimumf %reduce_sum3A_67, %mul3A_71 : f32
    %jit3A_72 = arith.constant 1.000000e+02 : f32
    %select_n3A_73 = arith.select %gt3A_69, %min3A, %jit3A_72 : f32
    %min3A_74 = arith.minimumf %select_n3A_73, %reduce_sum3A_67 : f32
    %lt3A_75 = vector.broadcast %min3A_74 : f32 to vector<16x128xf32>
    %lt3A_76 = arith.cmpf olt, %sub3A, %lt3A_75 : vector<16x128xf32>
    %ge3A = vector.broadcast %min3A_74 : f32 to vector<16x128xf32>
    %ge3A_77 = arith.cmpf oge, %add3A_59, %ge3A : vector<16x128xf32>
    %and3A = arith.andi %lt3A_76, %ge3A_77 : vector<16x128xi1>
    %jit3A_78 = arith.constant 1.000000e+00 : f32
    %jit3A_79 = arith.constant 0.000000e+00 : f32
    %broadcast_in_dim3A_80 = vector.broadcast %jit3A_78 : f32 to vector<16x128xf32>
    %broadcast_in_dim3A_81 = vector.broadcast %jit3A_79 : f32 to vector<16x128xf32>
    %select_n3A_82 = arith.select %and3A, %broadcast_in_dim3A_80, %broadcast_in_dim3A_81 : vector<16x128xi1>, vector<16x128xf32>
    %gt3A_83 = arith.constant 0.000000e+00 : f32
    %gt3A_84 = arith.cmpf ogt, %min3A_74, %gt3A_83 : f32
    %jit3A_85 = arith.constant 1.000000e+00 : f32
    %jit3A_86 = arith.constant 0.000000e+00 : f32
    %select_n3A_87 = arith.select %gt3A_84, %jit3A_85, %jit3A_86 : f32
    %mul3A_88 = vector.broadcast %select_n3A_87 : f32 to vector<16x128xf32>
    %mul3A_89 = arith.mulf %select_n3A_82, %mul3A_88 : vector<16x128xf32>
    %mul3A_90 = arith.mulf %mul3A_89, %slice3A : vector<16x128xf32>
    %reduce_sum3A_91 = vector.shape_cast %mul3A_90 : vector<16x128xf32> to vector<1x16x128xf32>
    %reduce_sum3A_92 = arith.constant dense<0.000000e+00> : vector<1xf32>
    %reduce_sum3A_93 = vector.multi_reduction <add>, %reduce_sum3A_91, %reduce_sum3A_92 [1, 2] : vector<1x16x128xf32> to vector<1xf32>
    %reduce_sum3A_94 = vector.shape_cast %reduce_sum3A_93 : vector<1xf32> to vector<1x1x1xf32>
    %reduce_sum3A_95 = vector.extract %reduce_sum3A_94[0, 0, 0] : f32 from vector<1x1x1xf32>
    %mul3A_96 = arith.mulf %mul3A_89, %mul3A_43 : vector<16x128xf32>
    %reduce_sum3A_97 = vector.shape_cast %mul3A_96 : vector<16x128xf32> to vector<1x16x128xf32>
    %reduce_sum3A_98 = arith.constant dense<0.000000e+00> : vector<1xf32>
    %reduce_sum3A_99 = vector.multi_reduction <add>, %reduce_sum3A_97, %reduce_sum3A_98 [1, 2] : vector<1x16x128xf32> to vector<1xf32>
    %reduce_sum3A_100 = vector.shape_cast %reduce_sum3A_99 : vector<1xf32> to vector<1x1x1xf32>
    %reduce_sum3A_101 = vector.extract %reduce_sum3A_100[0, 0, 0] : f32 from vector<1x1x1xf32>
    %mul3A_102 = arith.mulf %mul3A_89, %sub3A : vector<16x128xf32>
    %reduce_sum3A_103 = vector.shape_cast %mul3A_102 : vector<16x128xf32> to vector<1x16x128xf32>
    %reduce_sum3A_104 = arith.constant dense<0.000000e+00> : vector<1xf32>
    %reduce_sum3A_105 = vector.multi_reduction <add>, %reduce_sum3A_103, %reduce_sum3A_104 [1, 2] : vector<1x16x128xf32> to vector<1xf32>
    %reduce_sum3A_106 = vector.shape_cast %reduce_sum3A_105 : vector<1xf32> to vector<1x1x1xf32>
    %reduce_sum3A_107 = vector.extract %reduce_sum3A_106[0, 0, 0] : f32 from vector<1x1x1xf32>
    %mul3A_108 = arith.mulf %mul3A_89, %sub3A_62 : vector<16x128xf32>
    %reduce_sum3A_109 = vector.shape_cast %mul3A_108 : vector<16x128xf32> to vector<1x16x128xf32>
    %reduce_sum3A_110 = arith.constant dense<0.000000e+00> : vector<1xf32>
    %reduce_sum3A_111 = vector.multi_reduction <add>, %reduce_sum3A_109, %reduce_sum3A_110 [1, 2] : vector<1x16x128xf32> to vector<1xf32>
    %reduce_sum3A_112 = vector.shape_cast %reduce_sum3A_111 : vector<1xf32> to vector<1x1x1xf32>
    %reduce_sum3A_113 = vector.extract %reduce_sum3A_112[0, 0, 0] : f32 from vector<1x1x1xf32>
    %max3A_114 = arith.constant 1.000000e+00 : f32
    %max3A_115 = arith.maximumf %reduce_sum3A_95, %max3A_114 : f32
    %div3A_116 = arith.divf %reduce_sum3A_101, %max3A_115 : f32
    %gt3A_117 = arith.constant 0.000000e+00 : f32
    %gt3A_118 = arith.cmpf ogt, %min3A_74, %gt3A_117 : f32
    %sub3A_119 = arith.subf %min3A_74, %reduce_sum3A_107 : f32
    %mul3A_120 = arith.mulf %sub3A_119, %div3A_116 : f32
    %add3A_121 = arith.addf %reduce_sum3A_113, %mul3A_120 : f32
    %jit3A_122 = arith.constant 0.000000e+00 : f32
    %select_n3A_123 = arith.select %gt3A_118, %add3A_121, %jit3A_122 : f32
    %gt3A_124 = arith.cmpf ogt, %select_n3A_73, %reduce_sum3A_67 : f32
    %sub3A_125 = arith.subf %select_n3A_73, %reduce_sum3A_67 : f32
    %mul3A_126 = arith.constant -1.000000e+30 : f32
    %mul3A_127 = arith.mulf %sub3A_125, %mul3A_126 : f32
    %jit3A_128 = arith.constant 0.000000e+00 : f32
    %select_n3A_129 = arith.select %gt3A_124, %mul3A_127, %jit3A_128 : f32
    %add3A_130 = arith.addf %select_n3A_123, %select_n3A_129 : f32
    %add3A_131 = arith.addf %reduce_sum3A_28, %add3A_130 : f32
    %add3A_132 = arith.addf %reduce_sum3A_17, %select_n3A_73 : f32
    %div3A_133 = arith.divf %add3A_131, %add3A_132 : f32
    %swap3A = arith.constant 0 : index
    %swap3A_134 = arith.constant 0 : index
    %swap3A_135 = memref.load %arg2[%swap3A, %swap3A_134] : memref<1x1xf32, #tpu.memory_space<smem>>
    memref.store %div3A_133, %arg2[%swap3A, %swap3A_134] : memref<1x1xf32, #tpu.memory_space<smem>>
    return
  }
}

</mosaic_0001>

<sc_bundles>
// kernel: kernel.4.cloned.1.call-start
scs
__scs_entry_jumppad:
0x0: {  	(pc) =	sbr.rel $0x88, $3  }
0x1: {  	(tag) =	ssettag $0x0;
	lr =	simm.s32 $0x1  }
0x2: {  	[smem:$0x3F9E] =	sst lr;
	_ =	strace $0xD0000000  }
0x3: {  	_ = 	snop  }
0x4: {  	_ = 	snop  }
0x5: {  	_ = 	snop  }
0x6: {  	_ = 	snop  }
0x7: {  	_ = 	snop  }
__scs_overlays_trampoline_lowered:
0x8: {  	[smem:$0x3FAD] =	sst s0  }
0x9: {  	[smem:$0x3FAE] =	sst s1  }
0xa: {  	[smem:$0x3FAF] =	sst s2  }
0xb: {  	[smem:$0x3FB0] =	sst s3  }
0xc: {  	[smem:$0x3FB1] =	sst s4  }
0xd: {  	[smem:$0x3FB2] =	sst s5  }
0xe: {  	[smem:$0x3FB3] =	sst s6  }
0xf: {  	[smem:$0x3FB4] =	sst s7  }
0x10: {  	[smem:$0x3FB5] =	sst s8  }
0x11: {  	[smem:$0x3FB6] =	sst s9;
	s0 =	simm.s32 @!p0 $0x0  }
0x12: {  	s1 =	sld [smem:$0x3F9C];
	s0 =	simm.s32 @p0 $0x1  }
0x13: {  	[smem:$0x3FB7] =	sst s0;
	s0 =	simm.s32 @!p1 $0x0  }
0x14: {  	s2 =	sld [smem:$0x3F9B];
	s0 =	simm.s32 @p1 $0x1  }
0x15: {  	[smem:$0x3FB8] =	sst s0;
	s0 =	simm.s32 @!p2 $0x0  }
0x16: {  	s3 =	sld [smem:$0x3FDB];
	s0 =	simm.s32 @p2 $0x1  }
0x17: {  	s4 =	simm.s32 $0x1BF5;
	[smem:$0x3FBA] =	sst s0  }
0x18: {  	s0 =	sld [smem:$0x3F9D];
	_ =	swait.ge [sflag:s4], $0x0  }
0x19: {  	s7 =	sld [smem:$0x3F9E]  }
0x1a: {  	s8 =	sadd.s32 $0xFFFFE003, lr  }
0x1b: {  	s9 =	sadd.s32 $0xFFFFFEF7, lr;
	s5 =	simm.s32 $0xFFFFFFFF;
	p2 =	slt.u32 s8, $0xFFFFF086  }
0x1c: {  	p1 =	slt.u32 s9, $0xF7A;
	s5 =	simm.s32 @!p2 $0x0  }
0x1d: {  	s5 =	simm.s32 @p1 $0x1;
	p0 =	seq.s32 s7, s2  }
0x1e: {  	s7 =	smul.u32 @!p0 $0xF7A, s2;
	p2 =	seq.s32 @!p0 s5, $0x0  }
0x1f: {  	s9 =	smul.u32 $0xF7A, s1;
	s8 =	simm.s32 @!p0 $0x1BF5;
	p2 =	por !p2, p0  }
0x20: {  	[sflag:s8] =	ssyncset.s32 @!p0 $0xFFFFF086;
	s6 =	sadd.s32 @!p0 s3, s7;
	s7 =	simm.s32 @!p0 $0x108  }
0x21: {  	s3 =	sadd.s32 s3, s9;
	s6 =	sadd.s32 @!p0 $0x88, s6;
	s7 =	simm.s32 @p2 $0x1082  }
0x22: {  	[simem:s7], [sflag:s8] =	dma.local @!p0 [hbm:s6], $0xF7A  }
0x23: {  	s9 =	sor.u32 $0xD0000000, s2;
	s6 =	simm.s32 $0x108;
	_ =	swait.ge @!p0 [sflag:s8], $0x0  }
0x24: {  	s3 =	sadd.s32 $0x88, s3;
	s6 =	simm.s32 @!p1 $0x1082;
	[sflag:s4] =	ssyncset.s32 $0xFFFFF086  }
0x25: {  	[simem:s6], [sflag:s4] =	dma.local [hbm:s3], $0xF7A  }
0x26: {  	[smem:$0x3F9E] =	sst s1;
	(tag) =	ssettag s2;
	_ =	strace s9  }
0x27: {  	s1 =	sld [smem:$0x3FAE]  }
0x28: {  	s2 =	sld [smem:$0x3FAF]  }
0x29: {  	s4 =	sld [smem:$0x3FB1]  }
0x2a: {  	p0 =	seq.s32 s5, $0x0;
	s5 =	sld [smem:$0x3FB2]  }
0x2b: {  	s6 =	sld [smem:$0x3FB3]  }
0x2c: {  	s7 =	sld [smem:$0x3FB4]  }
0x2d: {  	s3 =	simm.s32 $0x108;
	s8 =	sld [smem:$0x3FB5]  }
0x2e: {  	s3 =	simm.s32 @!p0 $0x1082;
	s9 =	sld [smem:$0x3FB6]  }
0x2f: {  	lr =	sadd.s32 s0, s3;
	s0 =	sld [smem:$0x3FAD]  }
0x30: {  	s3 =	sld [smem:$0x3FB0]  }
0x31: {  	[smem:$0x3FB9] =	sst s10  }
0x32: {  	s10 =	sld [smem:$0x3FB7];
	_ =	sdelay $0x3  }
0x33: {  	p0 =	seq.s32 s10, $0x1;
	s10 =	sld [smem:$0x3FB9];
	_ =	sdelay $0x3  }
0x34: {  	[smem:$0x3FB9] =	sst s10  }
0x35: {  	s10 =	sld [smem:$0x3FB8];
	_ =	sdelay $0x3  }
0x36: {  	p1 =	seq.s32 s10, $0x1;
	s10 =	sld [smem:$0x3FB9];
	_ =	sdelay $0x3  }
0x37: {  	[smem:$0x3FB9] =	sst s10  }
0x38: {  	s10 =	sld [smem:$0x3FBA]  }
0x39: {  	_ = 	snop;
	(pc) =	sbr.ind lr, $3  }
0x3a: {  	_ = 	snop  }
0x3b: {  	_ = 	snop  }
0x3c: {  	p2 =	seq.s32 s10, $0x1;
	s10 =	sld [smem:$0x3FB9]  }
0x3d: {  	_ =	shalt  }
0x3e: {  	_ =	shalt  }
0x3f: {  	_ =	shalt  }
0x40: {  	_ =	shalt  }
0x41: {  	_ =	shalt  }
0x42: {  	_ =	shalt  }
0x43: {  	_ =	shalt  }
0x44: {  	_ =	shalt  }
0x45: {  	_ =	shalt  }
0x46: {  	_ =	shalt  }
0x47: {  	_ =	shalt  }
0x48: {  	_ =	shalt  }
0x49: {  	_ =	shalt  }
0x4a: {  	_ =	shalt  }
0x4b: {  	_ =	shalt  }
0x4c: {  	_ =	shalt  }
0x4d: {  	_ =	shalt  }
0x4e: {  	_ =	shalt  }
0x4f: {  	_ =	shalt  }
0x50: {  	_ =	shalt  }
0x51: {  	_ =	shalt  }
0x52: {  	_ =	shalt  }
0x53: {  	_ =	shalt  }
0x54: {  	_ =	shalt  }
0x55: {  	_ =	shalt  }
0x56: {  	_ =	shalt  }
0x57: {  	_ =	shalt  }
0x58: {  	_ =	shalt  }
0x59: {  	_ =	shalt  }
0x5a: {  	_ =	shalt  }
0x5b: {  	_ =	shalt  }
0x5c: {  	_ =	shalt  }
0x5d: {  	_ =	shalt  }
0x5e: {  	_ =	shalt  }
0x5f: {  	_ =	shalt  }
0x60: {  	_ =	shalt  }
0x61: {  	_ =	shalt  }
0x62: {  	_ =	shalt  }
0x63: {  	_ =	shalt  }
0x64: {  	_ =	shalt  }
0x65: {  	_ =	shalt  }
0x66: {  	_ =	shalt  }
0x67: {  	_ =	shalt  }
0x68: {  	_ =	shalt  }
0x69: {  	_ =	shalt  }
0x6a: {  	_ =	shalt  }
0x6b: {  	_ =	shalt  }
0x6c: {  	_ =	shalt  }
0x6d: {  	_ =	shalt  }
0x6e: {  	_ =	shalt  }
0x6f: {  	_ =	shalt  }
0x70: {  	_ =	shalt  }
0x71: {  	_ =	shalt  }
0x72: {  	_ =	shalt  }
0x73: {  	_ =	shalt  }
0x74: {  	_ =	shalt  }
0x75: {  	_ =	shalt  }
0x76: {  	_ =	shalt  }
0x77: {  	_ =	shalt  }
0x78: {  	_ =	shalt  }
0x79: {  	_ =	shalt  }
0x7a: {  	_ =	shalt  }
0x7b: {  	_ =	shalt  }
0x7c: {  	_ =	shalt  }
0x7d: {  	_ =	shalt  }
0x7e: {  	_ =	shalt  }
0x7f: {  	_ =	shalt  }
0x80: {  	_ =	shalt  }
0x81: {  	_ =	shalt  }
0x82: {  	_ =	shalt  }
0x83: {  	_ =	shalt  }
0x84: {  	_ =	shalt  }
0x85: {  	_ =	shalt  }
0x86: {  	_ =	shalt  }
0x87: {  	_ =	shalt  }
.Lfunc_end0:
.L_simem_size_0:
called_computation_lowered:
.L_overlay_start_0:
0x88: {  	s2 =	sld [smem:$0x3FD9]  }
0x89: {  	s3 =	sld [smem:$0x3FFE];
	_ =	sdelay $0x1  }
0x8a: {  	s1 =	srdreg.scid  }
0x8b: {  	s0 =	sand.u32 $0x1, s1  }
0x8c: {  	s16 =	sshll.u32 s0, $0xA;
	s2 =	sadd.s32 s3, s2  }
0x8d: {  	s2 =	sadd.s32 s2, s16  }
0x8e: {  	[smem:$0x3FC5] =	sst s2  }
0x8f: {  	_ = 	snop  }
0x90: {  	(tm) =	ssettm $0x1  }
0x91: {  	s17 =	sld [smem:$0x3FFB];
	_ =	sdelay $0x3  }
0x92: {  	_ =	strace s17  }
0x93: {  	s2 =	sld [smem:$0x3FFC];
	_ =	sdelay $0x3  }
0x94: {  	_ =	strace s2  }
0x95: {  	s2 =	sld [smem:$0x3FFD];
	_ =	sdelay $0x3  }
0x96: {  	_ =	strace s2  }
0x97: {  	_ =	strace $0x8FFFFFFF  }
0x98: {  	s18 =	sld [smem:$0x3FDB];
	_ =	sdelay $0x1  }
0x99: {  	s19 =	simm.s32 $_scs_section_size  }
0x9a: {  	s4 =	simm.s32 $_size__tile_overlayer_lowered;
	s5 =	simm.s32 $_tile_overlayer_lowered  }
0x9b: {  	s22 =	simm.s32 $0x1BFF;
	s21 =	sshll.u32 s5, $0x1;
	s2 =	sadd.s32 s19, s18  }
0x9c: {  	s6 =	simm.s32 $0x0;
	s20 =	sshll.u32 s4, $0x1;
	s4 =	sadd.s32 s21, s2  }
0x9d: {  	[timem:s6], [sflag:s22] =	dma.local [hbm:s4], s20  }
0x9e: {  	_ =	swait.ge [sflag:s22], s20  }
0x9f: {  	s3 =	ssub.s32 $0x0, s20;
	[sflag:s22] =	ssyncset.done $0x0  }
0xa0: {  	[sflag:s22] =	ssyncadd.s32 s3;
	_ =	sdelay $0x1  }
0xa1: {  	s23 =	simm.s32 $0x1B8B  }
0xa2: {  	_ =	swait.ge [sflag:s23], $0x1  }
0xa3: {  	[sflag:s23] =	ssyncset.done $0x0  }
0xa4: {  	s25 =	simm.s32 $0x1B8E;
	s24 =	sld [smem:$0x3FFE];
	[sflag:s23] =	ssyncadd.s32 $0xFFFFFFFF  }
0xa5: {  	s26 =	simm.s32 $execute0_lowered;
	[smem:$0x3FD2] =	sst s25  }
0xa6: {  	s4 =	sshll.u32 s26, $0x1;
	_ =	strace $0x80000046;
	[dreg:$0x1] =	wrdreg $0xFFFFFFFF  }
0xa7: {  	s28 =	simm.s32 $_size_execute0_lowered;
	s2 =	sadd.s32 s2, s4;
	[dreg:$0x0] =	wrdreg $0x0  }
0xa8: {  	s4 =	sshll.u32 s28, $0x1;
	[dreg:$0x2] =	wrdreg s2  }
0xa9: {  	[dreg:$0x3] =	wrdreg s4  }
0xaa: {  	[dreg:$0x4] =	wrdreg $0xC0  }
0xab: {  	_ =	task [dreg:s6], $0x5FFFF  }
0xac: {  	[dreg:$0x1] =	wrdreg $0xFFFFFFFF  }
0xad: {  	[dreg:$0x0] =	wrdreg $0x60  }
0xae: {  	[dreg:$0x2] =	wrdreg s24  }
0xaf: {  	[dreg:$0x3] =	wrdreg $0x9  }
0xb0: {  	_ =	task.clear_ibuf [dreg:s6], $0x4FFFF;
	_ =	strace $0x90000046  }
0xb1: {  	s29 =	simm.s32 $0x9;
	_ =	strace $0x80000048  }
0xb2: {  	_ =	swait.ge [sflag:s29], $0x1  }
0xb3: {  	[sflag:s29] =	ssyncadd.s32 $0xFFFFFFFF  }
0xb4: {  	_ =	strace $0x90000048  }
0xb5: {  	_ =	sfence  }
0xb6: {  	s30 =	sld [smem:$0x0];
	_ =	sdelay $0x2  }
0xb7: {  	s31 =	sshll.u32 s1, $0xD;
	s1 =	sshrl.u32 s1, $0x2  }
0xb8: {  	s3 =	sand.u32 $0x4000, s31;
	s1 =	sadd.s32 s1, s30  }
0xb9: {  	s0 =	sor.u32 s3, s0;
	s1 =	sshll.u32 s1, $0x11  }
0xba: {  	s0 =	sor.u32 s1, s0  }
0xbb: {  	s0 =	sadd.s32 $0x8F2B, s0  }
0xbc: {  	[sflag:s0] =	ssyncadd.remote.s32 $0x1  }
0xbd: {  	_ =	sfence.sel $0xFFFF  }
0xbe: {  	[dreg:$0x0] =	wrdreg $0xFFFFFFFF;
	(pc) =	sbr.abs _section_cstart, $3  }
0xbf: {  	[dreg:$0x1] =	wrdreg $0xFFFFFFFF  }
0xc0: {  	_ =	task.clear_ibuf [dreg:s6], $0x2FFFF;
	_ =	strace $0x9FFFFFFF  }
0xc1: {  	(tm) =	ssettm $0x7FFFFFFF  }
tec
execute0_lowered:
.L_overlay_start_1:
0x0: {  	(tag) =	ssettag $0x1  }
0x1: {  	s0 =	srdreg.scid;
	s2 =	stileid.u32  }
0x2: {  	s1 =	rddreg [dreg:$0x0];
	s12 =	simm.s32 $0x2000;
	s28 =	simm.s32 $0x15000  }
0x3: {  	s29 =	simm.s32 $0xE000;
	s30 =	simm.s32 $0x16000;
	s31 =	simm.s32 $0xF000  }
0x4: {  	s0 =	sand.u32 $0x1, s0;
	s2 =	sshll.u32 s2, $0x1;
	s5 =	sadd.s32 $0xC00, s1  }
0x5: {  	s6 =	sadd.s32 $0x20C00, s1;
	s7 =	sadd.s32 $0x40C00, s1;
	s3 =	sor.u32 s0, s2  }
0x6: {  	s2 =	simm.s32 $0x0;
	s0 =	ssub.s32 $0x2, s0;
	s4 =	sshll.u32 s3, $0xC  }
0x7: {  	s3 =	sshll.u32 s3, $0x7;
	[smem:$0x7FF] =	sst s2;
	s17 =	sshrl.u32 s0, $0x1  }
0x8: {  	s3 =	sor.u32 s3, s4;
	_ =	strace $0x80000047;
	s0 =	ssub.s32 s0, s17  }
0x9: {  	s18 =	sadd.s32 s5, s4;
	s19 =	sor.u32 $0x400, s4;
	s8 =	sadd.s32 s6, s4  }
0xa: {  	s20 =	sadd.s32 s7, s4;
	s23 =	sor.u32 $0x800, s4;
	[dreg:$0x2] =	wrdreg s18  }
0xb: {  	s4 =	sor.u32 $0xC00, s4;
	s3 =	sand.u32 $0x18380, s3;
	[dreg:$0x3] =	wrdreg s8  }
0xc: {  	[dreg:$0x4] =	wrdreg s20;
	s21 =	sadd.s32 s5, s19;
	s22 =	sadd.s32 s6, s19  }
0xd: {  	s24 =	sadd.s32 s5, s23;
	s25 =	sadd.s32 s6, s23;
	s26 =	sadd.s32 s5, s4  }
0xe: {  	s13 =	sadd.s32 s6, s4;
	s14 =	sadd.s32 s7, s4;
	s17 =	smax.u32 s0, $0x1  }
0xf: {  	s0 =	simm.s32 $0x10000;
	s18 =	simm.s32 $0x18000;
	[dreg:$0x5] =	wrdreg s21  }
0x10: {  	s20 =	simm.s32 $0x19000;
	s4 =	simm.s32 $0x1B000;
	[dreg:$0x6] =	wrdreg s22  }
0x11: {  	s5 =	simm.s32 $0x2;
	s6 =	simm.s32 $0x80;
	[dreg:$0x8] =	wrdreg s24  }
0x12: {  	s8 =	simm.s32 $0x3;
	s3 =	sshrl.u32 s3, $0x3;
	[dreg:$0x9] =	wrdreg s25  }
0x13: {  	[dreg:$0xb] =	wrdreg s26;
	s24 =	simm.s32 $0xC000;
	s25 =	simm.s32 $0x14000  }
0x14: {  	s26 =	simm.s32 $0xD000;
	s21 =	simm.s32 $0x12000;
	s22 =	simm.s32 $0x1A000  }
0x15: {  	s1 =	sadd.s32 s3, s1;
	s3 =	sadd.s32 s7, s19;
	s19 =	simm.s32 $0x11000  }
0x16: {  	[dreg:$0x7] =	wrdreg s3;
	s3 =	sadd.s32 s7, s23;
	s15 =	sadd.s32 $0x60C00, s1  }
0x17: {  	v0 =	vimm.f32 $0.0e+00;
	s16 =	sadd.s32 $0x64C00, s1;
	s23 =	simm.s32 $0x1;
	s1 =	simm.s32 $0x17000  }
0x18: {  	v1 =	vimm.f32 $1.000000000e+00;
	v2 =	vimm.f32 $1.192092900e-07;
	v3 =	vimm.s32 $0xFFFFE640;
	s7 =	simm.s32 $0x400;
	[dreg:$0xa] =	wrdreg s3;
	s3 =	simm.s32 $0x13000  }
.LBB2_1:
0x19: {  	s9 =	simm.s32 $0x0  }
0x1a: {  	[tilespmem:s9+$0x1B030] =	vst v0  }
0x1b: {  	[tilespmem:s9+$0xC000] =	vst v0  }
0x1c: {  	[tilespmem:s9+$0x14000] =	vst v0  }
0x1d: {  	[tilespmem:s9+$0xD000] =	vst v0  }
0x1e: {  	[tilespmem:s9+$0x15000] =	vst v0  }
0x1f: {  	[tilespmem:s9+$0xE000] =	vst v0  }
0x20: {  	[tilespmem:s9+$0x16000] =	vst v0  }
0x21: {  	[tilespmem:s9+$0xF000] =	vst v0  }
0x22: {  	[tilespmem:s9+$0x17000] =	vst v0  }
0x23: {  	[tilespmem:s9+$0x10000] =	vst v0  }
0x24: {  	[tilespmem:s9+$0x18000] =	vst v0  }
0x25: {  	[tilespmem:s9+$0x11000] =	vst v0  }
0x26: {  	[tilespmem:s9+$0x19000] =	vst v0  }
0x27: {  	[tilespmem:s9+$0x12000] =	vst v0  }
0x28: {  	[tilespmem:s9+$0x1A000] =	vst v0  }
0x29: {  	[tilespmem:s9+$0x13000] =	vst v0  }
0x2a: {  	[tilespmem:s9+$0x1B000] =	vst v0  }
0x2b: {  	[tilespmem:s9+$0xC010] =	vst v0  }
0x2c: {  	[tilespmem:s9+$0x14010] =	vst v0  }
0x2d: {  	[tilespmem:s9+$0xD010] =	vst v0  }
0x2e: {  	[tilespmem:s9+$0x15010] =	vst v0  }
0x2f: {  	[tilespmem:s9+$0xE010] =	vst v0  }
0x30: {  	[tilespmem:s9+$0x16010] =	vst v0  }
0x31: {  	[tilespmem:s9+$0xF010] =	vst v0  }
0x32: {  	[tilespmem:s9+$0x17010] =	vst v0  }
0x33: {  	[tilespmem:s9+$0x10010] =	vst v0  }
0x34: {  	[tilespmem:s9+$0x18010] =	vst v0  }
0x35: {  	[tilespmem:s9+$0x11010] =	vst v0  }
0x36: {  	[tilespmem:s9+$0x19010] =	vst v0  }
0x37: {  	[tilespmem:s9+$0x12010] =	vst v0  }
0x38: {  	[tilespmem:s9+$0x1A010] =	vst v0  }
0x39: {  	[tilespmem:s9+$0x13010] =	vst v0  }
0x3a: {  	[tilespmem:s9+$0x1B010] =	vst v0  }
0x3b: {  	[tilespmem:s9+$0xC020] =	vst v0  }
0x3c: {  	[tilespmem:s9+$0x14020] =	vst v0  }
0x3d: {  	[tilespmem:s9+$0xD020] =	vst v0  }
0x3e: {  	[tilespmem:s9+$0x15020] =	vst v0  }
0x3f: {  	[tilespmem:s9+$0xE020] =	vst v0  }
0x40: {  	[tilespmem:s9+$0x16020] =	vst v0  }
0x41: {  	[tilespmem:s9+$0xF020] =	vst v0  }
0x42: {  	[tilespmem:s9+$0x17020] =	vst v0  }
0x43: {  	[tilespmem:s9+$0x10020] =	vst v0  }
0x44: {  	[tilespmem:s9+$0x18020] =	vst v0  }
0x45: {  	[tilespmem:s9+$0x11020] =	vst v0  }
0x46: {  	[tilespmem:s9+$0x19020] =	vst v0  }
0x47: {  	[tilespmem:s9+$0x12020] =	vst v0  }
0x48: {  	[tilespmem:s9+$0x1A020] =	vst v0  }
0x49: {  	[tilespmem:s9+$0x13020] =	vst v0  }
0x4a: {  	[tilespmem:s9+$0x1B020] =	vst v0  }
0x4b: {  	[tilespmem:s9+$0xC030] =	vst v0  }
0x4c: {  	[tilespmem:s9+$0x14030] =	vst v0  }
0x4d: {  	[tilespmem:s9+$0xD030] =	vst v0  }
0x4e: {  	[tilespmem:s9+$0x15030] =	vst v0  }
0x4f: {  	[tilespmem:s9+$0xE030] =	vst v0  }
0x50: {  	[tilespmem:s9+$0x16030] =	vst v0  }
0x51: {  	[tilespmem:s9+$0xF030] =	vst v0  }
0x52: {  	[tilespmem:s9+$0x17030] =	vst v0  }
0x53: {  	[tilespmem:s9+$0x10030] =	vst v0  }
0x54: {  	[tilespmem:s9+$0x18030] =	vst v0  }
0x55: {  	[tilespmem:s9+$0x11030] =	vst v0  }
0x56: {  	[tilespmem:s9+$0x19030] =	vst v0  }
0x57: {  	[tilespmem:s9+$0x12030] =	vst v0  }
0x58: {  	s10 =	simm.s32 $0x0;
	s11 =	simm.s32 $0x100;
	[tilespmem:s9+$0x1A030] =	vst v0  }
.LBB2_2:
0x59: {  	s10 =	sadd.s32 $0x4, s10;
	[tilespmem:s9+$0x13030] =	vst v0;
	s9 =	sshra.s32 s11, $0x2  }
0x5a: {  	[tilespmem:s9+$0x1B030] =	vst v0;
	p0 =	slt.u32 s10, $0xFC  }
0x5b: {  	[tilespmem:s9+$0xC000] =	vst v0  }
0x5c: {  	[tilespmem:s9+$0x14000] =	vst v0  }
0x5d: {  	[tilespmem:s9+$0xD000] =	vst v0  }
0x5e: {  	[tilespmem:s9+$0x15000] =	vst v0  }
0x5f: {  	[tilespmem:s9+$0xE000] =	vst v0  }
0x60: {  	[tilespmem:s9+$0x16000] =	vst v0  }
0x61: {  	[tilespmem:s9+$0xF000] =	vst v0  }
0x62: {  	[tilespmem:s9+$0x17000] =	vst v0  }
0x63: {  	[tilespmem:s9+$0x10000] =	vst v0  }
0x64: {  	[tilespmem:s9+$0x18000] =	vst v0  }
0x65: {  	[tilespmem:s9+$0x11000] =	vst v0  }
0x66: {  	[tilespmem:s9+$0x19000] =	vst v0  }
0x67: {  	[tilespmem:s9+$0x12000] =	vst v0  }
0x68: {  	[tilespmem:s9+$0x1A000] =	vst v0  }
0x69: {  	[tilespmem:s9+$0x13000] =	vst v0  }
0x6a: {  	[tilespmem:s9+$0x1B000] =	vst v0  }
0x6b: {  	[tilespmem:s9+$0xC010] =	vst v0  }
0x6c: {  	[tilespmem:s9+$0x14010] =	vst v0  }
0x6d: {  	[tilespmem:s9+$0xD010] =	vst v0  }
0x6e: {  	[tilespmem:s9+$0x15010] =	vst v0  }
0x6f: {  	[tilespmem:s9+$0xE010] =	vst v0  }
0x70: {  	[tilespmem:s9+$0x16010] =	vst v0  }
0x71: {  	[tilespmem:s9+$0xF010] =	vst v0  }
0x72: {  	[tilespmem:s9+$0x17010] =	vst v0  }
0x73: {  	[tilespmem:s9+$0x10010] =	vst v0  }
0x74: {  	[tilespmem:s9+$0x18010] =	vst v0  }
0x75: {  	[tilespmem:s9+$0x11010] =	vst v0  }
0x76: {  	[tilespmem:s9+$0x19010] =	vst v0  }
0x77: {  	[tilespmem:s9+$0x12010] =	vst v0  }
0x78: {  	[tilespmem:s9+$0x1A010] =	vst v0  }
0x79: {  	[tilespmem:s9+$0x13010] =	vst v0  }
0x7a: {  	[tilespmem:s9+$0x1B010] =	vst v0  }
0x7b: {  	[tilespmem:s9+$0xC020] =	vst v0  }
0x7c: {  	[tilespmem:s9+$0x14020] =	vst v0  }
0x7d: {  	[tilespmem:s9+$0xD020] =	vst v0  }
0x7e: {  	[tilespmem:s9+$0x15020] =	vst v0  }
0x7f: {  	[tilespmem:s9+$0xE020] =	vst v0  }
0x80: {  	[tilespmem:s9+$0x16020] =	vst v0  }
0x81: {  	[tilespmem:s9+$0xF020] =	vst v0  }
0x82: {  	[tilespmem:s9+$0x17020] =	vst v0  }
0x83: {  	[tilespmem:s9+$0x10020] =	vst v0  }
0x84: {  	[tilespmem:s9+$0x18020] =	vst v0  }
0x85: {  	[tilespmem:s9+$0x11020] =	vst v0  }
0x86: {  	[tilespmem:s9+$0x19020] =	vst v0  }
0x87: {  	[tilespmem:s9+$0x12020] =	vst v0  }
0x88: {  	[tilespmem:s9+$0x1A020] =	vst v0  }
0x89: {  	[tilespmem:s9+$0x13020] =	vst v0  }
0x8a: {  	[tilespmem:s9+$0x1B020] =	vst v0  }
0x8b: {  	[tilespmem:s9+$0xC030] =	vst v0  }
0x8c: {  	[tilespmem:s9+$0x14030] =	vst v0  }
0x8d: {  	[tilespmem:s9+$0xD030] =	vst v0  }
0x8e: {  	[tilespmem:s9+$0x15030] =	vst v0  }
0x8f: {  	[tilespmem:s9+$0xE030] =	vst v0  }
0x90: {  	[tilespmem:s9+$0x16030] =	vst v0  }
0x91: {  	[tilespmem:s9+$0xF030] =	vst v0  }
0x92: {  	[tilespmem:s9+$0x17030] =	vst v0  }
0x93: {  	[tilespmem:s9+$0x10030] =	vst v0  }
.Ltmp0:
0x94: {  	[tilespmem:s9+$0x18030] =	vst v0;
	(pc) =	sbr.rel @p0 .LBB2_2-.Ltmp0, $4  }
0x95: {  	[tilespmem:s9+$0x11030] =	vst v0  }
0x96: {  	[tilespmem:s9+$0x19030] =	vst v0  }
0x97: {  	[tilespmem:s9+$0x12030] =	vst v0  }
0x98: {  	s11 =	sadd.s32 $0x100, s11;
	[tilespmem:s9+$0x1A030] =	vst v0  }
0x99: {  	[tilespmem:s9+$0x13030] =	vst v0;
	s9 =	simm.s32 $0x0;
	s10 =	rddreg [dreg:$0x2]  }
0x9a: {  	[tilespmem:s9], [sflag:$0x1] =	stream.linear.gather [hbm4b:s10+s9], $0x2000, $0x38;
	[tilespmem:$0x1C000] =	vst v63  }
0x9b: {  	s11 =	rddreg [dreg:$0x3]  }
0x9c: {  	[tilespmem:s12], [sflag:$0x1] =	stream.linear.gather [hbm4b:s11+s9], $0x2000, $0x38;
	[tilespmem:$0x1C000] =	vst v63  }
0x9d: {  	s10 =	rddreg [dreg:$0x4];
	s11 =	simm.s32 $0x4000  }
0x9e: {  	[tilespmem:s11], [sflag:$0x1] =	stream.linear.gather [hbm4b:s10+s9], $0x2000, $0x38;
	[tilespmem:$0x1C000] =	vst v63  }
0x9f: {  	s10 =	rddreg [dreg:$0x5];
	s11 =	simm.s32 $0x6000  }
0xa0: {  	[tilespmem:s11], [sflag:$0x2] =	stream.linear.gather [hbm4b:s10+s9], $0x2000, $0x38;
	[tilespmem:$0x1C000] =	vst v63  }
0xa1: {  	s10 =	rddreg [dreg:$0x6];
	s11 =	simm.s32 $0x8000  }
0xa2: {  	[tilespmem:s11], [sflag:$0x2] =	stream.linear.gather [hbm4b:s10+s9], $0x2000, $0x38;
	[tilespmem:$0x1C000] =	vst v63  }
0xa3: {  	s10 =	rddreg [dreg:$0x7];
	s11 =	simm.s32 $0xA000  }
0xa4: {  	[tilespmem:s11], [sflag:$0x2] =	stream.linear.gather [hbm4b:s10+s9], $0x2000, $0x38;
	[tilespmem:$0x1C000] =	vst v63  }
0xa5: {  	_ =	swait.ge [sflag:s23], $0x2000  }
0xa6: {  	[sflag:s23] =	ssyncset.done $0x0  }
0xa7: {  	[sflag:s23] =	ssyncadd.s32 $0xFFFFE000  }
0xa8: {  	_ =	swait.ge [sflag:s23], $0x2000  }
0xa9: {  	[sflag:s23] =	ssyncset.done $0x0  }
0xaa: {  	[sflag:s23] =	ssyncadd.s32 $0xFFFFE000  }
0xab: {  	_ =	swait.ge [sflag:s23], $0x2000  }
0xac: {  	[sflag:s23] =	ssyncset.done $0x0  }
0xad: {  	s11 =	simm.s32 $0x0;
	[sflag:s23] =	ssyncadd.s32 $0xFFFFE000  }
0xae: {  	v4 =	vld [tilespmem:s11+$0x2020]  }
0xaf: {  	v5 =	vld [tilespmem:s11+$0x20]  }
0xb0: {  	v6 =	vld [tilespmem:s11+$0x4030]  }
0xb1: {  	v7 =	vld [tilespmem:s11+$0x2010]  }
0xb2: {  	v8 =	vld [tilespmem:s11+$0x2000]  }
0xb3: {  	v9 =	vld [tilespmem:s11+$0x0]  }
0xb4: {  	v10 =	vld [tilespmem:s11+$0x4000]  }
0xb5: {  	v11 =	vld [tilespmem:s11+$0x30]  }
0xb6: {  	v12 =	vld [tilespmem:s11+$0x4010];
	_ =	sdelay $0x1  }
0xb7: {  	v13 =	vld [tilespmem:s11+$0x2030];
	vm0 =	vgt.s32 v6, $0x0  }
0xb8: {  	v15 =	vld [tilespmem:s11+$0x2040];
	v6 =	vsub.f32 $1.000000000e+00, v5;
	vm2 =	vgt.s32 v8, $0x0;
	v14 =	vsub.f32 $1.000000000e+00, v9  }
0xb9: {  	v8 =	vld [tilespmem:s11+$0x10];
	vm1 =	vgt.s32 v7, $0x0;
	vm5 =	vgt.s32 v4, $0x0;
	vm3 =	vgt.s32 v10, $0x0  }
0xba: {  	v17 =	vld [tilespmem:s11+$0x60];
	vm4 =	vgt.s32 v12, $0x0;
	v16 =	vsub.f32 $1.000000000e+00, v11;
	v10 =	vsel vm1, $0x33D6BF95, v2  }
0xbb: {  	v19 =	vld [tilespmem:s11+$0x40];
	v18 =	vsel vm2, $0x33D6BF95, v2;
	v6 =	vsel vm5, v5, v6;
	v7 =	vsel vm2, v9, v14  }
0xbc: {  	v21 =	vld [tilespmem:s11+$0x50];
	v14 =	vsel vm2, $0xFFFFEE40, v3;
	v9 =	vsel vm5, $0x33D6BF95, v2;
	vm2 =	vgt.s32 v13, $0x0  }
0xbd: {  	v22 =	vld [tilespmem:s11+$0x2050];
	v12 =	vsel vm5, $0xFFFFEE40, v3;
	v6 =	vmax.f32 v6, v9;
	v11 =	vsel vm2, v11, v16  }
0xbe: {  	v24 =	vld [tilespmem:s11+$0x4050];
	v16 =	vsel vm2, $0x33D6BF95, v2;
	v18 =	vmax.f32 v7, v18;
	v9 =	vsub.f32 $1.000000000e+00, v8  }
0xbf: {  	v13 =	vld [tilespmem:s11+$0x4020];
	v20 =	vshra.s32 v6, $0x11;
	v7 =	vmax.f32 v11, v16;
	v16 =	vsel vm2, $0xFFFFEE40, v3  }
0xc0: {  	v4 =	vld [tilespmem:s11+$0x4070];
	v23 =	vshra.s32 v18, $0x11;
	v11 =	vshra.s32 v7, $0x11;
	v8 =	vsel vm1, v8, v9  }
0xc1: {  	v5 =	vld [tilespmem:s11+$0x4060];
	v14 =	vadd.s32 v14, v23;
	v9 =	vadd.s32 v12, v20;
	v63 =	vmax.f32 v8, v10  }
0xc2: {  	v12 =	vsel vm1, $0xFFFFEE40, v3;
	v8 =	vadd.s32 v16, v11;
	v10 =	vld [tilespmem:s11+$0x2060];
	v11 =	vshra.s32 v63, $0x11  }
0xc3: {  	vm5 =	vgt.s32 v22, $0x0;
	vm2 =	vgt.s32 v15, $0x0;
	v20 =	vld [tilespmem:s11+$0x4040];
	v25 =	vadd.s32 v12, v11  }
0xc4: {  	vm1 =	vgt.s32 v13, $0x0;
	v13 =	vsub.f32 $1.000000000e+00, v21;
	v16 =	vsub.f32 $1.000000000e+00, v19;
	v12 =	vld [tilespmem:s11+$0x2070]  }
0xc5: {  	v27 =	vsub.f32 $1.000000000e+00, v17;
	v22 =	vsel vm5, $0x33D6BF95, v2;
	v15 =	vsel vm2, $0xFFFFEE40, v3;
	v11 =	vld [tilespmem:s11+$0x70]  }
0xc6: {  	v26 =	vsel vm2, $0x33D6BF95, v2;
	v13 =	vsel vm5, v21, v13;
	v19 =	vsel vm2, v19, v16;
	[tilespmem:v14+s24+$0x0] =	vst.idx.add.f32.msk vm3, v1  }
0xc7: {  	v16 =	vsel vm5, $0xFFFFEE40, v3;
	[tilespmem:v14+s25+$0x0] =	vst.idx.add.f32.msk vm3, v18;
	v14 =	vmax.f32 v19, v26;
	vm5 =	vgt.s32 v10, $0x0  }
0xc8: {  	v10 =	vmax.f32 v13, v22;
	v13 =	vsel vm5, v17, v27;
	v17 =	vsel vm5, $0x33D6BF95, v2;
	[tilespmem:v25+s26+$0x0] =	vst.idx.add.f32.msk vm4, v1  }
0xc9: {  	vm3 =	vgt.s32 v24, $0x0;
	vm2 =	vgt.s32 v20, $0x0;
	v13 =	vmax.f32 v13, v17;
	[tilespmem:v25+s28+$0x0] =	vst.idx.add.f32.msk vm4, v63  }
0xca: {  	s9 =	simm.s32 $0x200;
	v19 =	vshra.s32 v14, $0x11;
	v18 =	vsel vm5, $0xFFFFEE40, v3;
	v17 =	vshra.s32 v13, $0x11;
	[tilespmem:v9+s29+$0x0] =	vst.idx.add.f32.msk vm1, v1  }
.LBB2_4:
0xcb: {  	s10 =	sshra.s32 s9, $0x2;
	p0 =	sne.s32 s9, $0x7E00;
	s9 =	sadd.s32 $0x200, s9;
	v15 =	vadd.s32 v15, v19;
	v19 =	vshra.s32 v10, $0x11;
	v17 =	vadd.s32 v18, v17  }
0xcc: {  	vm4 =	vgt.s32 v12, $0x0;
	v12 =	vsub.f32 $1.000000000e+00, v11;
	v16 =	vadd.s32 v16, v19  }
0xcd: {  	v18 =	vsel vm4, $0x33D6BF95, v2;
	[tilespmem:v9+s30+$0x0] =	vst.idx.add.f32.msk vm1, v6  }
0xce: {  	vm1 =	vgt.s32 v5, $0x0;
	v5 =	vsel vm4, v11, v12;
	[tilespmem:v8+s31+$0x0] =	vst.idx.add.f32.msk vm0, v1  }
0xcf: {  	v6 =	vsel vm4, $0xFFFFEE40, v3;
	v5 =	vmax.f32 v5, v18;
	[tilespmem:v8+s1+$0x0] =	vst.idx.add.f32.msk vm0, v7  }
0xd0: {  	v7 =	vshra.s32 v5, $0x11;
	vm0 =	vgt.s32 v4, $0x0;
	[tilespmem:v15+s0+$0x0] =	vst.idx.add.f32.msk vm2, v1  }
0xd1: {  	v4 =	vadd.s32 v6, v7;
	[tilespmem:v15+s18+$0x0] =	vst.idx.add.f32.msk vm2, v14  }
0xd2: {  	[tilespmem:v16+s19+$0x0] =	vst.idx.add.f32.msk vm3, v1  }
0xd3: {  	[tilespmem:v16+s20+$0x0] =	vst.idx.add.f32.msk vm3, v10  }
0xd4: {  	[tilespmem:v17+s21+$0x0] =	vst.idx.add.f32.msk vm1, v1  }
0xd5: {  	[tilespmem:v17+s22+$0x0] =	vst.idx.add.f32.msk vm1, v13  }
0xd6: {  	[tilespmem:v4+s3+$0x0] =	vst.idx.add.f32.msk vm0, v1  }
0xd7: {  	[tilespmem:v4+s4+$0x0] =	vst.idx.add.f32.msk vm0, v5  }
0xd8: {  	v4 =	vld [tilespmem:s10+$0x2020]  }
0xd9: {  	v5 =	vld [tilespmem:s10+$0x20]  }
0xda: {  	v6 =	vld [tilespmem:s10+$0x4030]  }
0xdb: {  	v7 =	vld [tilespmem:s10+$0x2010]  }
0xdc: {  	v8 =	vld [tilespmem:s10+$0x2000]  }
0xdd: {  	v9 =	vld [tilespmem:s10+$0x0]  }
0xde: {  	v10 =	vld [tilespmem:s10+$0x4000]  }
0xdf: {  	v11 =	vld [tilespmem:s10+$0x30];
	vm0 =	vgt.s32 v6, $0x0  }
0xe0: {  	v12 =	vsub.f32 $1.000000000e+00, v5;
	v6 =	vld [tilespmem:s10+$0x4010]  }
0xe1: {  	v13 =	vld [tilespmem:s10+$0x2030];
	vm2 =	vgt.s32 v8, $0x0  }
0xe2: {  	vm5 =	vgt.s32 v4, $0x0;
	vm1 =	vgt.s32 v7, $0x0;
	v8 =	vld [tilespmem:s10+$0x10];
	v14 =	vsub.f32 $1.000000000e+00, v9  }
0xe3: {  	v7 =	vsel vm5, v5, v12;
	v4 =	vld [tilespmem:s10+$0x4070];
	vm3 =	vgt.s32 v10, $0x0;
	v10 =	vsel vm1, $0x33D6BF95, v2  }
0xe4: {  	v15 =	vsel vm5, $0x33D6BF95, v2;
	v12 =	vld [tilespmem:s10+$0x2040];
	v9 =	vsel vm2, v9, v14;
	v14 =	vsel vm2, $0xFFFFEE40, v3  }
0xe5: {  	v16 =	vsel vm5, $0xFFFFEE40, v3;
	v17 =	vsub.f32 $1.000000000e+00, v11;
	v5 =	vld [tilespmem:s10+$0x4060];
	vm4 =	vgt.s32 v6, $0x0  }
0xe6: {  	v19 =	vsel vm2, $0x33D6BF95, v2;
	v6 =	vmax.f32 v7, v15;
	v18 =	vld [tilespmem:s10+$0x60];
	vm2 =	vgt.s32 v13, $0x0  }
0xe7: {  	v13 =	vld [tilespmem:s10+$0x4020];
	v15 =	vsub.f32 $1.000000000e+00, v8;
	v7 =	vsel vm2, v11, v17;
	v11 =	vsel vm2, $0x33D6BF95, v2  }
0xe8: {  	v19 =	vmax.f32 v9, v19;
	v9 =	vshra.s32 v6, $0x11;
	v17 =	vld [tilespmem:s10+$0x40];
	v7 =	vmax.f32 v7, v11  }
0xe9: {  	v20 =	vld [tilespmem:s10+$0x50];
	v11 =	vsel vm1, v8, v15;
	v8 =	vshra.s32 v7, $0x11;
	v15 =	vsel vm2, $0xFFFFEE40, v3  }
0xea: {  	v22 =	vshra.s32 v19, $0x11;
	v9 =	vadd.s32 v16, v9;
	v21 =	vld [tilespmem:s10+$0x2050];
	v8 =	vadd.s32 v15, v8  }
0xeb: {  	v14 =	vadd.s32 v14, v22;
	v22 =	vmax.f32 v11, v10;
	v23 =	vld [tilespmem:s10+$0x4040]  }
0xec: {  	v15 =	vsel vm1, $0xFFFFEE40, v3;
	v11 =	vshra.s32 v22, $0x11;
	v10 =	vld [tilespmem:s10+$0x2060];
	vm1 =	vgt.s32 v13, $0x0  }
0xed: {  	vm2 =	vgt.s32 v12, $0x0;
	v24 =	vadd.s32 v15, v11;
	v13 =	vld [tilespmem:s10+$0x4050];
	v16 =	vsub.f32 $1.000000000e+00, v17  }
0xee: {  	v15 =	vsel vm2, $0xFFFFEE40, v3;
	v12 =	vld [tilespmem:s10+$0x2070];
	v25 =	vsub.f32 $1.000000000e+00, v20  }
0xef: {  	v26 =	vsel vm2, $0x33D6BF95, v2;
	v11 =	vld [tilespmem:s10+$0x70];
	v17 =	vsel vm2, v17, v16;
	vm5 =	vgt.s32 v21, $0x0  }
.Ltmp1:
0xf0: {  	v27 =	vsub.f32 $1.000000000e+00, v18;
	v21 =	vsel vm5, $0x33D6BF95, v2;
	v16 =	vsel vm5, $0xFFFFEE40, v3;
	[tilespmem:v14+s24+$0x0] =	vst.idx.add.f32.msk vm3, v1;
	(pc) =	sbr.rel @p0 .LBB2_4-.Ltmp1, $4  }
0xf1: {  	vm2 =	vgt.s32 v23, $0x0;
	v20 =	vsel vm5, v20, v25;
	vm5 =	vgt.s32 v10, $0x0;
	[tilespmem:v14+s25+$0x0] =	vst.idx.add.f32.msk vm3, v19  }
0xf2: {  	v10 =	vmax.f32 v20, v21;
	v18 =	vsel vm5, v18, v27;
	v19 =	vsel vm5, $0x33D6BF95, v2;
	[tilespmem:v24+s26+$0x0] =	vst.idx.add.f32.msk vm4, v1  }
0xf3: {  	v14 =	vmax.f32 v17, v26;
	vm3 =	vgt.s32 v13, $0x0;
	v13 =	vmax.f32 v18, v19;
	[tilespmem:v24+s28+$0x0] =	vst.idx.add.f32.msk vm4, v22  }
0xf4: {  	v19 =	vshra.s32 v14, $0x11;
	v18 =	vsel vm5, $0xFFFFEE40, v3;
	v17 =	vshra.s32 v13, $0x11;
	[tilespmem:v9+s29+$0x0] =	vst.idx.add.f32.msk vm1, v1  }
0xf5: {  	_ =	sdelay $0x2  }
0xf6: {  	v15 =	vadd.s32 v15, v19  }
0xf7: {  	v19 =	vshra.s32 v10, $0x11;
	v20 =	vsub.f32 $1.000000000e+00, v11  }
0xf8: {  	vm4 =	vgt.s32 v12, $0x0;
	[tilespmem:v9+s30+$0x0] =	vst.idx.add.f32.msk vm1, v6;
	v16 =	vadd.s32 v16, v19  }
0xf9: {  	vm1 =	vgt.s32 v5, $0x0;
	v6 =	vsel vm4, $0x33D6BF95, v2;
	[tilespmem:v8+s31+$0x0] =	vst.idx.add.f32.msk vm0, v1;
	v5 =	vsel vm4, v11, v20  }
0xfa: {  	v9 =	vadd.s32 v18, v17;
	[tilespmem:v8+s1+$0x0] =	vst.idx.add.f32.msk vm0, v7;
	v5 =	vmax.f32 v5, v6  }
0xfb: {  	vm0 =	vgt.s32 v4, $0x0;
	v6 =	vsel vm4, $0xFFFFEE40, v3;
	v7 =	vshra.s32 v5, $0x11;
	[tilespmem:v15+s0+$0x0] =	vst.idx.add.f32.msk vm2, v1  }
0xfc: {  	v4 =	vadd.s32 v6, v7;
	[tilespmem:v15+s18+$0x0] =	vst.idx.add.f32.msk vm2, v14  }
0xfd: {  	[tilespmem:v16+s19+$0x0] =	vst.idx.add.f32.msk vm3, v1  }
0xfe: {  	[tilespmem:v16+s20+$0x0] =	vst.idx.add.f32.msk vm3, v10  }
0xff: {  	[tilespmem:v9+s21+$0x0] =	vst.idx.add.f32.msk vm1, v1  }
0x100: {  	[tilespmem:v9+s22+$0x0] =	vst.idx.add.f32.msk vm1, v13  }
0x101: {  	[tilespmem:v4+s3+$0x0] =	vst.idx.add.f32.msk vm0, v1  }
0x102: {  	s9 =	simm.s32 $0x0;
	s10 =	rddreg [dreg:$0x8];
	[tilespmem:v4+s4+$0x0] =	vst.idx.add.f32.msk vm0, v5  }
0x103: {  	[tilespmem:s9], [sflag:$0x1] =	stream.linear.gather [hbm4b:s10+s9], $0x2000, $0x38;
	[tilespmem:$0x1C000] =	vst v63  }
0x104: {  	s11 =	rddreg [dreg:$0x9]  }
0x105: {  	[tilespmem:s12], [sflag:$0x1] =	stream.linear.gather [hbm4b:s11+s9], $0x2000, $0x38;
	[tilespmem:$0x1C000] =	vst v63  }
0x106: {  	s12 =	rddreg [dreg:$0xa];
	s11 =	simm.s32 $0x4000  }
0x107: {  	[tilespmem:s11], [sflag:$0x1] =	stream.linear.gather [hbm4b:s12+s9], $0x2000, $0x38;
	[tilespmem:$0x1C000] =	vst v63  }
0x108: {  	_ =	swait.ge [sflag:s5], $0x2000  }
0x109: {  	[sflag:s5] =	ssyncset.done $0x0  }
0x10a: {  	[sflag:s5] =	ssyncadd.s32 $0xFFFFE000  }
0x10b: {  	_ =	swait.ge [sflag:s5], $0x2000  }
0x10c: {  	[sflag:s5] =	ssyncset.done $0x0  }
0x10d: {  	[sflag:s5] =	ssyncadd.s32 $0xFFFFE000  }
0x10e: {  	_ =	swait.ge [sflag:s5], $0x2000  }
0x10f: {  	[sflag:s5] =	ssyncset.done $0x0  }
0x110: {  	s12 =	simm.s32 $0x0;
	[sflag:s5] =	ssyncadd.s32 $0xFFFFE000  }
0x111: {  	v4 =	vld [tilespmem:s12+$0x8020]  }
0x112: {  	v5 =	vld [tilespmem:s12+$0x6020]  }
0x113: {  	v6 =	vld [tilespmem:s12+$0xA030]  }
0x114: {  	v7 =	vld [tilespmem:s12+$0x8010]  }
0x115: {  	v8 =	vld [tilespmem:s12+$0x8000]  }
0x116: {  	v9 =	vld [tilespmem:s12+$0x6000]  }
0x117: {  	v10 =	vld [tilespmem:s12+$0xA000]  }
0x118: {  	v11 =	vld [tilespmem:s12+$0x6030]  }
0x119: {  	v12 =	vld [tilespmem:s12+$0xA010];
	_ =	sdelay $0x1  }
0x11a: {  	v13 =	vld [tilespmem:s12+$0x8030];
	vm0 =	vgt.s32 v6, $0x0  }
0x11b: {  	v15 =	vld [tilespmem:s12+$0x8040];
	v6 =	vsub.f32 $1.000000000e+00, v5;
	vm2 =	vgt.s32 v8, $0x0;
	v14 =	vsub.f32 $1.000000000e+00, v9  }
0x11c: {  	v8 =	vld [tilespmem:s12+$0x6010];
	vm1 =	vgt.s32 v7, $0x0;
	vm5 =	vgt.s32 v4, $0x0;
	vm3 =	vgt.s32 v10, $0x0  }
0x11d: {  	v17 =	vld [tilespmem:s12+$0x6060];
	vm4 =	vgt.s32 v12, $0x0;
	v16 =	vsub.f32 $1.000000000e+00, v11;
	v10 =	vsel vm1, $0x33D6BF95, v2  }
0x11e: {  	v19 =	vld [tilespmem:s12+$0x6040];
	v18 =	vsel vm2, $0x33D6BF95, v2;
	v6 =	vsel vm5, v5, v6;
	v7 =	vsel vm2, v9, v14  }
0x11f: {  	v21 =	vld [tilespmem:s12+$0x6050];
	v14 =	vsel vm2, $0xFFFFEE40, v3;
	v9 =	vsel vm5, $0x33D6BF95, v2;
	vm2 =	vgt.s32 v13, $0x0  }
0x120: {  	v22 =	vld [tilespmem:s12+$0x8050];
	v12 =	vsel vm5, $0xFFFFEE40, v3;
	v6 =	vmax.f32 v6, v9;
	v11 =	vsel vm2, v11, v16  }
0x121: {  	v24 =	vld [tilespmem:s12+$0xA050];
	v16 =	vsel vm2, $0x33D6BF95, v2;
	v18 =	vmax.f32 v7, v18;
	v9 =	vsub.f32 $1.000000000e+00, v8  }
0x122: {  	v13 =	vld [tilespmem:s12+$0xA020];
	v20 =	vshra.s32 v6, $0x11;
	v7 =	vmax.f32 v11, v16;
	v16 =	vsel vm2, $0xFFFFEE40, v3  }
0x123: {  	v4 =	vld [tilespmem:s12+$0xA070];
	v23 =	vshra.s32 v18, $0x11;
	v11 =	vshra.s32 v7, $0x11;
	v8 =	vsel vm1, v8, v9  }
0x124: {  	v5 =	vld [tilespmem:s12+$0xA060];
	v14 =	vadd.s32 v14, v23;
	v9 =	vadd.s32 v12, v20;
	v63 =	vmax.f32 v8, v10  }
0x125: {  	v12 =	vsel vm1, $0xFFFFEE40, v3;
	v8 =	vadd.s32 v16, v11;
	v10 =	vld [tilespmem:s12+$0x8060];
	v11 =	vshra.s32 v63, $0x11  }
0x126: {  	vm5 =	vgt.s32 v22, $0x0;
	vm2 =	vgt.s32 v15, $0x0;
	v20 =	vld [tilespmem:s12+$0xA040];
	v25 =	vadd.s32 v12, v11  }
0x127: {  	vm1 =	vgt.s32 v13, $0x0;
	v13 =	vsub.f32 $1.000000000e+00, v21;
	v16 =	vsub.f32 $1.000000000e+00, v19;
	v12 =	vld [tilespmem:s12+$0x8070]  }
0x128: {  	v27 =	vsub.f32 $1.000000000e+00, v17;
	v22 =	vsel vm5, $0x33D6BF95, v2;
	v15 =	vsel vm2, $0xFFFFEE40, v3;
	v11 =	vld [tilespmem:s12+$0x6070]  }
0x129: {  	v26 =	vsel vm2, $0x33D6BF95, v2;
	v13 =	vsel vm5, v21, v13;
	v19 =	vsel vm2, v19, v16;
	[tilespmem:v14+s24+$0x0] =	vst.idx.add.f32.msk vm3, v1  }
0x12a: {  	v16 =	vsel vm5, $0xFFFFEE40, v3;
	[tilespmem:v14+s25+$0x0] =	vst.idx.add.f32.msk vm3, v18;
	v14 =	vmax.f32 v19, v26;
	vm5 =	vgt.s32 v10, $0x0  }
0x12b: {  	v10 =	vmax.f32 v13, v22;
	v13 =	vsel vm5, v17, v27;
	v17 =	vsel vm5, $0x33D6BF95, v2;
	[tilespmem:v25+s26+$0x0] =	vst.idx.add.f32.msk vm4, v1  }
0x12c: {  	vm3 =	vgt.s32 v24, $0x0;
	vm2 =	vgt.s32 v20, $0x0;
	v13 =	vmax.f32 v13, v17;
	[tilespmem:v25+s28+$0x0] =	vst.idx.add.f32.msk vm4, v63  }
0x12d: {  	s9 =	simm.s32 $0x200;
	v19 =	vshra.s32 v14, $0x11;
	v18 =	vsel vm5, $0xFFFFEE40, v3;
	v17 =	vshra.s32 v13, $0x11;
	[tilespmem:v9+s29+$0x0] =	vst.idx.add.f32.msk vm1, v1  }
.LBB2_6:
0x12e: {  	s10 =	sshra.s32 s9, $0x2;
	p0 =	sne.s32 s9, $0x7E00;
	s9 =	sadd.s32 $0x200, s9;
	v15 =	vadd.s32 v15, v19;
	v19 =	vshra.s32 v10, $0x11;
	v17 =	vadd.s32 v18, v17  }
0x12f: {  	vm4 =	vgt.s32 v12, $0x0;
	v12 =	vsub.f32 $1.000000000e+00, v11;
	v16 =	vadd.s32 v16, v19  }
0x130: {  	v18 =	vsel vm4, $0x33D6BF95, v2;
	[tilespmem:v9+s30+$0x0] =	vst.idx.add.f32.msk vm1, v6  }
0x131: {  	vm1 =	vgt.s32 v5, $0x0;
	v5 =	vsel vm4, v11, v12;
	[tilespmem:v8+s31+$0x0] =	vst.idx.add.f32.msk vm0, v1  }
0x132: {  	v6 =	vsel vm4, $0xFFFFEE40, v3;
	v5 =	vmax.f32 v5, v18;
	[tilespmem:v8+s1+$0x0] =	vst.idx.add.f32.msk vm0, v7  }
0x133: {  	v7 =	vshra.s32 v5, $0x11;
	vm0 =	vgt.s32 v4, $0x0;
	[tilespmem:v15+s0+$0x0] =	vst.idx.add.f32.msk vm2, v1  }
0x134: {  	v4 =	vadd.s32 v6, v7;
	[tilespmem:v15+s18+$0x0] =	vst.idx.add.f32.msk vm2, v14  }
0x135: {  	[tilespmem:v16+s19+$0x0] =	vst.idx.add.f32.msk vm3, v1  }
0x136: {  	[tilespmem:v16+s20+$0x0] =	vst.idx.add.f32.msk vm3, v10  }
0x137: {  	[tilespmem:v17+s21+$0x0] =	vst.idx.add.f32.msk vm1, v1  }
0x138: {  	[tilespmem:v17+s22+$0x0] =	vst.idx.add.f32.msk vm1, v13  }
0x139: {  	[tilespmem:v4+s3+$0x0] =	vst.idx.add.f32.msk vm0, v1  }
0x13a: {  	[tilespmem:v4+s4+$0x0] =	vst.idx.add.f32.msk vm0, v5  }
0x13b: {  	v4 =	vld [tilespmem:s10+$0x8020]  }
0x13c: {  	v5 =	vld [tilespmem:s10+$0x6020]  }
0x13d: {  	v6 =	vld [tilespmem:s10+$0xA030]  }
0x13e: {  	v7 =	vld [tilespmem:s10+$0x8010]  }
0x13f: {  	v8 =	vld [tilespmem:s10+$0x8000]  }
0x140: {  	v9 =	vld [tilespmem:s10+$0x6000]  }
0x141: {  	v10 =	vld [tilespmem:s10+$0xA000]  }
0x142: {  	v11 =	vld [tilespmem:s10+$0x6030];
	vm0 =	vgt.s32 v6, $0x0  }
0x143: {  	v12 =	vsub.f32 $1.000000000e+00, v5;
	v6 =	vld [tilespmem:s10+$0xA010]  }
0x144: {  	v13 =	vld [tilespmem:s10+$0x8030];
	vm2 =	vgt.s32 v8, $0x0  }
0x145: {  	vm5 =	vgt.s32 v4, $0x0;
	vm1 =	vgt.s32 v7, $0x0;
	v8 =	vld [tilespmem:s10+$0x6010];
	v14 =	vsub.f32 $1.000000000e+00, v9  }
0x146: {  	v7 =	vsel vm5, v5, v12;
	v4 =	vld [tilespmem:s10+$0xA070];
	vm3 =	vgt.s32 v10, $0x0;
	v10 =	vsel vm1, $0x33D6BF95, v2  }
0x147: {  	v15 =	vsel vm5, $0x33D6BF95, v2;
	v12 =	vld [tilespmem:s10+$0x8040];
	v9 =	vsel vm2, v9, v14;
	v14 =	vsel vm2, $0xFFFFEE40, v3  }
0x148: {  	v16 =	vsel vm5, $0xFFFFEE40, v3;
	v17 =	vsub.f32 $1.000000000e+00, v11;
	v5 =	vld [tilespmem:s10+$0xA060];
	vm4 =	vgt.s32 v6, $0x0  }
0x149: {  	v19 =	vsel vm2, $0x33D6BF95, v2;
	v6 =	vmax.f32 v7, v15;
	v18 =	vld [tilespmem:s10+$0x6060];
	vm2 =	vgt.s32 v13, $0x0  }
0x14a: {  	v13 =	vld [tilespmem:s10+$0xA020];
	v15 =	vsub.f32 $1.000000000e+00, v8;
	v7 =	vsel vm2, v11, v17;
	v11 =	vsel vm2, $0x33D6BF95, v2  }
0x14b: {  	v19 =	vmax.f32 v9, v19;
	v9 =	vshra.s32 v6, $0x11;
	v17 =	vld [tilespmem:s10+$0x6040];
	v7 =	vmax.f32 v7, v11  }
0x14c: {  	v20 =	vld [tilespmem:s10+$0x6050];
	v11 =	vsel vm1, v8, v15;
	v8 =	vshra.s32 v7, $0x11;
	v15 =	vsel vm2, $0xFFFFEE40, v3  }
0x14d: {  	v22 =	vshra.s32 v19, $0x11;
	v9 =	vadd.s32 v16, v9;
	v21 =	vld [tilespmem:s10+$0x8050];
	v8 =	vadd.s32 v15, v8  }
0x14e: {  	v14 =	vadd.s32 v14, v22;
	v22 =	vmax.f32 v11, v10;
	v23 =	vld [tilespmem:s10+$0xA040]  }
0x14f: {  	v15 =	vsel vm1, $0xFFFFEE40, v3;
	v11 =	vshra.s32 v22, $0x11;
	v10 =	vld [tilespmem:s10+$0x8060];
	vm1 =	vgt.s32 v13, $0x0  }
0x150: {  	vm2 =	vgt.s32 v12, $0x0;
	v24 =	vadd.s32 v15, v11;
	v13 =	vld [tilespmem:s10+$0xA050];
	v16 =	vsub.f32 $1.000000000e+00, v17  }
0x151: {  	v15 =	vsel vm2, $0xFFFFEE40, v3;
	v12 =	vld [tilespmem:s10+$0x8070];
	v25 =	vsub.f32 $1.000000000e+00, v20  }
0x152: {  	v26 =	vsel vm2, $0x33D6BF95, v2;
	v11 =	vld [tilespmem:s10+$0x6070];
	v17 =	vsel vm2, v17, v16;
	vm5 =	vgt.s32 v21, $0x0  }
.Ltmp2:
0x153: {  	v27 =	vsub.f32 $1.000000000e+00, v18;
	v21 =	vsel vm5, $0x33D6BF95, v2;
	v16 =	vsel vm5, $0xFFFFEE40, v3;
	[tilespmem:v14+s24+$0x0] =	vst.idx.add.f32.msk vm3, v1;
	(pc) =	sbr.rel @p0 .LBB2_6-.Ltmp2, $4  }
0x154: {  	vm2 =	vgt.s32 v23, $0x0;
	v20 =	vsel vm5, v20, v25;
	vm5 =	vgt.s32 v10, $0x0;
	[tilespmem:v14+s25+$0x0] =	vst.idx.add.f32.msk vm3, v19  }
0x155: {  	v10 =	vmax.f32 v20, v21;
	v18 =	vsel vm5, v18, v27;
	v19 =	vsel vm5, $0x33D6BF95, v2;
	[tilespmem:v24+s26+$0x0] =	vst.idx.add.f32.msk vm4, v1  }
0x156: {  	v14 =	vmax.f32 v17, v26;
	vm3 =	vgt.s32 v13, $0x0;
	v13 =	vmax.f32 v18, v19;
	[tilespmem:v24+s28+$0x0] =	vst.idx.add.f32.msk vm4, v22  }
0x157: {  	v19 =	vshra.s32 v14, $0x11;
	v18 =	vsel vm5, $0xFFFFEE40, v3;
	v17 =	vshra.s32 v13, $0x11;
	[tilespmem:v9+s29+$0x0] =	vst.idx.add.f32.msk vm1, v1  }
0x158: {  	_ =	sdelay $0x2  }
0x159: {  	v15 =	vadd.s32 v15, v19  }
0x15a: {  	v19 =	vshra.s32 v10, $0x11;
	v20 =	vsub.f32 $1.000000000e+00, v11  }
0x15b: {  	vm4 =	vgt.s32 v12, $0x0;
	[tilespmem:v9+s30+$0x0] =	vst.idx.add.f32.msk vm1, v6;
	v16 =	vadd.s32 v16, v19  }
0x15c: {  	vm1 =	vgt.s32 v5, $0x0;
	v6 =	vsel vm4, $0x33D6BF95, v2;
	[tilespmem:v8+s31+$0x0] =	vst.idx.add.f32.msk vm0, v1;
	v5 =	vsel vm4, v11, v20  }
0x15d: {  	v9 =	vadd.s32 v18, v17;
	[tilespmem:v8+s1+$0x0] =	vst.idx.add.f32.msk vm0, v7;
	v5 =	vmax.f32 v5, v6  }
0x15e: {  	vm0 =	vgt.s32 v4, $0x0;
	v6 =	vsel vm4, $0xFFFFEE40, v3;
	v7 =	vshra.s32 v5, $0x11;
	[tilespmem:v15+s0+$0x0] =	vst.idx.add.f32.msk vm2, v1  }
0x15f: {  	v4 =	vadd.s32 v6, v7;
	[tilespmem:v15+s18+$0x0] =	vst.idx.add.f32.msk vm2, v14  }
0x160: {  	[tilespmem:v16+s19+$0x0] =	vst.idx.add.f32.msk vm3, v1  }
0x161: {  	[tilespmem:v16+s20+$0x0] =	vst.idx.add.f32.msk vm3, v10  }
0x162: {  	[tilespmem:v9+s21+$0x0] =	vst.idx.add.f32.msk vm1, v1  }
0x163: {  	[tilespmem:v9+s22+$0x0] =	vst.idx.add.f32.msk vm1, v13  }
0x164: {  	[tilespmem:v4+s3+$0x0] =	vst.idx.add.f32.msk vm0, v1  }
0x165: {  	s9 =	simm.s32 $0x0;
	s10 =	rddreg [dreg:$0xb];
	s11 =	simm.s32 $0x6000;
	[tilespmem:v4+s4+$0x0] =	vst.idx.add.f32.msk vm0, v5  }
0x166: {  	[tilespmem:s11], [sflag:$0x2] =	stream.linear.gather [hbm4b:s10+s9], $0x2000, $0x38;
	[tilespmem:$0x1C000] =	vst v63  }
0x167: {  	s12 =	simm.s32 $0x8000  }
0x168: {  	[tilespmem:s12], [sflag:$0x2] =	stream.linear.gather [hbm4b:s13+s9], $0x2000, $0x38;
	[tilespmem:$0x1C000] =	vst v63  }
0x169: {  	s11 =	simm.s32 $0xA000  }
0x16a: {  	[tilespmem:s11], [sflag:$0x2] =	stream.linear.gather [hbm4b:s14+s9], $0x2000, $0x38;
	[tilespmem:$0x1C000] =	vst v63  }
0x16b: {  	_ =	swait.ge [sflag:s23], $0x2000  }
0x16c: {  	[sflag:s23] =	ssyncset.done $0x0  }
0x16d: {  	[sflag:s23] =	ssyncadd.s32 $0xFFFFE000  }
0x16e: {  	_ =	swait.ge [sflag:s23], $0x2000  }
0x16f: {  	[sflag:s23] =	ssyncset.done $0x0  }
0x170: {  	[sflag:s23] =	ssyncadd.s32 $0xFFFFE000  }
0x171: {  	_ =	swait.ge [sflag:s23], $0x2000  }
0x172: {  	[sflag:s23] =	ssyncset.done $0x0  }
0x173: {  	s12 =	simm.s32 $0x0;
	[sflag:s23] =	ssyncadd.s32 $0xFFFFE000  }
0x174: {  	v4 =	vld [tilespmem:s12+$0x2020]  }
0x175: {  	v5 =	vld [tilespmem:s12+$0x20]  }
0x176: {  	v6 =	vld [tilespmem:s12+$0x4030]  }
0x177: {  	v7 =	vld [tilespmem:s12+$0x2010]  }
0x178: {  	v8 =	vld [tilespmem:s12+$0x2000]  }
0x179: {  	v9 =	vld [tilespmem:s12+$0x0]  }
0x17a: {  	v10 =	vld [tilespmem:s12+$0x4000]  }
0x17b: {  	v11 =	vld [tilespmem:s12+$0x30]  }
0x17c: {  	v12 =	vld [tilespmem:s12+$0x4010];
	_ =	sdelay $0x1  }
0x17d: {  	v13 =	vld [tilespmem:s12+$0x2030];
	vm0 =	vgt.s32 v6, $0x0  }
0x17e: {  	v15 =	vld [tilespmem:s12+$0x2040];
	v6 =	vsub.f32 $1.000000000e+00, v5;
	vm2 =	vgt.s32 v8, $0x0;
	v14 =	vsub.f32 $1.000000000e+00, v9  }
0x17f: {  	v8 =	vld [tilespmem:s12+$0x10];
	vm1 =	vgt.s32 v7, $0x0;
	vm5 =	vgt.s32 v4, $0x0;
	vm3 =	vgt.s32 v10, $0x0  }
0x180: {  	v17 =	vld [tilespmem:s12+$0x60];
	vm4 =	vgt.s32 v12, $0x0;
	v16 =	vsub.f32 $1.000000000e+00, v11;
	v10 =	vsel vm1, $0x33D6BF95, v2  }
0x181: {  	v19 =	vld [tilespmem:s12+$0x40];
	v18 =	vsel vm2, $0x33D6BF95, v2;
	v6 =	vsel vm5, v5, v6;
	v7 =	vsel vm2, v9, v14  }
0x182: {  	v21 =	vld [tilespmem:s12+$0x50];
	v14 =	vsel vm2, $0xFFFFEE40, v3;
	v9 =	vsel vm5, $0x33D6BF95, v2;
	vm2 =	vgt.s32 v13, $0x0  }
0x183: {  	v22 =	vld [tilespmem:s12+$0x2050];
	v12 =	vsel vm5, $0xFFFFEE40, v3;
	v6 =	vmax.f32 v6, v9;
	v11 =	vsel vm2, v11, v16  }
0x184: {  	v24 =	vld [tilespmem:s12+$0x4050];
	v16 =	vsel vm2, $0x33D6BF95, v2;
	v18 =	vmax.f32 v7, v18;
	v9 =	vsub.f32 $1.000000000e+00, v8  }
0x185: {  	v13 =	vld [tilespmem:s12+$0x4020];
	v20 =	vshra.s32 v6, $0x11;
	v7 =	vmax.f32 v11, v16;
	v16 =	vsel vm2, $0xFFFFEE40, v3  }
0x186: {  	v4 =	vld [tilespmem:s12+$0x4070];
	v23 =	vshra.s32 v18, $0x11;
	v11 =	vshra.s32 v7, $0x11;
	v8 =	vsel vm1, v8, v9  }
0x187: {  	v5 =	vld [tilespmem:s12+$0x4060];
	v14 =	vadd.s32 v14, v23;
	v9 =	vadd.s32 v12, v20;
	v63 =	vmax.f32 v8, v10  }
0x188: {  	v12 =	vsel vm1, $0xFFFFEE40, v3;
	v8 =	vadd.s32 v16, v11;
	v10 =	vld [tilespmem:s12+$0x2060];
	v11 =	vshra.s32 v63, $0x11  }
0x189: {  	vm5 =	vgt.s32 v22, $0x0;
	vm2 =	vgt.s32 v15, $0x0;
	v20 =	vld [tilespmem:s12+$0x4040];
	v25 =	vadd.s32 v12, v11  }
0x18a: {  	vm1 =	vgt.s32 v13, $0x0;
	v13 =	vsub.f32 $1.000000000e+00, v21;
	v16 =	vsub.f32 $1.000000000e+00, v19;
	v12 =	vld [tilespmem:s12+$0x2070]  }
0x18b: {  	v27 =	vsub.f32 $1.000000000e+00, v17;
	v22 =	vsel vm5, $0x33D6BF95, v2;
	v15 =	vsel vm2, $0xFFFFEE40, v3;
	v11 =	vld [tilespmem:s12+$0x70]  }
0x18c: {  	v26 =	vsel vm2, $0x33D6BF95, v2;
	v13 =	vsel vm5, v21, v13;
	v19 =	vsel vm2, v19, v16;
	[tilespmem:v14+s24+$0x0] =	vst.idx.add.f32.msk vm3, v1  }
0x18d: {  	v16 =	vsel vm5, $0xFFFFEE40, v3;
	[tilespmem:v14+s25+$0x0] =	vst.idx.add.f32.msk vm3, v18;
	v14 =	vmax.f32 v19, v26;
	vm5 =	vgt.s32 v10, $0x0  }
0x18e: {  	v10 =	vmax.f32 v13, v22;
	v13 =	vsel vm5, v17, v27;
	v17 =	vsel vm5, $0x33D6BF95, v2;
	[tilespmem:v25+s26+$0x0] =	vst.idx.add.f32.msk vm4, v1  }
0x18f: {  	vm3 =	vgt.s32 v24, $0x0;
	vm2 =	vgt.s32 v20, $0x0;
	v13 =	vmax.f32 v13, v17;
	[tilespmem:v25+s28+$0x0] =	vst.idx.add.f32.msk vm4, v63  }
0x190: {  	s9 =	simm.s32 $0x200;
	v19 =	vshra.s32 v14, $0x11;
	v18 =	vsel vm5, $0xFFFFEE40, v3;
	v17 =	vshra.s32 v13, $0x11;
	[tilespmem:v9+s29+$0x0] =	vst.idx.add.f32.msk vm1, v1  }
.LBB2_8:
0x191: {  	s10 =	sshra.s32 s9, $0x2;
	p0 =	sne.s32 s9, $0x7E00;
	s9 =	sadd.s32 $0x200, s9;
	v15 =	vadd.s32 v15, v19;
	v19 =	vshra.s32 v10, $0x11;
	v17 =	vadd.s32 v18, v17  }
0x192: {  	vm4 =	vgt.s32 v12, $0x0;
	v12 =	vsub.f32 $1.000000000e+00, v11;
	v16 =	vadd.s32 v16, v19  }
0x193: {  	v18 =	vsel vm4, $0x33D6BF95, v2;
	[tilespmem:v9+s30+$0x0] =	vst.idx.add.f32.msk vm1, v6  }
0x194: {  	vm1 =	vgt.s32 v5, $0x0;
	v5 =	vsel vm4, v11, v12;
	[tilespmem:v8+s31+$0x0] =	vst.idx.add.f32.msk vm0, v1  }
0x195: {  	v6 =	vsel vm4, $0xFFFFEE40, v3;
	v5 =	vmax.f32 v5, v18;
	[tilespmem:v8+s1+$0x0] =	vst.idx.add.f32.msk vm0, v7  }
0x196: {  	v7 =	vshra.s32 v5, $0x11;
	vm0 =	vgt.s32 v4, $0x0;
	[tilespmem:v15+s0+$0x0] =	vst.idx.add.f32.msk vm2, v1  }
0x197: {  	v4 =	vadd.s32 v6, v7;
	[tilespmem:v15+s18+$0x0] =	vst.idx.add.f32.msk vm2, v14  }
0x198: {  	[tilespmem:v16+s19+$0x0] =	vst.idx.add.f32.msk vm3, v1  }
0x199: {  	[tilespmem:v16+s20+$0x0] =	vst.idx.add.f32.msk vm3, v10  }
0x19a: {  	[tilespmem:v17+s21+$0x0] =	vst.idx.add.f32.msk vm1, v1  }
0x19b: {  	[tilespmem:v17+s22+$0x0] =	vst.idx.add.f32.msk vm1, v13  }
0x19c: {  	[tilespmem:v4+s3+$0x0] =	vst.idx.add.f32.msk vm0, v1  }
0x19d: {  	[tilespmem:v4+s4+$0x0] =	vst.idx.add.f32.msk vm0, v5  }
0x19e: {  	v4 =	vld [tilespmem:s10+$0x2020]  }
0x19f: {  	v5 =	vld [tilespmem:s10+$0x20]  }
0x1a0: {  	v6 =	vld [tilespmem:s10+$0x4030]  }
0x1a1: {  	v7 =	vld [tilespmem:s10+$0x2010]  }
0x1a2: {  	v8 =	vld [tilespmem:s10+$0x2000]  }
0x1a3: {  	v9 =	vld [tilespmem:s10+$0x0]  }
0x1a4: {  	v10 =	vld [tilespmem:s10+$0x4000]  }
0x1a5: {  	v11 =	vld [tilespmem:s10+$0x30];
	vm0 =	vgt.s32 v6, $0x0  }
0x1a6: {  	v12 =	vsub.f32 $1.000000000e+00, v5;
	v6 =	vld [tilespmem:s10+$0x4010]  }
0x1a7: {  	v13 =	vld [tilespmem:s10+$0x2030];
	vm2 =	vgt.s32 v8, $0x0  }
0x1a8: {  	vm5 =	vgt.s32 v4, $0x0;
	vm1 =	vgt.s32 v7, $0x0;
	v8 =	vld [tilespmem:s10+$0x10];
	v14 =	vsub.f32 $1.000000000e+00, v9  }
0x1a9: {  	v7 =	vsel vm5, v5, v12;
	v4 =	vld [tilespmem:s10+$0x4070];
	vm3 =	vgt.s32 v10, $0x0;
	v10 =	vsel vm1, $0x33D6BF95, v2  }
0x1aa: {  	v15 =	vsel vm5, $0x33D6BF95, v2;
	v12 =	vld [tilespmem:s10+$0x2040];
	v9 =	vsel vm2, v9, v14;
	v14 =	vsel vm2, $0xFFFFEE40, v3  }
0x1ab: {  	v16 =	vsel vm5, $0xFFFFEE40, v3;
	v17 =	vsub.f32 $1.000000000e+00, v11;
	v5 =	vld [tilespmem:s10+$0x4060];
	vm4 =	vgt.s32 v6, $0x0  }
0x1ac: {  	v19 =	vsel vm2, $0x33D6BF95, v2;
	v6 =	vmax.f32 v7, v15;
	v18 =	vld [tilespmem:s10+$0x60];
	vm2 =	vgt.s32 v13, $0x0  }
0x1ad: {  	v13 =	vld [tilespmem:s10+$0x4020];
	v15 =	vsub.f32 $1.000000000e+00, v8;
	v7 =	vsel vm2, v11, v17;
	v11 =	vsel vm2, $0x33D6BF95, v2  }
0x1ae: {  	v19 =	vmax.f32 v9, v19;
	v9 =	vshra.s32 v6, $0x11;
	v17 =	vld [tilespmem:s10+$0x40];
	v7 =	vmax.f32 v7, v11  }
0x1af: {  	v20 =	vld [tilespmem:s10+$0x50];
	v11 =	vsel vm1, v8, v15;
	v8 =	vshra.s32 v7, $0x11;
	v15 =	vsel vm2, $0xFFFFEE40, v3  }
0x1b0: {  	v22 =	vshra.s32 v19, $0x11;
	v9 =	vadd.s32 v16, v9;
	v21 =	vld [tilespmem:s10+$0x2050];
	v8 =	vadd.s32 v15, v8  }
0x1b1: {  	v14 =	vadd.s32 v14, v22;
	v22 =	vmax.f32 v11, v10;
	v23 =	vld [tilespmem:s10+$0x4040]  }
0x1b2: {  	v15 =	vsel vm1, $0xFFFFEE40, v3;
	v11 =	vshra.s32 v22, $0x11;
	v10 =	vld [tilespmem:s10+$0x2060];
	vm1 =	vgt.s32 v13, $0x0  }
0x1b3: {  	vm2 =	vgt.s32 v12, $0x0;
	v24 =	vadd.s32 v15, v11;
	v13 =	vld [tilespmem:s10+$0x4050];
	v16 =	vsub.f32 $1.000000000e+00, v17  }
0x1b4: {  	v15 =	vsel vm2, $0xFFFFEE40, v3;
	v12 =	vld [tilespmem:s10+$0x2070];
	v25 =	vsub.f32 $1.000000000e+00, v20  }
0x1b5: {  	v26 =	vsel vm2, $0x33D6BF95, v2;
	v11 =	vld [tilespmem:s10+$0x70];
	v17 =	vsel vm2, v17, v16;
	vm5 =	vgt.s32 v21, $0x0  }
.Ltmp3:
0x1b6: {  	v27 =	vsub.f32 $1.000000000e+00, v18;
	v21 =	vsel vm5, $0x33D6BF95, v2;
	v16 =	vsel vm5, $0xFFFFEE40, v3;
	[tilespmem:v14+s24+$0x0] =	vst.idx.add.f32.msk vm3, v1;
	(pc) =	sbr.rel @p0 .LBB2_8-.Ltmp3, $4  }
0x1b7: {  	vm2 =	vgt.s32 v23, $0x0;
	v20 =	vsel vm5, v20, v25;
	vm5 =	vgt.s32 v10, $0x0;
	[tilespmem:v14+s25+$0x0] =	vst.idx.add.f32.msk vm3, v19  }
0x1b8: {  	v10 =	vmax.f32 v20, v21;
	v18 =	vsel vm5, v18, v27;
	v19 =	vsel vm5, $0x33D6BF95, v2;
	[tilespmem:v24+s26+$0x0] =	vst.idx.add.f32.msk vm4, v1  }
0x1b9: {  	v14 =	vmax.f32 v17, v26;
	vm3 =	vgt.s32 v13, $0x0;
	v13 =	vmax.f32 v18, v19;
	[tilespmem:v24+s28+$0x0] =	vst.idx.add.f32.msk vm4, v22  }
0x1ba: {  	v19 =	vshra.s32 v14, $0x11;
	v18 =	vsel vm5, $0xFFFFEE40, v3;
	v17 =	vshra.s32 v13, $0x11;
	[tilespmem:v9+s29+$0x0] =	vst.idx.add.f32.msk vm1, v1  }
0x1bb: {  	_ =	sdelay $0x2  }
0x1bc: {  	v15 =	vadd.s32 v15, v19  }
0x1bd: {  	v19 =	vshra.s32 v10, $0x11;
	v20 =	vsub.f32 $1.000000000e+00, v11  }
0x1be: {  	vm4 =	vgt.s32 v12, $0x0;
	[tilespmem:v9+s30+$0x0] =	vst.idx.add.f32.msk vm1, v6;
	v16 =	vadd.s32 v16, v19  }
0x1bf: {  	vm1 =	vgt.s32 v5, $0x0;
	v6 =	vsel vm4, $0x33D6BF95, v2;
	[tilespmem:v8+s31+$0x0] =	vst.idx.add.f32.msk vm0, v1;
	v5 =	vsel vm4, v11, v20  }
0x1c0: {  	v9 =	vadd.s32 v18, v17;
	[tilespmem:v8+s1+$0x0] =	vst.idx.add.f32.msk vm0, v7;
	v5 =	vmax.f32 v5, v6  }
0x1c1: {  	vm0 =	vgt.s32 v4, $0x0;
	v6 =	vsel vm4, $0xFFFFEE40, v3;
	v7 =	vshra.s32 v5, $0x11;
	[tilespmem:v15+s0+$0x0] =	vst.idx.add.f32.msk vm2, v1  }
0x1c2: {  	v4 =	vadd.s32 v6, v7;
	[tilespmem:v15+s18+$0x0] =	vst.idx.add.f32.msk vm2, v14  }
0x1c3: {  	[tilespmem:v16+s19+$0x0] =	vst.idx.add.f32.msk vm3, v1  }
0x1c4: {  	[tilespmem:v16+s20+$0x0] =	vst.idx.add.f32.msk vm3, v10  }
0x1c5: {  	[tilespmem:v9+s21+$0x0] =	vst.idx.add.f32.msk vm1, v1  }
0x1c6: {  	[tilespmem:v9+s22+$0x0] =	vst.idx.add.f32.msk vm1, v13  }
0x1c7: {  	[tilespmem:v4+s3+$0x0] =	vst.idx.add.f32.msk vm0, v1  }
0x1c8: {  	[tilespmem:v4+s4+$0x0] =	vst.idx.add.f32.msk vm0, v5  }
0x1c9: {  	_ =	swait.ge [sflag:s5], $0x2000  }
0x1ca: {  	[sflag:s5] =	ssyncset.done $0x0  }
0x1cb: {  	[sflag:s5] =	ssyncadd.s32 $0xFFFFE000  }
0x1cc: {  	_ =	swait.ge [sflag:s5], $0x2000  }
0x1cd: {  	[sflag:s5] =	ssyncset.done $0x0  }
0x1ce: {  	[sflag:s5] =	ssyncadd.s32 $0xFFFFE000  }
0x1cf: {  	_ =	swait.ge [sflag:s5], $0x2000  }
0x1d0: {  	[sflag:s5] =	ssyncset.done $0x0  }
0x1d1: {  	s9 =	simm.s32 $0x0;
	[sflag:s5] =	ssyncadd.s32 $0xFFFFE000  }
0x1d2: {  	v4 =	vld [tilespmem:s9+$0x8020]  }
0x1d3: {  	v5 =	vld [tilespmem:s9+$0x6020]  }
0x1d4: {  	v6 =	vld [tilespmem:s9+$0xA030]  }
0x1d5: {  	v7 =	vld [tilespmem:s9+$0x8010]  }
0x1d6: {  	v8 =	vld [tilespmem:s9+$0x8000]  }
0x1d7: {  	v9 =	vld [tilespmem:s9+$0x6000]  }
0x1d8: {  	v10 =	vld [tilespmem:s9+$0xA000]  }
0x1d9: {  	v11 =	vld [tilespmem:s9+$0x6030]  }
0x1da: {  	v12 =	vld [tilespmem:s9+$0xA010];
	_ =	sdelay $0x1  }
0x1db: {  	v13 =	vld [tilespmem:s9+$0x8030];
	vm0 =	vgt.s32 v6, $0x0  }
0x1dc: {  	v15 =	vld [tilespmem:s9+$0x8040];
	v6 =	vsub.f32 $1.000000000e+00, v5;
	vm2 =	vgt.s32 v8, $0x0;
	v14 =	vsub.f32 $1.000000000e+00, v9  }
0x1dd: {  	v8 =	vld [tilespmem:s9+$0x6010];
	vm1 =	vgt.s32 v7, $0x0;
	vm5 =	vgt.s32 v4, $0x0;
	vm3 =	vgt.s32 v10, $0x0  }
0x1de: {  	v17 =	vld [tilespmem:s9+$0x6060];
	vm4 =	vgt.s32 v12, $0x0;
	v16 =	vsub.f32 $1.000000000e+00, v11;
	v10 =	vsel vm1, $0x33D6BF95, v2  }
0x1df: {  	v19 =	vld [tilespmem:s9+$0x6040];
	v18 =	vsel vm2, $0x33D6BF95, v2;
	v6 =	vsel vm5, v5, v6;
	v7 =	vsel vm2, v9, v14  }
0x1e0: {  	v21 =	vld [tilespmem:s9+$0x6050];
	v14 =	vsel vm2, $0xFFFFEE40, v3;
	v9 =	vsel vm5, $0x33D6BF95, v2;
	vm2 =	vgt.s32 v13, $0x0  }
0x1e1: {  	v22 =	vld [tilespmem:s9+$0x8050];
	v12 =	vsel vm5, $0xFFFFEE40, v3;
	v6 =	vmax.f32 v6, v9;
	v11 =	vsel vm2, v11, v16  }
0x1e2: {  	v24 =	vld [tilespmem:s9+$0xA050];
	v16 =	vsel vm2, $0x33D6BF95, v2;
	v18 =	vmax.f32 v7, v18;
	v9 =	vsub.f32 $1.000000000e+00, v8  }
0x1e3: {  	v13 =	vld [tilespmem:s9+$0xA020];
	v20 =	vshra.s32 v6, $0x11;
	v7 =	vmax.f32 v11, v16;
	v16 =	vsel vm2, $0xFFFFEE40, v3  }
0x1e4: {  	v4 =	vld [tilespmem:s9+$0xA070];
	v23 =	vshra.s32 v18, $0x11;
	v11 =	vshra.s32 v7, $0x11;
	v8 =	vsel vm1, v8, v9  }
0x1e5: {  	v5 =	vld [tilespmem:s9+$0xA060];
	v14 =	vadd.s32 v14, v23;
	v9 =	vadd.s32 v12, v20;
	v63 =	vmax.f32 v8, v10  }
0x1e6: {  	v12 =	vsel vm1, $0xFFFFEE40, v3;
	v8 =	vadd.s32 v16, v11;
	v10 =	vld [tilespmem:s9+$0x8060];
	v11 =	vshra.s32 v63, $0x11  }
0x1e7: {  	vm5 =	vgt.s32 v22, $0x0;
	vm2 =	vgt.s32 v15, $0x0;
	v20 =	vld [tilespmem:s9+$0xA040];
	v25 =	vadd.s32 v12, v11  }
0x1e8: {  	vm1 =	vgt.s32 v13, $0x0;
	v13 =	vsub.f32 $1.000000000e+00, v21;
	v16 =	vsub.f32 $1.000000000e+00, v19;
	v12 =	vld [tilespmem:s9+$0x8070]  }
0x1e9: {  	v27 =	vsub.f32 $1.000000000e+00, v17;
	v22 =	vsel vm5, $0x33D6BF95, v2;
	v15 =	vsel vm2, $0xFFFFEE40, v3;
	v11 =	vld [tilespmem:s9+$0x6070]  }
0x1ea: {  	v26 =	vsel vm2, $0x33D6BF95, v2;
	v13 =	vsel vm5, v21, v13;
	v19 =	vsel vm2, v19, v16;
	[tilespmem:v14+s24+$0x0] =	vst.idx.add.f32.msk vm3, v1  }
0x1eb: {  	v16 =	vsel vm5, $0xFFFFEE40, v3;
	[tilespmem:v14+s25+$0x0] =	vst.idx.add.f32.msk vm3, v18;
	v14 =	vmax.f32 v19, v26;
	vm5 =	vgt.s32 v10, $0x0  }
0x1ec: {  	v10 =	vmax.f32 v13, v22;
	v13 =	vsel vm5, v17, v27;
	v17 =	vsel vm5, $0x33D6BF95, v2;
	[tilespmem:v25+s26+$0x0] =	vst.idx.add.f32.msk vm4, v1  }
0x1ed: {  	vm3 =	vgt.s32 v24, $0x0;
	vm2 =	vgt.s32 v20, $0x0;
	v13 =	vmax.f32 v13, v17;
	[tilespmem:v25+s28+$0x0] =	vst.idx.add.f32.msk vm4, v63  }
0x1ee: {  	s10 =	simm.s32 $0x200;
	v19 =	vshra.s32 v14, $0x11;
	v18 =	vsel vm5, $0xFFFFEE40, v3;
	v17 =	vshra.s32 v13, $0x11;
	[tilespmem:v9+s29+$0x0] =	vst.idx.add.f32.msk vm1, v1  }
.LBB2_10:
0x1ef: {  	s11 =	sshra.s32 s10, $0x2;
	p0 =	sne.s32 s10, $0x7E00;
	s10 =	sadd.s32 $0x200, s10;
	v15 =	vadd.s32 v15, v19;
	v19 =	vshra.s32 v10, $0x11;
	v17 =	vadd.s32 v18, v17  }
0x1f0: {  	vm4 =	vgt.s32 v12, $0x0;
	v12 =	vsub.f32 $1.000000000e+00, v11;
	v16 =	vadd.s32 v16, v19  }
0x1f1: {  	v18 =	vsel vm4, $0x33D6BF95, v2;
	[tilespmem:v9+s30+$0x0] =	vst.idx.add.f32.msk vm1, v6  }
0x1f2: {  	vm1 =	vgt.s32 v5, $0x0;
	v5 =	vsel vm4, v11, v12;
	[tilespmem:v8+s31+$0x0] =	vst.idx.add.f32.msk vm0, v1  }
0x1f3: {  	v6 =	vsel vm4, $0xFFFFEE40, v3;
	v5 =	vmax.f32 v5, v18;
	[tilespmem:v8+s1+$0x0] =	vst.idx.add.f32.msk vm0, v7  }
0x1f4: {  	v7 =	vshra.s32 v5, $0x11;
	vm0 =	vgt.s32 v4, $0x0;
	[tilespmem:v15+s0+$0x0] =	vst.idx.add.f32.msk vm2, v1  }
0x1f5: {  	v4 =	vadd.s32 v6, v7;
	[tilespmem:v15+s18+$0x0] =	vst.idx.add.f32.msk vm2, v14  }
0x1f6: {  	[tilespmem:v16+s19+$0x0] =	vst.idx.add.f32.msk vm3, v1  }
0x1f7: {  	[tilespmem:v16+s20+$0x0] =	vst.idx.add.f32.msk vm3, v10  }
0x1f8: {  	[tilespmem:v17+s21+$0x0] =	vst.idx.add.f32.msk vm1, v1  }
0x1f9: {  	[tilespmem:v17+s22+$0x0] =	vst.idx.add.f32.msk vm1, v13  }
0x1fa: {  	[tilespmem:v4+s3+$0x0] =	vst.idx.add.f32.msk vm0, v1  }
0x1fb: {  	[tilespmem:v4+s4+$0x0] =	vst.idx.add.f32.msk vm0, v5  }
0x1fc: {  	v4 =	vld [tilespmem:s11+$0x8020]  }
0x1fd: {  	v5 =	vld [tilespmem:s11+$0x6020]  }
0x1fe: {  	v6 =	vld [tilespmem:s11+$0xA030]  }
0x1ff: {  	v7 =	vld [tilespmem:s11+$0x8010]  }
0x200: {  	v8 =	vld [tilespmem:s11+$0x8000]  }
0x201: {  	v9 =	vld [tilespmem:s11+$0x6000]  }
0x202: {  	v10 =	vld [tilespmem:s11+$0xA000]  }
0x203: {  	v11 =	vld [tilespmem:s11+$0x6030];
	vm0 =	vgt.s32 v6, $0x0  }
0x204: {  	v12 =	vsub.f32 $1.000000000e+00, v5;
	v6 =	vld [tilespmem:s11+$0xA010]  }
0x205: {  	v13 =	vld [tilespmem:s11+$0x8030];
	vm2 =	vgt.s32 v8, $0x0  }
0x206: {  	vm5 =	vgt.s32 v4, $0x0;
	vm1 =	vgt.s32 v7, $0x0;
	v8 =	vld [tilespmem:s11+$0x6010];
	v14 =	vsub.f32 $1.000000000e+00, v9  }
0x207: {  	v7 =	vsel vm5, v5, v12;
	v4 =	vld [tilespmem:s11+$0xA070];
	vm3 =	vgt.s32 v10, $0x0;
	v10 =	vsel vm1, $0x33D6BF95, v2  }
0x208: {  	v15 =	vsel vm5, $0x33D6BF95, v2;
	v12 =	vld [tilespmem:s11+$0x8040];
	v9 =	vsel vm2, v9, v14;
	v14 =	vsel vm2, $0xFFFFEE40, v3  }
0x209: {  	v16 =	vsel vm5, $0xFFFFEE40, v3;
	v17 =	vsub.f32 $1.000000000e+00, v11;
	v5 =	vld [tilespmem:s11+$0xA060];
	vm4 =	vgt.s32 v6, $0x0  }
0x20a: {  	v19 =	vsel vm2, $0x33D6BF95, v2;
	v6 =	vmax.f32 v7, v15;
	v18 =	vld [tilespmem:s11+$0x6060];
	vm2 =	vgt.s32 v13, $0x0  }
0x20b: {  	v13 =	vld [tilespmem:s11+$0xA020];
	v15 =	vsub.f32 $1.000000000e+00, v8;
	v7 =	vsel vm2, v11, v17;
	v11 =	vsel vm2, $0x33D6BF95, v2  }
0x20c: {  	v19 =	vmax.f32 v9, v19;
	v9 =	vshra.s32 v6, $0x11;
	v17 =	vld [tilespmem:s11+$0x6040];
	v7 =	vmax.f32 v7, v11  }
0x20d: {  	v20 =	vld [tilespmem:s11+$0x6050];
	v11 =	vsel vm1, v8, v15;
	v8 =	vshra.s32 v7, $0x11;
	v15 =	vsel vm2, $0xFFFFEE40, v3  }
0x20e: {  	v22 =	vshra.s32 v19, $0x11;
	v9 =	vadd.s32 v16, v9;
	v21 =	vld [tilespmem:s11+$0x8050];
	v8 =	vadd.s32 v15, v8  }
0x20f: {  	v14 =	vadd.s32 v14, v22;
	v22 =	vmax.f32 v11, v10;
	v23 =	vld [tilespmem:s11+$0xA040]  }
0x210: {  	v15 =	vsel vm1, $0xFFFFEE40, v3;
	v11 =	vshra.s32 v22, $0x11;
	v10 =	vld [tilespmem:s11+$0x8060];
	vm1 =	vgt.s32 v13, $0x0  }
0x211: {  	vm2 =	vgt.s32 v12, $0x0;
	v24 =	vadd.s32 v15, v11;
	v13 =	vld [tilespmem:s11+$0xA050];
	v16 =	vsub.f32 $1.000000000e+00, v17  }
0x212: {  	v15 =	vsel vm2, $0xFFFFEE40, v3;
	v12 =	vld [tilespmem:s11+$0x8070];
	v25 =	vsub.f32 $1.000000000e+00, v20  }
0x213: {  	v26 =	vsel vm2, $0x33D6BF95, v2;
	v11 =	vld [tilespmem:s11+$0x6070];
	v17 =	vsel vm2, v17, v16;
	vm5 =	vgt.s32 v21, $0x0  }
.Ltmp4:
0x214: {  	v27 =	vsub.f32 $1.000000000e+00, v18;
	v21 =	vsel vm5, $0x33D6BF95, v2;
	v16 =	vsel vm5, $0xFFFFEE40, v3;
	[tilespmem:v14+s24+$0x0] =	vst.idx.add.f32.msk vm3, v1;
	(pc) =	sbr.rel @p0 .LBB2_10-.Ltmp4, $4  }
0x215: {  	vm2 =	vgt.s32 v23, $0x0;
	v20 =	vsel vm5, v20, v25;
	vm5 =	vgt.s32 v10, $0x0;
	[tilespmem:v14+s25+$0x0] =	vst.idx.add.f32.msk vm3, v19  }
0x216: {  	v10 =	vmax.f32 v20, v21;
	v18 =	vsel vm5, v18, v27;
	v19 =	vsel vm5, $0x33D6BF95, v2;
	[tilespmem:v24+s26+$0x0] =	vst.idx.add.f32.msk vm4, v1  }
0x217: {  	v14 =	vmax.f32 v17, v26;
	vm3 =	vgt.s32 v13, $0x0;
	v13 =	vmax.f32 v18, v19;
	[tilespmem:v24+s28+$0x0] =	vst.idx.add.f32.msk vm4, v22  }
0x218: {  	v19 =	vshra.s32 v14, $0x11;
	v18 =	vsel vm5, $0xFFFFEE40, v3;
	v17 =	vshra.s32 v13, $0x11;
	[tilespmem:v9+s29+$0x0] =	vst.idx.add.f32.msk vm1, v1  }
0x219: {  	_ =	sdelay $0x2  }
0x21a: {  	v15 =	vadd.s32 v15, v19  }
0x21b: {  	v19 =	vshra.s32 v10, $0x11;
	v20 =	vsub.f32 $1.000000000e+00, v11  }
0x21c: {  	vm4 =	vgt.s32 v12, $0x0;
	[tilespmem:v9+s30+$0x0] =	vst.idx.add.f32.msk vm1, v6;
	v16 =	vadd.s32 v16, v19  }
0x21d: {  	vm14 =	vgt.s32 v5, $0x0;
	v6 =	vsel vm4, $0x33D6BF95, v2;
	[tilespmem:v8+s31+$0x0] =	vst.idx.add.f32.msk vm0, v1;
	v5 =	vsel vm4, v11, v20  }
0x21e: {  	v9 =	vadd.s32 v18, v17;
	[tilespmem:v8+s1+$0x0] =	vst.idx.add.f32.msk vm0, v7;
	v5 =	vmax.f32 v5, v6  }
0x21f: {  	vm15 =	vgt.s32 v4, $0x0;
	v6 =	vsel vm4, $0xFFFFEE40, v3;
	v7 =	vshra.s32 v5, $0x11;
	[tilespmem:v15+s0+$0x0] =	vst.idx.add.f32.msk vm2, v1  }
0x220: {  	v4 =	vadd.s32 v6, v7;
	[tilespmem:v15+s18+$0x0] =	vst.idx.add.f32.msk vm2, v14  }
0x221: {  	[tilespmem:v16+s19+$0x0] =	vst.idx.add.f32.msk vm3, v1  }
0x222: {  	[tilespmem:v16+s20+$0x0] =	vst.idx.add.f32.msk vm3, v10  }
0x223: {  	[tilespmem:v9+s21+$0x0] =	vst.idx.add.f32.msk vm14, v1  }
0x224: {  	[tilespmem:v9+s22+$0x0] =	vst.idx.add.f32.msk vm14, v13  }
0x225: {  	[tilespmem:v4+s3+$0x0] =	vst.idx.add.f32.msk vm15, v1  }
0x226: {  	[tilespmem:v4+s4+$0x0] =	vst.idx.add.f32.msk vm15, v5  }
0x227: {  	v4 =	vld [tilespmem:s9+$0xD000]  }
0x228: {  	v5 =	vld [tilespmem:s9+$0xE000]  }
0x229: {  	v6 =	vld [tilespmem:s9+$0xF000]  }
0x22a: {  	v7 =	vld [tilespmem:s9+$0x10000]  }
0x22b: {  	v8 =	vld [tilespmem:s9+$0x11000]  }
0x22c: {  	v9 =	vld [tilespmem:s9+$0x12000]  }
0x22d: {  	v10 =	vld [tilespmem:s9+$0x13000]  }
0x22e: {  	v16 =	vld [tilespmem:s9+$0x15000]  }
0x22f: {  	v11 =	vld [tilespmem:s9+$0x16000]  }
0x230: {  	v12 =	vld [tilespmem:s9+$0x17000]  }
0x231: {  	v13 =	vld [tilespmem:s9+$0x18000]  }
0x232: {  	v14 =	vld [tilespmem:s9+$0x19000]  }
0x233: {  	v15 =	vld [tilespmem:s9+$0x1A000]  }
0x234: {  	v17 =	vld [tilespmem:s9+$0x1B000]  }
0x235: {  	v23 =	vld [tilespmem:s9+$0xD010]  }
0x236: {  	v18 =	vld [tilespmem:s9+$0xE010]  }
0x237: {  	v19 =	vld [tilespmem:s9+$0xF010]  }
0x238: {  	v20 =	vld [tilespmem:s9+$0x10010]  }
0x239: {  	v21 =	vld [tilespmem:s9+$0x11010]  }
0x23a: {  	v22 =	vld [tilespmem:s9+$0x12010]  }
0x23b: {  	v24 =	vld [tilespmem:s9+$0x13010]  }
0x23c: {  	v25 =	vld [tilespmem:s9+$0x16010]  }
0x23d: {  	v26 =	vld [tilespmem:s9+$0x17010]  }
0x23e: {  	v27 =	vld [tilespmem:s9+$0x18010]  }
0x23f: {  	v28 =	vld [tilespmem:s9+$0x19010]  }
0x240: {  	v29 =	vld [tilespmem:s9+$0x1A010]  }
0x241: {  	v30 =	vld [tilespmem:s9+$0x1B010]  }
0x242: {  	v31 =	vld [tilespmem:s9+$0xE020]  }
0x243: {  	v32 =	vld [tilespmem:s9+$0xF020]  }
0x244: {  	v33 =	vld [tilespmem:s9+$0x10020]  }
0x245: {  	v34 =	vld [tilespmem:s9+$0x11020]  }
0x246: {  	v35 =	vld [tilespmem:s9+$0x12020]  }
0x247: {  	v36 =	vld [tilespmem:s9+$0x13020]  }
0x248: {  	v37 =	vld [tilespmem:s9+$0x16020]  }
0x249: {  	v38 =	vld [tilespmem:s9+$0x17020]  }
0x24a: {  	v39 =	vld [tilespmem:s9+$0x18020]  }
0x24b: {  	v40 =	vld [tilespmem:s9+$0x19020]  }
0x24c: {  	v41 =	vld [tilespmem:s9+$0x1A020]  }
0x24d: {  	v42 =	vld [tilespmem:s9+$0x1B020]  }
0x24e: {  	v43 =	vld [tilespmem:s9+$0xE030]  }
0x24f: {  	v44 =	vld [tilespmem:s9+$0xF030]  }
0x250: {  	v45 =	vld [tilespmem:s9+$0x10030]  }
0x251: {  	v46 =	vld [tilespmem:s9+$0x11030]  }
0x252: {  	v47 =	vld [tilespmem:s9+$0x12030]  }
0x253: {  	v48 =	vld [tilespmem:s9+$0x13030];
	v6 =	vadd.f32 v6, v5;
	v5 =	vadd.f32 v8, v7  }
0x254: {  	v57 =	vld [tilespmem:s9+$0xC000];
	v49 =	vadd.f32 v10, v9;
	v50 =	vadd.f32 v12, v11  }
0x255: {  	v11 =	vld [tilespmem:s9+$0x16030];
	v14 =	vadd.f32 v14, v13;
	v15 =	vadd.f32 v17, v15  }
0x256: {  	v17 =	vld [tilespmem:s9+$0x17030];
	v51 =	vadd.f32 v19, v18;
	v18 =	vadd.f32 v21, v20  }
0x257: {  	v19 =	vld [tilespmem:s9+$0x18030];
	v20 =	vadd.f32 v24, v22;
	v10 =	vadd.f32 v26, v25  }
0x258: {  	v21 =	vld [tilespmem:s9+$0x19030];
	v24 =	vadd.f32 v28, v27;
	v25 =	vadd.f32 v30, v29  }
0x259: {  	v22 =	vld [tilespmem:s9+$0x1A030];
	v7 =	vadd.f32 v32, v31;
	v26 =	vadd.f32 v34, v33  }
0x25a: {  	v27 =	vld [tilespmem:s9+$0x1B030];
	v29 =	vadd.f32 v36, v35;
	v8 =	vadd.f32 v38, v37  }
0x25b: {  	v59 =	vld [tilespmem:s9+$0x14000];
	v54 =	vadd.f32 v40, v39;
	v55 =	vadd.f32 v42, v41  }
0x25c: {  	v62 =	vld [tilespmem:s9+$0xC010];
	v9 =	vadd.f32 v44, v43;
	v56 =	vadd.f32 v46, v45  }
0x25d: {  	v63 =	vld [tilespmem:s9+$0x14010];
	v58 =	vadd.f32 v48, v47;
	v4 =	vadd.f32 v4, v57  }
0x25e: {  	v28 =	vld [tilespmem:s9+$0x15010];
	v61 =	vadd.f32 v49, v5;
	v11 =	vadd.f32 v17, v11  }
0x25f: {  	v12 =	vld [tilespmem:s9+$0xD020];
	v60 =	vadd.f32 v21, v19;
	v27 =	vadd.f32 v27, v22  }
0x260: {  	v13 =	vld [tilespmem:s9+$0x15020];
	v22 =	vadd.f32 v15, v14;
	v21 =	vadd.f32 v20, v18  }
0x261: {  	v5 =	vld [tilespmem:s9+$0xC020];
	v20 =	vadd.f32 v25, v24;
	v17 =	vadd.f32 v29, v26  }
0x262: {  	v15 =	vadd.f32 v55, v54;
	v19 =	vld [tilespmem:s9+$0xD030];
	v14 =	vadd.f32 v58, v56  }
0x263: {  	v18 =	vld [tilespmem:s9+$0x15030];
	v24 =	vadd.f32 v16, v59;
	v25 =	vadd.f32 v6, v4  }
0x264: {  	v16 =	vadd.f32 v27, v60;
	v27 =	vadd.f32 v23, v62;
	v23 =	vld [tilespmem:s9+$0x14020]  }
0x265: {  	v26 =	vadd.f32 v28, v63;
	v6 =	vld [tilespmem:s9+$0xC030];
	v4 =	vadd.f32 v50, v24  }
0x266: {  	s10 =	simm.s32 $0x0;
	s11 =	simm.s32 $0x100;
	v25 =	vadd.f32 v61, v25;
	v24 =	vld [tilespmem:s9+$0x14030];
	v27 =	vadd.f32 v51, v27  }
.LBB2_12:
0x267: {  	s12 =	sshra.s32 s11, $0x2;
	v22 =	vadd.f32 v22, v4;
	v10 =	vadd.f32 v10, v26  }
0x268: {  	v4 =	vld [tilespmem:s12+$0xD000];
	v21 =	vadd.f32 v21, v27;
	v5 =	vadd.f32 v12, v5  }
0x269: {  	v12 =	vld [tilespmem:s12+$0xE000];
	v10 =	vadd.f32 v20, v10;
	v13 =	vadd.f32 v13, v23  }
0x26a: {  	v20 =	vld [tilespmem:s12+$0xF000];
	[tilespmem:s9+$0xC000] =	vst v25;
	v5 =	vadd.f32 v7, v5;
	v6 =	vadd.f32 v19, v6  }
0x26b: {  	v7 =	vld [tilespmem:s12+$0x10000];
	[tilespmem:s9+$0x14000] =	vst v22;
	v8 =	vadd.f32 v8, v13;
	v13 =	vadd.f32 v18, v24  }
0x26c: {  	v18 =	vld [tilespmem:s12+$0x11000];
	[tilespmem:s9+$0xC010] =	vst v21;
	v5 =	vadd.f32 v17, v5;
	v6 =	vadd.f32 v9, v6  }
0x26d: {  	v9 =	vld [tilespmem:s12+$0x12000];
	[tilespmem:s9+$0x14010] =	vst v10;
	v8 =	vadd.f32 v15, v8;
	v10 =	vadd.f32 v11, v13  }
0x26e: {  	v11 =	vld [tilespmem:s12+$0x13000];
	[tilespmem:s9+$0xC020] =	vst v5;
	v6 =	vadd.f32 v14, v6  }
0x26f: {  	v5 =	vld [tilespmem:s12+$0x15000];
	[tilespmem:s9+$0x14020] =	vst v8;
	v8 =	vadd.f32 v16, v10  }
0x270: {  	v10 =	vld [tilespmem:s12+$0x16000];
	[tilespmem:s9+$0xC030] =	vst v6  }
0x271: {  	v13 =	vld [tilespmem:s12+$0x17000];
	[tilespmem:s9+$0x14030] =	vst v8;
	s9 =	smov.u32 s12  }
0x272: {  	v8 =	vld [tilespmem:s9+$0x18000]  }
0x273: {  	v14 =	vld [tilespmem:s9+$0x19000]  }
0x274: {  	v15 =	vld [tilespmem:s9+$0x1A000]  }
0x275: {  	v16 =	vld [tilespmem:s9+$0x1B000]  }
0x276: {  	v6 =	vld [tilespmem:s9+$0xD010]  }
0x277: {  	v17 =	vld [tilespmem:s9+$0xE010]  }
0x278: {  	v19 =	vld [tilespmem:s9+$0xF010]  }
0x279: {  	v21 =	vld [tilespmem:s9+$0x10010]  }
0x27a: {  	v22 =	vld [tilespmem:s9+$0x11010]  }
0x27b: {  	v23 =	vld [tilespmem:s9+$0x12010]  }
0x27c: {  	v24 =	vld [tilespmem:s9+$0x13010]  }
0x27d: {  	v25 =	vld [tilespmem:s9+$0x16010]  }
0x27e: {  	v26 =	vld [tilespmem:s9+$0x17010]  }
0x27f: {  	v27 =	vld [tilespmem:s9+$0x18010]  }
0x280: {  	v28 =	vld [tilespmem:s9+$0x19010]  }
0x281: {  	v29 =	vld [tilespmem:s9+$0x1A010]  }
0x282: {  	v30 =	vld [tilespmem:s9+$0x1B010]  }
0x283: {  	v31 =	vld [tilespmem:s9+$0xE020]  }
0x284: {  	v32 =	vld [tilespmem:s9+$0xF020]  }
0x285: {  	v33 =	vld [tilespmem:s9+$0x10020]  }
0x286: {  	v34 =	vld [tilespmem:s9+$0x11020]  }
0x287: {  	v35 =	vld [tilespmem:s9+$0x12020]  }
0x288: {  	v36 =	vld [tilespmem:s9+$0x13020]  }
0x289: {  	v37 =	vld [tilespmem:s9+$0x16020]  }
0x28a: {  	v38 =	vld [tilespmem:s9+$0x17020]  }
0x28b: {  	v39 =	vld [tilespmem:s9+$0x18020]  }
0x28c: {  	v40 =	vld [tilespmem:s9+$0x19020]  }
0x28d: {  	v41 =	vld [tilespmem:s9+$0x1A020]  }
0x28e: {  	v42 =	vld [tilespmem:s9+$0x1B020]  }
0x28f: {  	v43 =	vld [tilespmem:s9+$0xE030]  }
0x290: {  	v44 =	vld [tilespmem:s9+$0xF030]  }
0x291: {  	v45 =	vld [tilespmem:s9+$0x10030]  }
0x292: {  	v46 =	vld [tilespmem:s9+$0x11030]  }
0x293: {  	v47 =	vld [tilespmem:s9+$0x12030]  }
0x294: {  	v48 =	vadd.f32 v20, v12;
	v18 =	vadd.f32 v18, v7;
	v20 =	vld [tilespmem:s9+$0x13030]  }
0x295: {  	v49 =	vadd.f32 v11, v9;
	v50 =	vadd.f32 v13, v10;
	v11 =	vld [tilespmem:s9+$0x16030]  }
0x296: {  	v14 =	vadd.f32 v14, v8;
	v15 =	vadd.f32 v16, v15;
	v16 =	vld [tilespmem:s9+$0x17030]  }
0x297: {  	v51 =	vadd.f32 v19, v17;
	v17 =	vadd.f32 v22, v21;
	v19 =	vld [tilespmem:s9+$0x18030]  }
0x298: {  	v21 =	vadd.f32 v24, v23;
	v10 =	vadd.f32 v26, v25;
	v22 =	vld [tilespmem:s9+$0x19030]  }
0x299: {  	v23 =	vadd.f32 v28, v27;
	v24 =	vadd.f32 v30, v29;
	v25 =	vld [tilespmem:s9+$0x1A030]  }
0x29a: {  	v7 =	vadd.f32 v32, v31;
	v26 =	vadd.f32 v34, v33;
	v27 =	vld [tilespmem:s9+$0x1B030]  }
0x29b: {  	v29 =	vadd.f32 v36, v35;
	v8 =	vadd.f32 v38, v37;
	v28 =	vld [tilespmem:s9+$0x15010]  }
0x29c: {  	v30 =	vadd.f32 v40, v39;
	v31 =	vadd.f32 v42, v41;
	v12 =	vld [tilespmem:s9+$0xD020]  }
0x29d: {  	v9 =	vadd.f32 v44, v43;
	v32 =	vadd.f32 v46, v45;
	v13 =	vld [tilespmem:s9+$0x15020]  }
0x29e: {  	v34 =	vadd.f32 v20, v47;
	v11 =	vadd.f32 v16, v11;
	v33 =	vld [tilespmem:s9+$0xC000]  }
0x29f: {  	v35 =	vadd.f32 v22, v19;
	v16 =	vld [tilespmem:s9+$0x14000];
	v25 =	vadd.f32 v27, v25  }
0x2a0: {  	v22 =	vadd.f32 v15, v14;
	v27 =	vadd.f32 v49, v18;
	v36 =	vld [tilespmem:s9+$0xC010]  }
0x2a1: {  	s10 =	sadd.s32 $0x4, s10;
	v21 =	vadd.f32 v21, v17;
	v20 =	vadd.f32 v24, v23;
	v37 =	vld [tilespmem:s9+$0x14010]  }
0x2a2: {  	p0 =	slt.u32 s10, $0xFC;
	v17 =	vadd.f32 v29, v26;
	v15 =	vadd.f32 v31, v30;
	v19 =	vld [tilespmem:s9+$0xD030]  }
.Ltmp5:
0x2a3: {  	v14 =	vadd.f32 v34, v32;
	v4 =	vadd.f32 v4, v33;
	v18 =	vld [tilespmem:s9+$0x15030];
	(pc) =	sbr.rel @p0 .LBB2_12-.Ltmp5, $4  }
0x2a4: {  	v24 =	vadd.f32 v5, v16;
	v5 =	vld [tilespmem:s9+$0xC020];
	v16 =	vadd.f32 v25, v35  }
0x2a5: {  	v25 =	vadd.f32 v48, v4;
	v29 =	vadd.f32 v6, v36;
	v23 =	vld [tilespmem:s9+$0x14020]  }
0x2a6: {  	v4 =	vadd.f32 v50, v24;
	v26 =	vadd.f32 v28, v37;
	v6 =	vld [tilespmem:s9+$0xC030]  }
0x2a7: {  	s11 =	sadd.s32 $0x100, s11;
	v25 =	vadd.f32 v27, v25;
	v27 =	vadd.f32 v51, v29;
	v24 =	vld [tilespmem:s9+$0x14030]  }
0x2a8: {  	v4 =	vadd.f32 v22, v4;
	v10 =	vadd.f32 v10, v26  }
0x2a9: {  	v21 =	vadd.f32 v21, v27;
	v5 =	vadd.f32 v12, v5  }
0x2aa: {  	v10 =	vadd.f32 v20, v10;
	v62 =	vadd.f32 v13, v23  }
0x2ab: {  	[tilespmem:s9+$0xC000] =	vst v25;
	v5 =	vadd.f32 v7, v5;
	v6 =	vadd.f32 v19, v6  }
0x2ac: {  	[tilespmem:s9+$0x14000] =	vst v4;
	v4 =	vadd.f32 v8, v62;
	v63 =	vadd.f32 v18, v24  }
0x2ad: {  	[tilespmem:s9+$0xC010] =	vst v21;
	v5 =	vadd.f32 v17, v5;
	v6 =	vadd.f32 v9, v6  }
0x2ae: {  	[tilespmem:s9+$0x14010] =	vst v10;
	v4 =	vadd.f32 v15, v4;
	v7 =	vadd.f32 v11, v63  }
0x2af: {  	[tilespmem:s9+$0xC020] =	vst v5;
	v5 =	vadd.f32 v14, v6  }
0x2b0: {  	[tilespmem:s9+$0x14020] =	vst v4;
	v4 =	vadd.f32 v16, v7  }
0x2b1: {  	[tilespmem:s9+$0xC030] =	vst v5  }
0x2b2: {  	[tilespmem:s9+$0x14030] =	vst v4  }
0x2b3: {  	[hbm4b:s15+s6] =	stream.strided.scatter [tilespmem:s24], [sflag:$0x3], $0x1000, s7, s6, $0x38;
	[tilespmem:$0x1C000] =	vst v63  }
0x2b4: {  	s2 =	sadd.s32 $0x1, s2;
	_ =	swait.ge [sflag:s8], $0x1000  }
0x2b5: {  	p0 =	sne.s32 s2, s17;
	[sflag:s8] =	ssyncset.done $0x0  }
.Ltmp6:
0x2b6: {  	[sflag:s8] =	ssyncadd.s32 $0xFFFFF000;
	(pc) =	sbr.rel @p0 .LBB2_1-.Ltmp6, $4  }
0x2b7: {  	[hbm4b:s16+s6] =	stream.strided.scatter [tilespmem:s25], [sflag:$0x3], $0x1000, s7, s6, $0x38;
	[tilespmem:$0x1C000] =	vst v63  }
0x2b8: {  	_ =	swait.ge [sflag:s8], $0x1000  }
0x2b9: {  	[sflag:s8] =	ssyncset.done $0x0  }
0x2ba: {  	s12 =	simm.s32 $0x2000;
	[sflag:s8] =	ssyncadd.s32 $0xFFFFF000  }
0x2bb: {  	_ =	sfence.sel $0x180000  }
0x2bc: {  	[bflag:$0x0] =	sbarrier.arrive $0xFFFF  }
0x2bd: {  	_ =	strace $0x90000047  }
0x2be: {  	s0 =	stileid.u32;
	[bflag:$0x2] =	sbarrier.arrive $0xFFFF  }
0x2bf: {  	p0 =	sne.s32 s0, $0x0;
	s0 =	rddreg [dreg:$0x1]  }
0x2c0: {  	s0 =	sadd.s32 @!p0 $0x100000, s0  }
0x2c1: {  	[sflag:s0] =	ssyncadd.tile.s32 @!p0 $0x1;
	_ =	shalt  }
.Lfunc_end2:
_tile_overlayer_lowered:
.L_overlay_start_2:
0x2c2: {  	(tag) =	ssettag $0x2  }
0x2c3: {  	s0 =	rddreg [dreg:$0x0];
	s2 =	stileid.u32  }
0x2c4: {  	s1 =	rddreg [dreg:$0x1];
	p0 =	sne.s32 s2, $0x0  }
0x2c5: {  	s3 =	rddreg [dreg:$0x2];
	[bflag:$0x3] =	sbarrier.arrive $0xFFFF;
	s2 =	simm.s32 @!p0 $0x1C03  }
0x2c6: {  	[timem:s3], [sflag:s2] =	dma.local @!p0 [hbm:s0], s1  }
0x2c7: {  	s0 =	simm.s32 @!p0 $0x3  }
0x2c8: {  	_ =	swait.ge @!p0 [sflag:s0], s1  }
0x2c9: {  	s1 =	ssub.s32 @!p0 $0x0, s1;
	[sflag:s0] =	ssyncset.done @!p0 $0x0  }
0x2ca: {  	[sflag:s0] =	ssyncadd.s32 @!p0 s1  }
0x2cb: {  	[bflag:$0x3] =	sbarrier.arrive $0xFFFF  }
0x2cc: {  	_ =	shalt  }

</sc_bundles>
